<compile_context>
chip_gen: v7x
topology: tpu7x:2x2x1
jax: 0.10.2.dev20260603
libtpu: 0.0.44.dev20260713+nightly
codegen_flags: <defaults>
</compile_context>

<pallas_src>
import dataclasses
import functools

import jax
import jax.numpy as jnp
from jax import lax
from jax.experimental import pallas as pl
from jax.experimental.pallas import tpu as pltpu
from jax.experimental.pallas import tpu_sc as plsc

B, K, D_H, NUM_AGENTS = 4096, 100, 128, 1000
NW = 32
LANES = 16
KC = 7
SIGS = 104



def _sc_aggregate(h, sigma, keys, b_off, b_count):
    ns_per = b_count // NW
    sigp = jnp.pad(sigma.astype(jnp.int32), ((0, 0), (0, SIGS - K)))
    sigf = sigp.reshape(B * SIGS)
    keys_f = keys.astype(jnp.float32)

    mesh = plsc.VectorSubcoreMesh(core_axis_name="c", subcore_axis_name="s")
    cp = pltpu.CompilerParams()
    if "needs_layout_passes" in pltpu.CompilerParams.__dataclass_fields__:
        cp = dataclasses.replace(cp, needs_layout_passes=False)

    @functools.partial(
        pl.kernel,
        compiler_params=cp,
        out_type=jax.ShapeDtypeStruct((b_count * D_H,), jnp.float32),
        mesh=mesh,
        scratch_types=[
            pltpu.VMEM((ns_per * SIGS,), jnp.int32),
            pltpu.VMEM((K, D_H), jnp.float32),
            pltpu.VMEM((K, D_H), jnp.float32),
            pltpu.VMEM((K, D_H), jnp.float32),
            pltpu.VMEM((K, D_H), jnp.float32),
            pltpu.VMEM((KC * LANES,), jnp.float32),
            pltpu.VMEM((ns_per * D_H,), jnp.float32),
            pltpu.SemaphoreType.DMA,
            pltpu.SemaphoreType.DMA,
            pltpu.SemaphoreType.DMA,
            pltpu.SemaphoreType.DMA,
        ],
    )
    def sc_kernel(h_hbm, sig_hbm, keys_hbm, out_hbm,
                  sig_v, h_v0, h_v1, g_v0, g_v1, lg_v, out_v,
                  sem_h0, sem_h1, sem_g0, sem_g1):
        wid = lax.axis_index("s") * 2 + lax.axis_index("c")
        base = b_off + wid * ns_per

        pltpu.sync_copy(sig_hbm.at[pl.ds(base * SIGS, ns_per * SIGS)], sig_v)

        def issue(j, h_buf, g_buf, sem_h, sem_g):
            jj = jnp.minimum(j, ns_per - 1)
            pltpu.async_copy(h_hbm.at[base + jj], h_buf, sem_h)
            pltpu.async_copy(
                keys_hbm.at[sig_v.at[pl.ds(jj * SIGS, K)]], g_buf, sem_g)

        def drain(h_buf, g_buf, sem_h, sem_g):
            pltpu.make_async_copy(h_hbm.at[0], h_buf, sem_h).wait()
            pltpu.make_async_copy(h_hbm.at[0], g_buf, sem_g).wait()

        lane = lax.iota(jnp.int32, LANES)

        def compute(j, h_v, g_v):
            skew = lane * 8
            for c in range(KC):
                slot = jnp.minimum(lane + c * LANES, K - 1)

                def dot_body(i, acc):
                    for u in range(4):
                        dv = (skew + (i * 4 + u)) & (D_H - 1)
                        hv = plsc.load_gather(h_v, [slot, dv])
                        kv = plsc.load_gather(g_v, [slot, dv])
                        acc = acc + hv * kv
                    return acc

                acc = lax.fori_loop(
                    0, D_H // 4, dot_body, jnp.zeros((LANES,), jnp.float32))
                if c == KC - 1:
                    acc = jnp.where(lane < K - (KC - 1) * LANES, acc,
                                    jnp.float32(-1e9))
                lg_v[pl.ds(c * LANES, LANES)] = acc

            zacc = jnp.zeros((LANES,), jnp.float32)
            for c in range(KC):
                ev = jnp.exp(lg_v[pl.ds(c * LANES, LANES)])
                lg_v[pl.ds(c * LANES, LANES)] = ev
                zacc = zacc + ev
            z = jnp.sum(zacc)
            zinv = 1.0 / (jnp.zeros((LANES,), jnp.float32) + z)
            for c in range(KC):
                lg_v[pl.ds(c * LANES, LANES)] = (
                    lg_v[pl.ds(c * LANES, LANES)] * zinv)

            def pool_body(k, accs):
                a = plsc.load_gather(lg_v, [jnp.zeros((LANES,), jnp.int32) + k])
                return tuple(
                    accs[c8] + a * h_v[k, pl.ds(c8 * LANES, LANES)]
                    for c8 in range(8))

            accs = lax.fori_loop(
                0, K, pool_body,
                tuple(jnp.zeros((LANES,), jnp.float32) for _ in range(8)))
            for c8 in range(8):
                out_v[pl.ds(j * D_H + c8 * LANES, LANES)] = accs[c8]

        issue(0, h_v0, g_v0, sem_h0, sem_g0)

        @pl.loop(0, ns_per, step=2)
        def _(j):
            issue(j + 1, h_v1, g_v1, sem_h1, sem_g1)
            drain(h_v0, g_v0, sem_h0, sem_g0)
            compute(j, h_v0, g_v0)
            issue(j + 2, h_v0, g_v0, sem_h0, sem_g0)
            drain(h_v1, g_v1, sem_h1, sem_g1)
            compute(j + 1, h_v1, g_v1)

        drain(h_v0, g_v0, sem_h0, sem_g0)

        pltpu.sync_copy(
            out_v, out_hbm.at[pl.ds(wid * ns_per * D_H, ns_per * D_H)])

    out = sc_kernel(h, sigf, keys_f)
    return out.reshape(b_count, D_H)



@jax.jit
def kernel(h, sigma, keys):
    return _sc_aggregate(h, sigma, keys, 0, B)

# --- scband reference (transcript-rebuilt; emitter-appended) ---
"""Pipeline reference for scband-block-diagonal-aggregator-2190433321665 (READ-ONLY COPY).

The authoritative reference and input builder live on the scoring server;
editing this copy changes nothing except your own understanding.
"""

import jax, jax.numpy as jnp
import numpy as np

B, K, D_H, NUM_AGENTS = 4096, 100, 128, 1000


def setup_inputs(seed: int = 0) -> dict:
    key = jax.random.key(seed)
    k1, k2, k3 = jax.random.split(key, 3)
    h = jax.random.normal(k1, (B, K, D_H), dtype=jnp.float32)
    # sigma[b, k] = agent id owning slot k of sample b; values in [0, NUM_AGENTS)
    # (a negative value would denote 'unassigned', mirroring the string check in torch)
    sigma = jax.random.randint(k2, (B, K), 0, NUM_AGENTS)
    # per-agent attention keys, initialised with std=0.01 like nn.init.normal_(key, std=0.01)
    keys = jax.random.normal(k3, (NUM_AGENTS, D_H), dtype=jnp.float32) * 0.01
    return {"h": h, "sigma": sigma, "keys": keys}


def reference(h, sigma, keys):
    # gather each slot's agent key: keys[sigma[b,k]] -> (B, K, d_h)
    gathered = jnp.take(keys, jnp.clip(sigma, 0, keys.shape[0] - 1), axis=0)
    # logit_{b,k} = w_{sigma(b,k)}^T h_{b,k}
    logits = jnp.einsum('bkd,bkd->bk', gathered, h)
    # unassigned slots (sigma < 0) get -1e9, matching the torch neg_inf branch
    logits = jnp.where(sigma >= 0, logits, jnp.float32(-1e9))
    alpha = jax.nn.softmax(logits, axis=1)[..., None]  # (B, K, 1)
    return jnp.sum(alpha * h, axis=1)  # (B, d_h)

if __name__ == "__main__":
    import jax
    _d = setup_inputs()
    print(jax.jit(kernel)(*tuple(_d.values())))

</pallas_src>

<mosaic_0001>
#map = affine_map<(d0, d1) -> (0, 0, 0)>
#map1 = affine_map<(d0, d1) -> (0)>
#map2 = affine_map<(d0, d1) -> (0, 0)>
module attributes {stable_mosaic.version = 14 : i64} {
  func.func @sc_kernel(%arg0: i32, %arg1: i32, %arg2: memref<4096x100x128xf32, #tpu.memory_space<hbm>>, %arg3: memref<425984xi32, #tpu.memory_space<hbm>>, %arg4: memref<1000x128xf32, #tpu.memory_space<hbm>>, %arg5: memref<524288xf32, #tpu.memory_space<hbm>>, %arg6: memref<13312xi32, #tpu.memory_space<vmem>>, %arg7: memref<100x128xf32, #tpu.memory_space<vmem>>, %arg8: memref<100x128xf32, #tpu.memory_space<vmem>>, %arg9: memref<100x128xf32, #tpu.memory_space<vmem>>, %arg10: memref<100x128xf32, #tpu.memory_space<vmem>>, %arg11: memref<112xf32, #tpu.memory_space<vmem>>, %arg12: memref<16384xf32, #tpu.memory_space<vmem>>, %arg13: memref<!tpu.dma_semaphore, #tpu.memory_space<semaphore_mem>>, %arg14: memref<!tpu.dma_semaphore, #tpu.memory_space<semaphore_mem>>, %arg15: memref<!tpu.dma_semaphore, #tpu.memory_space<semaphore_mem>>, %arg16: memref<!tpu.dma_semaphore, #tpu.memory_space<semaphore_mem>>) attributes {dimension_semantics = [#tpu.dimension_semantics<core_parallel>, #tpu.dimension_semantics<subcore_parallel>], iteration_bounds = array<i64: 2, 16>, scalar_prefetch = 0 : i64, scratch_operands = 11 : i64, tpu.core_type = #tpu.core_type<sc_vector_subcore>, window_params = [{transform_indices = #map}, {transform_indices = #map1}, {transform_indices = #map2}, {transform_indices = #map1}]} {
    %mul3A = arith.constant 2 : i32
    %mul3A_0 = arith.muli %arg1, %mul3A : i32
    %add3A = arith.addi %mul3A_0, %arg0 : i32
    %mul3A_1 = arith.constant 128 : i32
    %mul3A_2 = arith.muli %add3A, %mul3A_1 : i32
    %add3A_3 = arith.constant 0 : i32
    %add3A_4 = arith.addi %add3A_3, %mul3A_2 : i32
    %mul3A_5 = arith.constant 104 : i32
    %mul3A_6 = arith.muli %add3A_4, %mul3A_5 : i32
    "tpu.region"() ({
      %run_scoped3A = tpu.sem_alloc : memref<!tpu.dma_semaphore, #tpu.memory_space<semaphore_mem>>
      %dma_start3A_48 = tpu.memref_slice %arg3[%mul3A_6] : memref<425984xi32, #tpu.memory_space<hbm>> -> memref<13312xi32, #tpu.memory_space<hbm>>
      %dma_start3A_49 = tpu.memref_slice %arg3[%mul3A_6] : memref<425984xi32, #tpu.memory_space<hbm>> -> memref<13312xi32, #tpu.memory_space<hbm>>
      tpu.enqueue_dma source(%dma_start3A_49 : memref<13312xi32, #tpu.memory_space<hbm>>) target(%arg6 : memref<13312xi32, #tpu.memory_space<vmem>>) target_semaphore(%run_scoped3A : memref<!tpu.dma_semaphore, #tpu.memory_space<semaphore_mem>>)
      %dma_wait3A_50 = tpu.memref_slice %arg3[%mul3A_6] : memref<425984xi32, #tpu.memory_space<hbm>> -> memref<13312xi32, #tpu.memory_space<hbm>>
      %dma_wait3A_51 = tpu.memref_slice %arg3[%mul3A_6] : memref<425984xi32, #tpu.memory_space<hbm>> -> memref<13312xi32, #tpu.memory_space<hbm>>
      tpu.wait_dma2 semaphore(%run_scoped3A : memref<!tpu.dma_semaphore, #tpu.memory_space<semaphore_mem>>) src(%dma_wait3A_51 : memref<13312xi32, #tpu.memory_space<hbm>>) dst(%arg6 : memref<13312xi32, #tpu.memory_space<vmem>>)
      tpu.yield
    }) : () -> ()
    %iota3A = tpu.iota {dimensions = array<i32: 0>} : vector<16xi32>
    %min3A = arith.constant 0 : i32
    %min3A_7 = arith.constant 127 : i32
    %min3A_8 = arith.minsi %min3A, %min3A_7 : i32
    %add3A_9 = arith.addi %add3A_4, %min3A_8 : i32
    %dma_start3A = arith.constant 0 : i32
    %dma_start3A_10 = arith.constant 0 : i32
    %dma_start3A_11 = tpu.memref_slice %arg2[%add3A_9, %dma_start3A, %dma_start3A_10] : memref<4096x100x128xf32, #tpu.memory_space<hbm>> -> memref<1x100x128xf32, #tpu.memory_space<hbm>>
    %dma_start3A_12 = tpu.memref_squeeze %dma_start3A_11 : memref<1x100x128xf32, #tpu.memory_space<hbm>> -> memref<100x128xf32, #tpu.memory_space<hbm>>
    %dma_start3A_13 = arith.constant 0 : i32
    %dma_start3A_14 = arith.constant 0 : i32
    %dma_start3A_15 = tpu.memref_slice %arg2[%add3A_9, %dma_start3A_13, %dma_start3A_14] : memref<4096x100x128xf32, #tpu.memory_space<hbm>> -> memref<1x100x128xf32, #tpu.memory_space<hbm>>
    %dma_start3A_16 = tpu.memref_squeeze %dma_start3A_15 : memref<1x100x128xf32, #tpu.memory_space<hbm>> -> memref<100x128xf32, #tpu.memory_space<hbm>>
    tpu.enqueue_dma source(%dma_start3A_16 : memref<100x128xf32, #tpu.memory_space<hbm>>) target(%arg7 : memref<100x128xf32, #tpu.memory_space<vmem>>) target_semaphore(%arg13 : memref<!tpu.dma_semaphore, #tpu.memory_space<semaphore_mem>>)
    %mul3A_17 = arith.constant 104 : i32
    %mul3A_18 = arith.muli %min3A_8, %mul3A_17 : i32
    %dma_start3A_19 = tpu.memref_slice %arg6[%mul3A_18] : memref<13312xi32, #tpu.memory_space<vmem>> -> memref<100xi32, #tpu.memory_space<vmem>>
    %dma_start3A_20 = arith.constant 0 : i32
    %dma_start3A_21 = arith.constant 0 : i32
    %dma_start3A_22 = tpu.memref_slice %arg4[%dma_start3A_20, %dma_start3A_21] : memref<1000x128xf32, #tpu.memory_space<hbm>> -> memref<1000x128xf32, #tpu.memory_space<hbm>>
    tpu.enqueue_indirect_dma source(%dma_start3A_22 : memref<1000x128xf32, #tpu.memory_space<hbm>>) target(%arg9 : memref<100x128xf32, #tpu.memory_space<vmem>>) offsets(%dma_start3A_19 : memref<100xi32, #tpu.memory_space<vmem>>) semaphore(%arg15 : memref<!tpu.dma_semaphore, #tpu.memory_space<semaphore_mem>>)
    %scan3A = arith.constant 0 : i32
    %scan3A_23 = arith.constant 64 : i32
    %scan3A_24 = arith.addi %scan3A, %scan3A_23 : i32
    %scan3A_25 = arith.constant 1 : i32
    scf.for %scan3A_48 = %scan3A to %scan3A_24 step %scan3A_25  : i32 {
      %mul3A_49 = arith.constant 2 : i32
      %mul3A_50 = arith.muli %scan3A_48, %mul3A_49 : i32
      %add3A_51 = arith.constant 0 : i32
      %add3A_52 = arith.addi %add3A_51, %mul3A_50 : i32
      %add3A_53 = arith.constant 1 : i32
      %add3A_54 = arith.addi %add3A_52, %add3A_53 : i32
      %min3A_55 = arith.constant 127 : i32
      %min3A_56 = arith.minsi %add3A_54, %min3A_55 : i32
      %add3A_57 = arith.addi %add3A_4, %min3A_56 : i32
      %dma_start3A_58 = arith.constant 0 : i32
      %dma_start3A_59 = arith.constant 0 : i32
      %dma_start3A_60 = tpu.memref_slice %arg2[%add3A_57, %dma_start3A_58, %dma_start3A_59] : memref<4096x100x128xf32, #tpu.memory_space<hbm>> -> memref<1x100x128xf32, #tpu.memory_space<hbm>>
      %dma_start3A_61 = tpu.memref_squeeze %dma_start3A_60 : memref<1x100x128xf32, #tpu.memory_space<hbm>> -> memref<100x128xf32, #tpu.memory_space<hbm>>
      %dma_start3A_62 = arith.constant 0 : i32
      %dma_start3A_63 = arith.constant 0 : i32
      %dma_start3A_64 = tpu.memref_slice %arg2[%add3A_57, %dma_start3A_62, %dma_start3A_63] : memref<4096x100x128xf32, #tpu.memory_space<hbm>> -> memref<1x100x128xf32, #tpu.memory_space<hbm>>
      %dma_start3A_65 = tpu.memref_squeeze %dma_start3A_64 : memref<1x100x128xf32, #tpu.memory_space<hbm>> -> memref<100x128xf32, #tpu.memory_space<hbm>>
      tpu.enqueue_dma source(%dma_start3A_65 : memref<100x128xf32, #tpu.memory_space<hbm>>) target(%arg8 : memref<100x128xf32, #tpu.memory_space<vmem>>) target_semaphore(%arg14 : memref<!tpu.dma_semaphore, #tpu.memory_space<semaphore_mem>>)
      %mul3A_66 = arith.constant 104 : i32
      %mul3A_67 = arith.muli %min3A_56, %mul3A_66 : i32
      %dma_start3A_68 = tpu.memref_slice %arg6[%mul3A_67] : memref<13312xi32, #tpu.memory_space<vmem>> -> memref<100xi32, #tpu.memory_space<vmem>>
      %dma_start3A_69 = arith.constant 0 : i32
      %dma_start3A_70 = arith.constant 0 : i32
      %dma_start3A_71 = tpu.memref_slice %arg4[%dma_start3A_69, %dma_start3A_70] : memref<1000x128xf32, #tpu.memory_space<hbm>> -> memref<1000x128xf32, #tpu.memory_space<hbm>>
      tpu.enqueue_indirect_dma source(%dma_start3A_71 : memref<1000x128xf32, #tpu.memory_space<hbm>>) target(%arg10 : memref<100x128xf32, #tpu.memory_space<vmem>>) offsets(%dma_start3A_68 : memref<100xi32, #tpu.memory_space<vmem>>) semaphore(%arg16 : memref<!tpu.dma_semaphore, #tpu.memory_space<semaphore_mem>>)
      %dma_wait3A_72 = arith.constant 0 : i32
      %dma_wait3A_73 = arith.constant 0 : i32
      %dma_wait3A_74 = arith.constant 0 : i32
      %dma_wait3A_75 = tpu.memref_slice %arg2[%dma_wait3A_72, %dma_wait3A_73, %dma_wait3A_74] : memref<4096x100x128xf32, #tpu.memory_space<hbm>> -> memref<1x100x128xf32, #tpu.memory_space<hbm>>
      %dma_wait3A_76 = tpu.memref_squeeze %dma_wait3A_75 : memref<1x100x128xf32, #tpu.memory_space<hbm>> -> memref<100x128xf32, #tpu.memory_space<hbm>>
      %dma_wait3A_77 = arith.constant 0 : i32
      %dma_wait3A_78 = arith.constant 0 : i32
      %dma_wait3A_79 = tpu.memref_slice %arg2[%dma_wait3A_72, %dma_wait3A_77, %dma_wait3A_78] : memref<4096x100x128xf32, #tpu.memory_space<hbm>> -> memref<1x100x128xf32, #tpu.memory_space<hbm>>
      %dma_wait3A_80 = tpu.memref_squeeze %dma_wait3A_79 : memref<1x100x128xf32, #tpu.memory_space<hbm>> -> memref<100x128xf32, #tpu.memory_space<hbm>>
      tpu.wait_dma2 semaphore(%arg13 : memref<!tpu.dma_semaphore, #tpu.memory_space<semaphore_mem>>) src(%dma_wait3A_80 : memref<100x128xf32, #tpu.memory_space<hbm>>) dst(%arg7 : memref<100x128xf32, #tpu.memory_space<vmem>>)
      %dma_wait3A_81 = arith.constant 0 : i32
      %dma_wait3A_82 = arith.constant 0 : i32
      %dma_wait3A_83 = arith.constant 0 : i32
      %dma_wait3A_84 = tpu.memref_slice %arg2[%dma_wait3A_81, %dma_wait3A_82, %dma_wait3A_83] : memref<4096x100x128xf32, #tpu.memory_space<hbm>> -> memref<1x100x128xf32, #tpu.memory_space<hbm>>
      %dma_wait3A_85 = tpu.memref_squeeze %dma_wait3A_84 : memref<1x100x128xf32, #tpu.memory_space<hbm>> -> memref<100x128xf32, #tpu.memory_space<hbm>>
      %dma_wait3A_86 = arith.constant 0 : i32
      %dma_wait3A_87 = arith.constant 0 : i32
      %dma_wait3A_88 = tpu.memref_slice %arg2[%dma_wait3A_81, %dma_wait3A_86, %dma_wait3A_87] : memref<4096x100x128xf32, #tpu.memory_space<hbm>> -> memref<1x100x128xf32, #tpu.memory_space<hbm>>
      %dma_wait3A_89 = tpu.memref_squeeze %dma_wait3A_88 : memref<1x100x128xf32, #tpu.memory_space<hbm>> -> memref<100x128xf32, #tpu.memory_space<hbm>>
      tpu.wait_dma2 semaphore(%arg15 : memref<!tpu.dma_semaphore, #tpu.memory_space<semaphore_mem>>) src(%dma_wait3A_89 : memref<100x128xf32, #tpu.memory_space<hbm>>) dst(%arg9 : memref<100x128xf32, #tpu.memory_space<vmem>>)
      %mul3A_90 = arith.constant 8 : i32
      %mul3A_91 = vector.broadcast %mul3A_90 : i32 to vector<16xi32>
      %mul3A_92 = arith.muli %iota3A, %mul3A_91 : vector<16xi32>
      %add3A_93 = arith.constant 0 : i32
      %add3A_94 = vector.broadcast %add3A_93 : i32 to vector<16xi32>
      %add3A_95 = arith.addi %iota3A, %add3A_94 : vector<16xi32>
      %min3A_96 = arith.constant 99 : i32
      %min3A_97 = vector.broadcast %min3A_96 : i32 to vector<16xi32>
      %min3A_98 = arith.minsi %add3A_95, %min3A_97 : vector<16xi32>
      %broadcast_in_dim3A = arith.constant 0.000000e+00 : f32
      %broadcast_in_dim3A_99 = vector.broadcast %broadcast_in_dim3A : f32 to vector<16xf32>
      %scan3A_100 = arith.constant 0 : i32
      %scan3A_101 = arith.constant 32 : i32
      %scan3A_102 = arith.addi %scan3A_100, %scan3A_101 : i32
      %scan3A_103 = arith.constant 1 : i32
      %scan3A_104 = scf.for %scan3A_682 = %scan3A_100 to %scan3A_102 step %scan3A_103 iter_args(%scan3A_683 = %broadcast_in_dim3A_99) -> (vector<16xf32>)  : i32 {
        %mul3A_684 = arith.constant 4 : i32
        %mul3A_685 = arith.muli %scan3A_682, %mul3A_684 : i32
        %add3A_686 = arith.constant 0 : i32
        %add3A_687 = arith.addi %mul3A_685, %add3A_686 : i32
        %add3A_688 = vector.broadcast %add3A_687 : i32 to vector<16xi32>
        %add3A_689 = arith.addi %mul3A_92, %add3A_688 : vector<16xi32>
        %and3A = arith.constant 127 : i32
        %and3A_690 = vector.broadcast %and3A : i32 to vector<16xi32>
        %and3A_691 = arith.andi %add3A_689, %and3A_690 : vector<16xi32>
        %gather3A = tpu.vector_load_idx %arg7[%min3A_98, %and3A_691] : memref<100x128xf32, #tpu.memory_space<vmem>>[vector<16xi32>, vector<16xi32>], vector<16xf32>,
        %gather3A_692 = tpu.vector_load_idx %arg9[%min3A_98, %and3A_691] : memref<100x128xf32, #tpu.memory_space<vmem>>[vector<16xi32>, vector<16xi32>], vector<16xf32>,
        %mul3A_693 = arith.mulf %gather3A, %gather3A_692 : vector<16xf32>
        %add3A_694 = arith.addf %scan3A_683, %mul3A_693 : vector<16xf32>
        %mul3A_695 = arith.constant 4 : i32
        %mul3A_696 = arith.muli %scan3A_682, %mul3A_695 : i32
        %add3A_697 = arith.constant 1 : i32
        %add3A_698 = arith.addi %mul3A_696, %add3A_697 : i32
        %add3A_699 = vector.broadcast %add3A_698 : i32 to vector<16xi32>
        %add3A_700 = arith.addi %mul3A_92, %add3A_699 : vector<16xi32>
        %and3A_701 = arith.constant 127 : i32
        %and3A_702 = vector.broadcast %and3A_701 : i32 to vector<16xi32>
        %and3A_703 = arith.andi %add3A_700, %and3A_702 : vector<16xi32>
        %gather3A_704 = tpu.vector_load_idx %arg7[%min3A_98, %and3A_703] : memref<100x128xf32, #tpu.memory_space<vmem>>[vector<16xi32>, vector<16xi32>], vector<16xf32>,
        %gather3A_705 = tpu.vector_load_idx %arg9[%min3A_98, %and3A_703] : memref<100x128xf32, #tpu.memory_space<vmem>>[vector<16xi32>, vector<16xi32>], vector<16xf32>,
        %mul3A_706 = arith.mulf %gather3A_704, %gather3A_705 : vector<16xf32>
        %add3A_707 = arith.addf %add3A_694, %mul3A_706 : vector<16xf32>
        %mul3A_708 = arith.constant 4 : i32
        %mul3A_709 = arith.muli %scan3A_682, %mul3A_708 : i32
        %add3A_710 = arith.constant 2 : i32
        %add3A_711 = arith.addi %mul3A_709, %add3A_710 : i32
        %add3A_712 = vector.broadcast %add3A_711 : i32 to vector<16xi32>
        %add3A_713 = arith.addi %mul3A_92, %add3A_712 : vector<16xi32>
        %and3A_714 = arith.constant 127 : i32
        %and3A_715 = vector.broadcast %and3A_714 : i32 to vector<16xi32>
        %and3A_716 = arith.andi %add3A_713, %and3A_715 : vector<16xi32>
        %gather3A_717 = tpu.vector_load_idx %arg7[%min3A_98, %and3A_716] : memref<100x128xf32, #tpu.memory_space<vmem>>[vector<16xi32>, vector<16xi32>], vector<16xf32>,
        %gather3A_718 = tpu.vector_load_idx %arg9[%min3A_98, %and3A_716] : memref<100x128xf32, #tpu.memory_space<vmem>>[vector<16xi32>, vector<16xi32>], vector<16xf32>,
        %mul3A_719 = arith.mulf %gather3A_717, %gather3A_718 : vector<16xf32>
        %add3A_720 = arith.addf %add3A_707, %mul3A_719 : vector<16xf32>
        %mul3A_721 = arith.constant 4 : i32
        %mul3A_722 = arith.muli %scan3A_682, %mul3A_721 : i32
        %add3A_723 = arith.constant 3 : i32
        %add3A_724 = arith.addi %mul3A_722, %add3A_723 : i32
        %add3A_725 = vector.broadcast %add3A_724 : i32 to vector<16xi32>
        %add3A_726 = arith.addi %mul3A_92, %add3A_725 : vector<16xi32>
        %and3A_727 = arith.constant 127 : i32
        %and3A_728 = vector.broadcast %and3A_727 : i32 to vector<16xi32>
        %and3A_729 = arith.andi %add3A_726, %and3A_728 : vector<16xi32>
        %gather3A_730 = tpu.vector_load_idx %arg7[%min3A_98, %and3A_729] : memref<100x128xf32, #tpu.memory_space<vmem>>[vector<16xi32>, vector<16xi32>], vector<16xf32>,
        %gather3A_731 = tpu.vector_load_idx %arg9[%min3A_98, %and3A_729] : memref<100x128xf32, #tpu.memory_space<vmem>>[vector<16xi32>, vector<16xi32>], vector<16xf32>,
        %mul3A_732 = arith.mulf %gather3A_730, %gather3A_731 : vector<16xf32>
        %add3A_733 = arith.addf %add3A_720, %mul3A_732 : vector<16xf32>
        scf.yield %add3A_733 : vector<16xf32>
      }
      %scan3A_105 = arith.constant 32 : i32
      %swap3A = arith.constant 0 : index
      %swap3A_106 = tpu.vector_load %arg11[%swap3A] {strides = array<i32>} : memref<112xf32, #tpu.memory_space<vmem>>, vector<16xf32>,
      tpu.vector_store %arg11[%swap3A], %scan3A_104 {strides = array<i32>} : memref<112xf32, #tpu.memory_space<vmem>>, vector<16xf32>,
      %add3A_107 = arith.constant 16 : i32
      %add3A_108 = vector.broadcast %add3A_107 : i32 to vector<16xi32>
      %add3A_109 = arith.addi %iota3A, %add3A_108 : vector<16xi32>
      %min3A_110 = arith.constant 99 : i32
      %min3A_111 = vector.broadcast %min3A_110 : i32 to vector<16xi32>
      %min3A_112 = arith.minsi %add3A_109, %min3A_111 : vector<16xi32>
      %broadcast_in_dim3A_113 = arith.constant 0.000000e+00 : f32
      %broadcast_in_dim3A_114 = vector.broadcast %broadcast_in_dim3A_113 : f32 to vector<16xf32>
      %scan3A_115 = arith.constant 0 : i32
      %scan3A_116 = arith.constant 32 : i32
      %scan3A_117 = arith.addi %scan3A_115, %scan3A_116 : i32
      %scan3A_118 = arith.constant 1 : i32
      %scan3A_119 = scf.for %scan3A_682 = %scan3A_115 to %scan3A_117 step %scan3A_118 iter_args(%scan3A_683 = %broadcast_in_dim3A_114) -> (vector<16xf32>)  : i32 {
        %mul3A_684 = arith.constant 4 : i32
        %mul3A_685 = arith.muli %scan3A_682, %mul3A_684 : i32
        %add3A_686 = arith.constant 0 : i32
        %add3A_687 = arith.addi %mul3A_685, %add3A_686 : i32
        %add3A_688 = vector.broadcast %add3A_687 : i32 to vector<16xi32>
        %add3A_689 = arith.addi %mul3A_92, %add3A_688 : vector<16xi32>
        %and3A = arith.constant 127 : i32
        %and3A_690 = vector.broadcast %and3A : i32 to vector<16xi32>
        %and3A_691 = arith.andi %add3A_689, %and3A_690 : vector<16xi32>
        %gather3A = tpu.vector_load_idx %arg7[%min3A_112, %and3A_691] : memref<100x128xf32, #tpu.memory_space<vmem>>[vector<16xi32>, vector<16xi32>], vector<16xf32>,
        %gather3A_692 = tpu.vector_load_idx %arg9[%min3A_112, %and3A_691] : memref<100x128xf32, #tpu.memory_space<vmem>>[vector<16xi32>, vector<16xi32>], vector<16xf32>,
        %mul3A_693 = arith.mulf %gather3A, %gather3A_692 : vector<16xf32>
        %add3A_694 = arith.addf %scan3A_683, %mul3A_693 : vector<16xf32>
        %mul3A_695 = arith.constant 4 : i32
        %mul3A_696 = arith.muli %scan3A_682, %mul3A_695 : i32
        %add3A_697 = arith.constant 1 : i32
        %add3A_698 = arith.addi %mul3A_696, %add3A_697 : i32
        %add3A_699 = vector.broadcast %add3A_698 : i32 to vector<16xi32>
        %add3A_700 = arith.addi %mul3A_92, %add3A_699 : vector<16xi32>
        %and3A_701 = arith.constant 127 : i32
        %and3A_702 = vector.broadcast %and3A_701 : i32 to vector<16xi32>
        %and3A_703 = arith.andi %add3A_700, %and3A_702 : vector<16xi32>
        %gather3A_704 = tpu.vector_load_idx %arg7[%min3A_112, %and3A_703] : memref<100x128xf32, #tpu.memory_space<vmem>>[vector<16xi32>, vector<16xi32>], vector<16xf32>,
        %gather3A_705 = tpu.vector_load_idx %arg9[%min3A_112, %and3A_703] : memref<100x128xf32, #tpu.memory_space<vmem>>[vector<16xi32>, vector<16xi32>], vector<16xf32>,
        %mul3A_706 = arith.mulf %gather3A_704, %gather3A_705 : vector<16xf32>
        %add3A_707 = arith.addf %add3A_694, %mul3A_706 : vector<16xf32>
        %mul3A_708 = arith.constant 4 : i32
        %mul3A_709 = arith.muli %scan3A_682, %mul3A_708 : i32
        %add3A_710 = arith.constant 2 : i32
        %add3A_711 = arith.addi %mul3A_709, %add3A_710 : i32
        %add3A_712 = vector.broadcast %add3A_711 : i32 to vector<16xi32>
        %add3A_713 = arith.addi %mul3A_92, %add3A_712 : vector<16xi32>
        %and3A_714 = arith.constant 127 : i32
        %and3A_715 = vector.broadcast %and3A_714 : i32 to vector<16xi32>
        %and3A_716 = arith.andi %add3A_713, %and3A_715 : vector<16xi32>
        %gather3A_717 = tpu.vector_load_idx %arg7[%min3A_112, %and3A_716] : memref<100x128xf32, #tpu.memory_space<vmem>>[vector<16xi32>, vector<16xi32>], vector<16xf32>,
        %gather3A_718 = tpu.vector_load_idx %arg9[%min3A_112, %and3A_716] : memref<100x128xf32, #tpu.memory_space<vmem>>[vector<16xi32>, vector<16xi32>], vector<16xf32>,
        %mul3A_719 = arith.mulf %gather3A_717, %gather3A_718 : vector<16xf32>
        %add3A_720 = arith.addf %add3A_707, %mul3A_719 : vector<16xf32>
        %mul3A_721 = arith.constant 4 : i32
        %mul3A_722 = arith.muli %scan3A_682, %mul3A_721 : i32
        %add3A_723 = arith.constant 3 : i32
        %add3A_724 = arith.addi %mul3A_722, %add3A_723 : i32
        %add3A_725 = vector.broadcast %add3A_724 : i32 to vector<16xi32>
        %add3A_726 = arith.addi %mul3A_92, %add3A_725 : vector<16xi32>
        %and3A_727 = arith.constant 127 : i32
        %and3A_728 = vector.broadcast %and3A_727 : i32 to vector<16xi32>
        %and3A_729 = arith.andi %add3A_726, %and3A_728 : vector<16xi32>
        %gather3A_730 = tpu.vector_load_idx %arg7[%min3A_112, %and3A_729] : memref<100x128xf32, #tpu.memory_space<vmem>>[vector<16xi32>, vector<16xi32>], vector<16xf32>,
        %gather3A_731 = tpu.vector_load_idx %arg9[%min3A_112, %and3A_729] : memref<100x128xf32, #tpu.memory_space<vmem>>[vector<16xi32>, vector<16xi32>], vector<16xf32>,
        %mul3A_732 = arith.mulf %gather3A_730, %gather3A_731 : vector<16xf32>
        %add3A_733 = arith.addf %add3A_720, %mul3A_732 : vector<16xf32>
        scf.yield %add3A_733 : vector<16xf32>
      }
      %scan3A_120 = arith.constant 32 : i32
      %swap3A_121 = arith.constant 16 : index
      %swap3A_122 = tpu.vector_load %arg11[%swap3A_121] {strides = array<i32>} : memref<112xf32, #tpu.memory_space<vmem>>, vector<16xf32>,
      tpu.vector_store %arg11[%swap3A_121], %scan3A_119 {strides = array<i32>} : memref<112xf32, #tpu.memory_space<vmem>>, vector<16xf32>,
      %add3A_123 = arith.constant 32 : i32
      %add3A_124 = vector.broadcast %add3A_123 : i32 to vector<16xi32>
      %add3A_125 = arith.addi %iota3A, %add3A_124 : vector<16xi32>
      %min3A_126 = arith.constant 99 : i32
      %min3A_127 = vector.broadcast %min3A_126 : i32 to vector<16xi32>
      %min3A_128 = arith.minsi %add3A_125, %min3A_127 : vector<16xi32>
      %broadcast_in_dim3A_129 = arith.constant 0.000000e+00 : f32
      %broadcast_in_dim3A_130 = vector.broadcast %broadcast_in_dim3A_129 : f32 to vector<16xf32>
      %scan3A_131 = arith.constant 0 : i32
      %scan3A_132 = arith.constant 32 : i32
      %scan3A_133 = arith.addi %scan3A_131, %scan3A_132 : i32
      %scan3A_134 = arith.constant 1 : i32
      %scan3A_135 = scf.for %scan3A_682 = %scan3A_131 to %scan3A_133 step %scan3A_134 iter_args(%scan3A_683 = %broadcast_in_dim3A_130) -> (vector<16xf32>)  : i32 {
        %mul3A_684 = arith.constant 4 : i32
        %mul3A_685 = arith.muli %scan3A_682, %mul3A_684 : i32
        %add3A_686 = arith.constant 0 : i32
        %add3A_687 = arith.addi %mul3A_685, %add3A_686 : i32
        %add3A_688 = vector.broadcast %add3A_687 : i32 to vector<16xi32>
        %add3A_689 = arith.addi %mul3A_92, %add3A_688 : vector<16xi32>
        %and3A = arith.constant 127 : i32
        %and3A_690 = vector.broadcast %and3A : i32 to vector<16xi32>
        %and3A_691 = arith.andi %add3A_689, %and3A_690 : vector<16xi32>
        %gather3A = tpu.vector_load_idx %arg7[%min3A_128, %and3A_691] : memref<100x128xf32, #tpu.memory_space<vmem>>[vector<16xi32>, vector<16xi32>], vector<16xf32>,
        %gather3A_692 = tpu.vector_load_idx %arg9[%min3A_128, %and3A_691] : memref<100x128xf32, #tpu.memory_space<vmem>>[vector<16xi32>, vector<16xi32>], vector<16xf32>,
        %mul3A_693 = arith.mulf %gather3A, %gather3A_692 : vector<16xf32>
        %add3A_694 = arith.addf %scan3A_683, %mul3A_693 : vector<16xf32>
        %mul3A_695 = arith.constant 4 : i32
        %mul3A_696 = arith.muli %scan3A_682, %mul3A_695 : i32
        %add3A_697 = arith.constant 1 : i32
        %add3A_698 = arith.addi %mul3A_696, %add3A_697 : i32
        %add3A_699 = vector.broadcast %add3A_698 : i32 to vector<16xi32>
        %add3A_700 = arith.addi %mul3A_92, %add3A_699 : vector<16xi32>
        %and3A_701 = arith.constant 127 : i32
        %and3A_702 = vector.broadcast %and3A_701 : i32 to vector<16xi32>
        %and3A_703 = arith.andi %add3A_700, %and3A_702 : vector<16xi32>
        %gather3A_704 = tpu.vector_load_idx %arg7[%min3A_128, %and3A_703] : memref<100x128xf32, #tpu.memory_space<vmem>>[vector<16xi32>, vector<16xi32>], vector<16xf32>,
        %gather3A_705 = tpu.vector_load_idx %arg9[%min3A_128, %and3A_703] : memref<100x128xf32, #tpu.memory_space<vmem>>[vector<16xi32>, vector<16xi32>], vector<16xf32>,
        %mul3A_706 = arith.mulf %gather3A_704, %gather3A_705 : vector<16xf32>
        %add3A_707 = arith.addf %add3A_694, %mul3A_706 : vector<16xf32>
        %mul3A_708 = arith.constant 4 : i32
        %mul3A_709 = arith.muli %scan3A_682, %mul3A_708 : i32
        %add3A_710 = arith.constant 2 : i32
        %add3A_711 = arith.addi %mul3A_709, %add3A_710 : i32
        %add3A_712 = vector.broadcast %add3A_711 : i32 to vector<16xi32>
        %add3A_713 = arith.addi %mul3A_92, %add3A_712 : vector<16xi32>
        %and3A_714 = arith.constant 127 : i32
        %and3A_715 = vector.broadcast %and3A_714 : i32 to vector<16xi32>
        %and3A_716 = arith.andi %add3A_713, %and3A_715 : vector<16xi32>
        %gather3A_717 = tpu.vector_load_idx %arg7[%min3A_128, %and3A_716] : memref<100x128xf32, #tpu.memory_space<vmem>>[vector<16xi32>, vector<16xi32>], vector<16xf32>,
        %gather3A_718 = tpu.vector_load_idx %arg9[%min3A_128, %and3A_716] : memref<100x128xf32, #tpu.memory_space<vmem>>[vector<16xi32>, vector<16xi32>], vector<16xf32>,
        %mul3A_719 = arith.mulf %gather3A_717, %gather3A_718 : vector<16xf32>
        %add3A_720 = arith.addf %add3A_707, %mul3A_719 : vector<16xf32>
        %mul3A_721 = arith.constant 4 : i32
        %mul3A_722 = arith.muli %scan3A_682, %mul3A_721 : i32
        %add3A_723 = arith.constant 3 : i32
        %add3A_724 = arith.addi %mul3A_722, %add3A_723 : i32
        %add3A_725 = vector.broadcast %add3A_724 : i32 to vector<16xi32>
        %add3A_726 = arith.addi %mul3A_92, %add3A_725 : vector<16xi32>
        %and3A_727 = arith.constant 127 : i32
        %and3A_728 = vector.broadcast %and3A_727 : i32 to vector<16xi32>
        %and3A_729 = arith.andi %add3A_726, %and3A_728 : vector<16xi32>
        %gather3A_730 = tpu.vector_load_idx %arg7[%min3A_128, %and3A_729] : memref<100x128xf32, #tpu.memory_space<vmem>>[vector<16xi32>, vector<16xi32>], vector<16xf32>,
        %gather3A_731 = tpu.vector_load_idx %arg9[%min3A_128, %and3A_729] : memref<100x128xf32, #tpu.memory_space<vmem>>[vector<16xi32>, vector<16xi32>], vector<16xf32>,
        %mul3A_732 = arith.mulf %gather3A_730, %gather3A_731 : vector<16xf32>
        %add3A_733 = arith.addf %add3A_720, %mul3A_732 : vector<16xf32>
        scf.yield %add3A_733 : vector<16xf32>
      }
      %scan3A_136 = arith.constant 32 : i32
      %swap3A_137 = arith.constant 32 : index
      %swap3A_138 = tpu.vector_load %arg11[%swap3A_137] {strides = array<i32>} : memref<112xf32, #tpu.memory_space<vmem>>, vector<16xf32>,
      tpu.vector_store %arg11[%swap3A_137], %scan3A_135 {strides = array<i32>} : memref<112xf32, #tpu.memory_space<vmem>>, vector<16xf32>,
      %add3A_139 = arith.constant 48 : i32
      %add3A_140 = vector.broadcast %add3A_139 : i32 to vector<16xi32>
      %add3A_141 = arith.addi %iota3A, %add3A_140 : vector<16xi32>
      %min3A_142 = arith.constant 99 : i32
      %min3A_143 = vector.broadcast %min3A_142 : i32 to vector<16xi32>
      %min3A_144 = arith.minsi %add3A_141, %min3A_143 : vector<16xi32>
      %broadcast_in_dim3A_145 = arith.constant 0.000000e+00 : f32
      %broadcast_in_dim3A_146 = vector.broadcast %broadcast_in_dim3A_145 : f32 to vector<16xf32>
      %scan3A_147 = arith.constant 0 : i32
      %scan3A_148 = arith.constant 32 : i32
      %scan3A_149 = arith.addi %scan3A_147, %scan3A_148 : i32
      %scan3A_150 = arith.constant 1 : i32
      %scan3A_151 = scf.for %scan3A_682 = %scan3A_147 to %scan3A_149 step %scan3A_150 iter_args(%scan3A_683 = %broadcast_in_dim3A_146) -> (vector<16xf32>)  : i32 {
        %mul3A_684 = arith.constant 4 : i32
        %mul3A_685 = arith.muli %scan3A_682, %mul3A_684 : i32
        %add3A_686 = arith.constant 0 : i32
        %add3A_687 = arith.addi %mul3A_685, %add3A_686 : i32
        %add3A_688 = vector.broadcast %add3A_687 : i32 to vector<16xi32>
        %add3A_689 = arith.addi %mul3A_92, %add3A_688 : vector<16xi32>
        %and3A = arith.constant 127 : i32
        %and3A_690 = vector.broadcast %and3A : i32 to vector<16xi32>
        %and3A_691 = arith.andi %add3A_689, %and3A_690 : vector<16xi32>
        %gather3A = tpu.vector_load_idx %arg7[%min3A_144, %and3A_691] : memref<100x128xf32, #tpu.memory_space<vmem>>[vector<16xi32>, vector<16xi32>], vector<16xf32>,
        %gather3A_692 = tpu.vector_load_idx %arg9[%min3A_144, %and3A_691] : memref<100x128xf32, #tpu.memory_space<vmem>>[vector<16xi32>, vector<16xi32>], vector<16xf32>,
        %mul3A_693 = arith.mulf %gather3A, %gather3A_692 : vector<16xf32>
        %add3A_694 = arith.addf %scan3A_683, %mul3A_693 : vector<16xf32>
        %mul3A_695 = arith.constant 4 : i32
        %mul3A_696 = arith.muli %scan3A_682, %mul3A_695 : i32
        %add3A_697 = arith.constant 1 : i32
        %add3A_698 = arith.addi %mul3A_696, %add3A_697 : i32
        %add3A_699 = vector.broadcast %add3A_698 : i32 to vector<16xi32>
        %add3A_700 = arith.addi %mul3A_92, %add3A_699 : vector<16xi32>
        %and3A_701 = arith.constant 127 : i32
        %and3A_702 = vector.broadcast %and3A_701 : i32 to vector<16xi32>
        %and3A_703 = arith.andi %add3A_700, %and3A_702 : vector<16xi32>
        %gather3A_704 = tpu.vector_load_idx %arg7[%min3A_144, %and3A_703] : memref<100x128xf32, #tpu.memory_space<vmem>>[vector<16xi32>, vector<16xi32>], vector<16xf32>,
        %gather3A_705 = tpu.vector_load_idx %arg9[%min3A_144, %and3A_703] : memref<100x128xf32, #tpu.memory_space<vmem>>[vector<16xi32>, vector<16xi32>], vector<16xf32>,
        %mul3A_706 = arith.mulf %gather3A_704, %gather3A_705 : vector<16xf32>
        %add3A_707 = arith.addf %add3A_694, %mul3A_706 : vector<16xf32>
        %mul3A_708 = arith.constant 4 : i32
        %mul3A_709 = arith.muli %scan3A_682, %mul3A_708 : i32
        %add3A_710 = arith.constant 2 : i32
        %add3A_711 = arith.addi %mul3A_709, %add3A_710 : i32
        %add3A_712 = vector.broadcast %add3A_711 : i32 to vector<16xi32>
        %add3A_713 = arith.addi %mul3A_92, %add3A_712 : vector<16xi32>
        %and3A_714 = arith.constant 127 : i32
        %and3A_715 = vector.broadcast %and3A_714 : i32 to vector<16xi32>
        %and3A_716 = arith.andi %add3A_713, %and3A_715 : vector<16xi32>
        %gather3A_717 = tpu.vector_load_idx %arg7[%min3A_144, %and3A_716] : memref<100x128xf32, #tpu.memory_space<vmem>>[vector<16xi32>, vector<16xi32>], vector<16xf32>,
        %gather3A_718 = tpu.vector_load_idx %arg9[%min3A_144, %and3A_716] : memref<100x128xf32, #tpu.memory_space<vmem>>[vector<16xi32>, vector<16xi32>], vector<16xf32>,
        %mul3A_719 = arith.mulf %gather3A_717, %gather3A_718 : vector<16xf32>
        %add3A_720 = arith.addf %add3A_707, %mul3A_719 : vector<16xf32>
        %mul3A_721 = arith.constant 4 : i32
        %mul3A_722 = arith.muli %scan3A_682, %mul3A_721 : i32
        %add3A_723 = arith.constant 3 : i32
        %add3A_724 = arith.addi %mul3A_722, %add3A_723 : i32
        %add3A_725 = vector.broadcast %add3A_724 : i32 to vector<16xi32>
        %add3A_726 = arith.addi %mul3A_92, %add3A_725 : vector<16xi32>
        %and3A_727 = arith.constant 127 : i32
        %and3A_728 = vector.broadcast %and3A_727 : i32 to vector<16xi32>
        %and3A_729 = arith.andi %add3A_726, %and3A_728 : vector<16xi32>
        %gather3A_730 = tpu.vector_load_idx %arg7[%min3A_144, %and3A_729] : memref<100x128xf32, #tpu.memory_space<vmem>>[vector<16xi32>, vector<16xi32>], vector<16xf32>,
        %gather3A_731 = tpu.vector_load_idx %arg9[%min3A_144, %and3A_729] : memref<100x128xf32, #tpu.memory_space<vmem>>[vector<16xi32>, vector<16xi32>], vector<16xf32>,
        %mul3A_732 = arith.mulf %gather3A_730, %gather3A_731 : vector<16xf32>
        %add3A_733 = arith.addf %add3A_720, %mul3A_732 : vector<16xf32>
        scf.yield %add3A_733 : vector<16xf32>
      }
      %scan3A_152 = arith.constant 32 : i32
      %swap3A_153 = arith.constant 48 : index
      %swap3A_154 = tpu.vector_load %arg11[%swap3A_153] {strides = array<i32>} : memref<112xf32, #tpu.memory_space<vmem>>, vector<16xf32>,
      tpu.vector_store %arg11[%swap3A_153], %scan3A_151 {strides = array<i32>} : memref<112xf32, #tpu.memory_space<vmem>>, vector<16xf32>,
      %add3A_155 = arith.constant 64 : i32
      %add3A_156 = vector.broadcast %add3A_155 : i32 to vector<16xi32>
      %add3A_157 = arith.addi %iota3A, %add3A_156 : vector<16xi32>
      %min3A_158 = arith.constant 99 : i32
      %min3A_159 = vector.broadcast %min3A_158 : i32 to vector<16xi32>
      %min3A_160 = arith.minsi %add3A_157, %min3A_159 : vector<16xi32>
      %broadcast_in_dim3A_161 = arith.constant 0.000000e+00 : f32
      %broadcast_in_dim3A_162 = vector.broadcast %broadcast_in_dim3A_161 : f32 to vector<16xf32>
      %scan3A_163 = arith.constant 0 : i32
      %scan3A_164 = arith.constant 32 : i32
      %scan3A_165 = arith.addi %scan3A_163, %scan3A_164 : i32
      %scan3A_166 = arith.constant 1 : i32
      %scan3A_167 = scf.for %scan3A_682 = %scan3A_163 to %scan3A_165 step %scan3A_166 iter_args(%scan3A_683 = %broadcast_in_dim3A_162) -> (vector<16xf32>)  : i32 {
        %mul3A_684 = arith.constant 4 : i32
        %mul3A_685 = arith.muli %scan3A_682, %mul3A_684 : i32
        %add3A_686 = arith.constant 0 : i32
        %add3A_687 = arith.addi %mul3A_685, %add3A_686 : i32
        %add3A_688 = vector.broadcast %add3A_687 : i32 to vector<16xi32>
        %add3A_689 = arith.addi %mul3A_92, %add3A_688 : vector<16xi32>
        %and3A = arith.constant 127 : i32
        %and3A_690 = vector.broadcast %and3A : i32 to vector<16xi32>
        %and3A_691 = arith.andi %add3A_689, %and3A_690 : vector<16xi32>
        %gather3A = tpu.vector_load_idx %arg7[%min3A_160, %and3A_691] : memref<100x128xf32, #tpu.memory_space<vmem>>[vector<16xi32>, vector<16xi32>], vector<16xf32>,
        %gather3A_692 = tpu.vector_load_idx %arg9[%min3A_160, %and3A_691] : memref<100x128xf32, #tpu.memory_space<vmem>>[vector<16xi32>, vector<16xi32>], vector<16xf32>,
        %mul3A_693 = arith.mulf %gather3A, %gather3A_692 : vector<16xf32>
        %add3A_694 = arith.addf %scan3A_683, %mul3A_693 : vector<16xf32>
        %mul3A_695 = arith.constant 4 : i32
        %mul3A_696 = arith.muli %scan3A_682, %mul3A_695 : i32
        %add3A_697 = arith.constant 1 : i32
        %add3A_698 = arith.addi %mul3A_696, %add3A_697 : i32
        %add3A_699 = vector.broadcast %add3A_698 : i32 to vector<16xi32>
        %add3A_700 = arith.addi %mul3A_92, %add3A_699 : vector<16xi32>
        %and3A_701 = arith.constant 127 : i32
        %and3A_702 = vector.broadcast %and3A_701 : i32 to vector<16xi32>
        %and3A_703 = arith.andi %add3A_700, %and3A_702 : vector<16xi32>
        %gather3A_704 = tpu.vector_load_idx %arg7[%min3A_160, %and3A_703] : memref<100x128xf32, #tpu.memory_space<vmem>>[vector<16xi32>, vector<16xi32>], vector<16xf32>,
        %gather3A_705 = tpu.vector_load_idx %arg9[%min3A_160, %and3A_703] : memref<100x128xf32, #tpu.memory_space<vmem>>[vector<16xi32>, vector<16xi32>], vector<16xf32>,
        %mul3A_706 = arith.mulf %gather3A_704, %gather3A_705 : vector<16xf32>
        %add3A_707 = arith.addf %add3A_694, %mul3A_706 : vector<16xf32>
        %mul3A_708 = arith.constant 4 : i32
        %mul3A_709 = arith.muli %scan3A_682, %mul3A_708 : i32
        %add3A_710 = arith.constant 2 : i32
        %add3A_711 = arith.addi %mul3A_709, %add3A_710 : i32
        %add3A_712 = vector.broadcast %add3A_711 : i32 to vector<16xi32>
        %add3A_713 = arith.addi %mul3A_92, %add3A_712 : vector<16xi32>
        %and3A_714 = arith.constant 127 : i32
        %and3A_715 = vector.broadcast %and3A_714 : i32 to vector<16xi32>
        %and3A_716 = arith.andi %add3A_713, %and3A_715 : vector<16xi32>
        %gather3A_717 = tpu.vector_load_idx %arg7[%min3A_160, %and3A_716] : memref<100x128xf32, #tpu.memory_space<vmem>>[vector<16xi32>, vector<16xi32>], vector<16xf32>,
        %gather3A_718 = tpu.vector_load_idx %arg9[%min3A_160, %and3A_716] : memref<100x128xf32, #tpu.memory_space<vmem>>[vector<16xi32>, vector<16xi32>], vector<16xf32>,
        %mul3A_719 = arith.mulf %gather3A_717, %gather3A_718 : vector<16xf32>
        %add3A_720 = arith.addf %add3A_707, %mul3A_719 : vector<16xf32>
        %mul3A_721 = arith.constant 4 : i32
        %mul3A_722 = arith.muli %scan3A_682, %mul3A_721 : i32
        %add3A_723 = arith.constant 3 : i32
        %add3A_724 = arith.addi %mul3A_722, %add3A_723 : i32
        %add3A_725 = vector.broadcast %add3A_724 : i32 to vector<16xi32>
        %add3A_726 = arith.addi %mul3A_92, %add3A_725 : vector<16xi32>
        %and3A_727 = arith.constant 127 : i32
        %and3A_728 = vector.broadcast %and3A_727 : i32 to vector<16xi32>
        %and3A_729 = arith.andi %add3A_726, %and3A_728 : vector<16xi32>
        %gather3A_730 = tpu.vector_load_idx %arg7[%min3A_160, %and3A_729] : memref<100x128xf32, #tpu.memory_space<vmem>>[vector<16xi32>, vector<16xi32>], vector<16xf32>,
        %gather3A_731 = tpu.vector_load_idx %arg9[%min3A_160, %and3A_729] : memref<100x128xf32, #tpu.memory_space<vmem>>[vector<16xi32>, vector<16xi32>], vector<16xf32>,
        %mul3A_732 = arith.mulf %gather3A_730, %gather3A_731 : vector<16xf32>
        %add3A_733 = arith.addf %add3A_720, %mul3A_732 : vector<16xf32>
        scf.yield %add3A_733 : vector<16xf32>
      }
      %scan3A_168 = arith.constant 32 : i32
      %swap3A_169 = arith.constant 64 : index
      %swap3A_170 = tpu.vector_load %arg11[%swap3A_169] {strides = array<i32>} : memref<112xf32, #tpu.memory_space<vmem>>, vector<16xf32>,
      tpu.vector_store %arg11[%swap3A_169], %scan3A_167 {strides = array<i32>} : memref<112xf32, #tpu.memory_space<vmem>>, vector<16xf32>,
      %add3A_171 = arith.constant 80 : i32
      %add3A_172 = vector.broadcast %add3A_171 : i32 to vector<16xi32>
      %add3A_173 = arith.addi %iota3A, %add3A_172 : vector<16xi32>
      %min3A_174 = arith.constant 99 : i32
      %min3A_175 = vector.broadcast %min3A_174 : i32 to vector<16xi32>
      %min3A_176 = arith.minsi %add3A_173, %min3A_175 : vector<16xi32>
      %broadcast_in_dim3A_177 = arith.constant 0.000000e+00 : f32
      %broadcast_in_dim3A_178 = vector.broadcast %broadcast_in_dim3A_177 : f32 to vector<16xf32>
      %scan3A_179 = arith.constant 0 : i32
      %scan3A_180 = arith.constant 32 : i32
      %scan3A_181 = arith.addi %scan3A_179, %scan3A_180 : i32
      %scan3A_182 = arith.constant 1 : i32
      %scan3A_183 = scf.for %scan3A_682 = %scan3A_179 to %scan3A_181 step %scan3A_182 iter_args(%scan3A_683 = %broadcast_in_dim3A_178) -> (vector<16xf32>)  : i32 {
        %mul3A_684 = arith.constant 4 : i32
        %mul3A_685 = arith.muli %scan3A_682, %mul3A_684 : i32
        %add3A_686 = arith.constant 0 : i32
        %add3A_687 = arith.addi %mul3A_685, %add3A_686 : i32
        %add3A_688 = vector.broadcast %add3A_687 : i32 to vector<16xi32>
        %add3A_689 = arith.addi %mul3A_92, %add3A_688 : vector<16xi32>
        %and3A = arith.constant 127 : i32
        %and3A_690 = vector.broadcast %and3A : i32 to vector<16xi32>
        %and3A_691 = arith.andi %add3A_689, %and3A_690 : vector<16xi32>
        %gather3A = tpu.vector_load_idx %arg7[%min3A_176, %and3A_691] : memref<100x128xf32, #tpu.memory_space<vmem>>[vector<16xi32>, vector<16xi32>], vector<16xf32>,
        %gather3A_692 = tpu.vector_load_idx %arg9[%min3A_176, %and3A_691] : memref<100x128xf32, #tpu.memory_space<vmem>>[vector<16xi32>, vector<16xi32>], vector<16xf32>,
        %mul3A_693 = arith.mulf %gather3A, %gather3A_692 : vector<16xf32>
        %add3A_694 = arith.addf %scan3A_683, %mul3A_693 : vector<16xf32>
        %mul3A_695 = arith.constant 4 : i32
        %mul3A_696 = arith.muli %scan3A_682, %mul3A_695 : i32
        %add3A_697 = arith.constant 1 : i32
        %add3A_698 = arith.addi %mul3A_696, %add3A_697 : i32
        %add3A_699 = vector.broadcast %add3A_698 : i32 to vector<16xi32>
        %add3A_700 = arith.addi %mul3A_92, %add3A_699 : vector<16xi32>
        %and3A_701 = arith.constant 127 : i32
        %and3A_702 = vector.broadcast %and3A_701 : i32 to vector<16xi32>
        %and3A_703 = arith.andi %add3A_700, %and3A_702 : vector<16xi32>
        %gather3A_704 = tpu.vector_load_idx %arg7[%min3A_176, %and3A_703] : memref<100x128xf32, #tpu.memory_space<vmem>>[vector<16xi32>, vector<16xi32>], vector<16xf32>,
        %gather3A_705 = tpu.vector_load_idx %arg9[%min3A_176, %and3A_703] : memref<100x128xf32, #tpu.memory_space<vmem>>[vector<16xi32>, vector<16xi32>], vector<16xf32>,
        %mul3A_706 = arith.mulf %gather3A_704, %gather3A_705 : vector<16xf32>
        %add3A_707 = arith.addf %add3A_694, %mul3A_706 : vector<16xf32>
        %mul3A_708 = arith.constant 4 : i32
        %mul3A_709 = arith.muli %scan3A_682, %mul3A_708 : i32
        %add3A_710 = arith.constant 2 : i32
        %add3A_711 = arith.addi %mul3A_709, %add3A_710 : i32
        %add3A_712 = vector.broadcast %add3A_711 : i32 to vector<16xi32>
        %add3A_713 = arith.addi %mul3A_92, %add3A_712 : vector<16xi32>
        %and3A_714 = arith.constant 127 : i32
        %and3A_715 = vector.broadcast %and3A_714 : i32 to vector<16xi32>
        %and3A_716 = arith.andi %add3A_713, %and3A_715 : vector<16xi32>
        %gather3A_717 = tpu.vector_load_idx %arg7[%min3A_176, %and3A_716] : memref<100x128xf32, #tpu.memory_space<vmem>>[vector<16xi32>, vector<16xi32>], vector<16xf32>,
        %gather3A_718 = tpu.vector_load_idx %arg9[%min3A_176, %and3A_716] : memref<100x128xf32, #tpu.memory_space<vmem>>[vector<16xi32>, vector<16xi32>], vector<16xf32>,
        %mul3A_719 = arith.mulf %gather3A_717, %gather3A_718 : vector<16xf32>
        %add3A_720 = arith.addf %add3A_707, %mul3A_719 : vector<16xf32>
        %mul3A_721 = arith.constant 4 : i32
        %mul3A_722 = arith.muli %scan3A_682, %mul3A_721 : i32
        %add3A_723 = arith.constant 3 : i32
        %add3A_724 = arith.addi %mul3A_722, %add3A_723 : i32
        %add3A_725 = vector.broadcast %add3A_724 : i32 to vector<16xi32>
        %add3A_726 = arith.addi %mul3A_92, %add3A_725 : vector<16xi32>
        %and3A_727 = arith.constant 127 : i32
        %and3A_728 = vector.broadcast %and3A_727 : i32 to vector<16xi32>
        %and3A_729 = arith.andi %add3A_726, %and3A_728 : vector<16xi32>
        %gather3A_730 = tpu.vector_load_idx %arg7[%min3A_176, %and3A_729] : memref<100x128xf32, #tpu.memory_space<vmem>>[vector<16xi32>, vector<16xi32>], vector<16xf32>,
        %gather3A_731 = tpu.vector_load_idx %arg9[%min3A_176, %and3A_729] : memref<100x128xf32, #tpu.memory_space<vmem>>[vector<16xi32>, vector<16xi32>], vector<16xf32>,
        %mul3A_732 = arith.mulf %gather3A_730, %gather3A_731 : vector<16xf32>
        %add3A_733 = arith.addf %add3A_720, %mul3A_732 : vector<16xf32>
        scf.yield %add3A_733 : vector<16xf32>
      }
      %scan3A_184 = arith.constant 32 : i32
      %swap3A_185 = arith.constant 80 : index
      %swap3A_186 = tpu.vector_load %arg11[%swap3A_185] {strides = array<i32>} : memref<112xf32, #tpu.memory_space<vmem>>, vector<16xf32>,
      tpu.vector_store %arg11[%swap3A_185], %scan3A_183 {strides = array<i32>} : memref<112xf32, #tpu.memory_space<vmem>>, vector<16xf32>,
      %add3A_187 = arith.constant 96 : i32
      %add3A_188 = vector.broadcast %add3A_187 : i32 to vector<16xi32>
      %add3A_189 = arith.addi %iota3A, %add3A_188 : vector<16xi32>
      %min3A_190 = arith.constant 99 : i32
      %min3A_191 = vector.broadcast %min3A_190 : i32 to vector<16xi32>
      %min3A_192 = arith.minsi %add3A_189, %min3A_191 : vector<16xi32>
      %broadcast_in_dim3A_193 = arith.constant 0.000000e+00 : f32
      %broadcast_in_dim3A_194 = vector.broadcast %broadcast_in_dim3A_193 : f32 to vector<16xf32>
      %scan3A_195 = arith.constant 0 : i32
      %scan3A_196 = arith.constant 32 : i32
      %scan3A_197 = arith.addi %scan3A_195, %scan3A_196 : i32
      %scan3A_198 = arith.constant 1 : i32
      %scan3A_199 = scf.for %scan3A_682 = %scan3A_195 to %scan3A_197 step %scan3A_198 iter_args(%scan3A_683 = %broadcast_in_dim3A_194) -> (vector<16xf32>)  : i32 {
        %mul3A_684 = arith.constant 4 : i32
        %mul3A_685 = arith.muli %scan3A_682, %mul3A_684 : i32
        %add3A_686 = arith.constant 0 : i32
        %add3A_687 = arith.addi %mul3A_685, %add3A_686 : i32
        %add3A_688 = vector.broadcast %add3A_687 : i32 to vector<16xi32>
        %add3A_689 = arith.addi %mul3A_92, %add3A_688 : vector<16xi32>
        %and3A = arith.constant 127 : i32
        %and3A_690 = vector.broadcast %and3A : i32 to vector<16xi32>
        %and3A_691 = arith.andi %add3A_689, %and3A_690 : vector<16xi32>
        %gather3A = tpu.vector_load_idx %arg7[%min3A_192, %and3A_691] : memref<100x128xf32, #tpu.memory_space<vmem>>[vector<16xi32>, vector<16xi32>], vector<16xf32>,
        %gather3A_692 = tpu.vector_load_idx %arg9[%min3A_192, %and3A_691] : memref<100x128xf32, #tpu.memory_space<vmem>>[vector<16xi32>, vector<16xi32>], vector<16xf32>,
        %mul3A_693 = arith.mulf %gather3A, %gather3A_692 : vector<16xf32>
        %add3A_694 = arith.addf %scan3A_683, %mul3A_693 : vector<16xf32>
        %mul3A_695 = arith.constant 4 : i32
        %mul3A_696 = arith.muli %scan3A_682, %mul3A_695 : i32
        %add3A_697 = arith.constant 1 : i32
        %add3A_698 = arith.addi %mul3A_696, %add3A_697 : i32
        %add3A_699 = vector.broadcast %add3A_698 : i32 to vector<16xi32>
        %add3A_700 = arith.addi %mul3A_92, %add3A_699 : vector<16xi32>
        %and3A_701 = arith.constant 127 : i32
        %and3A_702 = vector.broadcast %and3A_701 : i32 to vector<16xi32>
        %and3A_703 = arith.andi %add3A_700, %and3A_702 : vector<16xi32>
        %gather3A_704 = tpu.vector_load_idx %arg7[%min3A_192, %and3A_703] : memref<100x128xf32, #tpu.memory_space<vmem>>[vector<16xi32>, vector<16xi32>], vector<16xf32>,
        %gather3A_705 = tpu.vector_load_idx %arg9[%min3A_192, %and3A_703] : memref<100x128xf32, #tpu.memory_space<vmem>>[vector<16xi32>, vector<16xi32>], vector<16xf32>,
        %mul3A_706 = arith.mulf %gather3A_704, %gather3A_705 : vector<16xf32>
        %add3A_707 = arith.addf %add3A_694, %mul3A_706 : vector<16xf32>
        %mul3A_708 = arith.constant 4 : i32
        %mul3A_709 = arith.muli %scan3A_682, %mul3A_708 : i32
        %add3A_710 = arith.constant 2 : i32
        %add3A_711 = arith.addi %mul3A_709, %add3A_710 : i32
        %add3A_712 = vector.broadcast %add3A_711 : i32 to vector<16xi32>
        %add3A_713 = arith.addi %mul3A_92, %add3A_712 : vector<16xi32>
        %and3A_714 = arith.constant 127 : i32
        %and3A_715 = vector.broadcast %and3A_714 : i32 to vector<16xi32>
        %and3A_716 = arith.andi %add3A_713, %and3A_715 : vector<16xi32>
        %gather3A_717 = tpu.vector_load_idx %arg7[%min3A_192, %and3A_716] : memref<100x128xf32, #tpu.memory_space<vmem>>[vector<16xi32>, vector<16xi32>], vector<16xf32>,
        %gather3A_718 = tpu.vector_load_idx %arg9[%min3A_192, %and3A_716] : memref<100x128xf32, #tpu.memory_space<vmem>>[vector<16xi32>, vector<16xi32>], vector<16xf32>,
        %mul3A_719 = arith.mulf %gather3A_717, %gather3A_718 : vector<16xf32>
        %add3A_720 = arith.addf %add3A_707, %mul3A_719 : vector<16xf32>
        %mul3A_721 = arith.constant 4 : i32
        %mul3A_722 = arith.muli %scan3A_682, %mul3A_721 : i32
        %add3A_723 = arith.constant 3 : i32
        %add3A_724 = arith.addi %mul3A_722, %add3A_723 : i32
        %add3A_725 = vector.broadcast %add3A_724 : i32 to vector<16xi32>
        %add3A_726 = arith.addi %mul3A_92, %add3A_725 : vector<16xi32>
        %and3A_727 = arith.constant 127 : i32
        %and3A_728 = vector.broadcast %and3A_727 : i32 to vector<16xi32>
        %and3A_729 = arith.andi %add3A_726, %and3A_728 : vector<16xi32>
        %gather3A_730 = tpu.vector_load_idx %arg7[%min3A_192, %and3A_729] : memref<100x128xf32, #tpu.memory_space<vmem>>[vector<16xi32>, vector<16xi32>], vector<16xf32>,
        %gather3A_731 = tpu.vector_load_idx %arg9[%min3A_192, %and3A_729] : memref<100x128xf32, #tpu.memory_space<vmem>>[vector<16xi32>, vector<16xi32>], vector<16xf32>,
        %mul3A_732 = arith.mulf %gather3A_730, %gather3A_731 : vector<16xf32>
        %add3A_733 = arith.addf %add3A_720, %mul3A_732 : vector<16xf32>
        scf.yield %add3A_733 : vector<16xf32>
      }
      %scan3A_200 = arith.constant 32 : i32
      %lt3A = arith.constant 4 : i32
      %lt3A_201 = vector.broadcast %lt3A : i32 to vector<16xi32>
      %lt3A_202 = arith.cmpi slt, %iota3A, %lt3A_201 : vector<16xi32>
      %jit3A = arith.constant -1.000000e+09 : f32
      %broadcast_in_dim3A_203 = vector.broadcast %jit3A : f32 to vector<16xf32>
      %select_n3A = arith.select %lt3A_202, %scan3A_199, %broadcast_in_dim3A_203 : vector<16xi1>, vector<16xf32>
      %swap3A_204 = arith.constant 96 : index
      %swap3A_205 = tpu.vector_load %arg11[%swap3A_204] {strides = array<i32>} : memref<112xf32, #tpu.memory_space<vmem>>, vector<16xf32>,
      tpu.vector_store %arg11[%swap3A_204], %select_n3A {strides = array<i32>} : memref<112xf32, #tpu.memory_space<vmem>>, vector<16xf32>,
      %broadcast_in_dim3A_206 = arith.constant 0.000000e+00 : f32
      %broadcast_in_dim3A_207 = vector.broadcast %broadcast_in_dim3A_206 : f32 to vector<16xf32>
      %get3A = arith.constant 0 : index
      %get3A_208 = tpu.vector_load %arg11[%get3A] {strides = array<i32>} : memref<112xf32, #tpu.memory_space<vmem>>, vector<16xf32>,
      %exp3A = math.exp %get3A_208 : vector<16xf32>
      %swap3A_209 = arith.constant 0 : index
      %swap3A_210 = tpu.vector_load %arg11[%swap3A_209] {strides = array<i32>} : memref<112xf32, #tpu.memory_space<vmem>>, vector<16xf32>,
      tpu.vector_store %arg11[%swap3A_209], %exp3A {strides = array<i32>} : memref<112xf32, #tpu.memory_space<vmem>>, vector<16xf32>,
      %add3A_211 = arith.addf %broadcast_in_dim3A_207, %exp3A : vector<16xf32>
      %get3A_212 = arith.constant 16 : index
      %get3A_213 = tpu.vector_load %arg11[%get3A_212] {strides = array<i32>} : memref<112xf32, #tpu.memory_space<vmem>>, vector<16xf32>,
      %exp3A_214 = math.exp %get3A_213 : vector<16xf32>
      %swap3A_215 = arith.constant 16 : index
      %swap3A_216 = tpu.vector_load %arg11[%swap3A_215] {strides = array<i32>} : memref<112xf32, #tpu.memory_space<vmem>>, vector<16xf32>,
      tpu.vector_store %arg11[%swap3A_215], %exp3A_214 {strides = array<i32>} : memref<112xf32, #tpu.memory_space<vmem>>, vector<16xf32>,
      %add3A_217 = arith.addf %add3A_211, %exp3A_214 : vector<16xf32>
      %get3A_218 = arith.constant 32 : index
      %get3A_219 = tpu.vector_load %arg11[%get3A_218] {strides = array<i32>} : memref<112xf32, #tpu.memory_space<vmem>>, vector<16xf32>,
      %exp3A_220 = math.exp %get3A_219 : vector<16xf32>
      %swap3A_221 = arith.constant 32 : index
      %swap3A_222 = tpu.vector_load %arg11[%swap3A_221] {strides = array<i32>} : memref<112xf32, #tpu.memory_space<vmem>>, vector<16xf32>,
      tpu.vector_store %arg11[%swap3A_221], %exp3A_220 {strides = array<i32>} : memref<112xf32, #tpu.memory_space<vmem>>, vector<16xf32>,
      %add3A_223 = arith.addf %add3A_217, %exp3A_220 : vector<16xf32>
      %get3A_224 = arith.constant 48 : index
      %get3A_225 = tpu.vector_load %arg11[%get3A_224] {strides = array<i32>} : memref<112xf32, #tpu.memory_space<vmem>>, vector<16xf32>,
      %exp3A_226 = math.exp %get3A_225 : vector<16xf32>
      %swap3A_227 = arith.constant 48 : index
      %swap3A_228 = tpu.vector_load %arg11[%swap3A_227] {strides = array<i32>} : memref<112xf32, #tpu.memory_space<vmem>>, vector<16xf32>,
      tpu.vector_store %arg11[%swap3A_227], %exp3A_226 {strides = array<i32>} : memref<112xf32, #tpu.memory_space<vmem>>, vector<16xf32>,
      %add3A_229 = arith.addf %add3A_223, %exp3A_226 : vector<16xf32>
      %get3A_230 = arith.constant 64 : index
      %get3A_231 = tpu.vector_load %arg11[%get3A_230] {strides = array<i32>} : memref<112xf32, #tpu.memory_space<vmem>>, vector<16xf32>,
      %exp3A_232 = math.exp %get3A_231 : vector<16xf32>
      %swap3A_233 = arith.constant 64 : index
      %swap3A_234 = tpu.vector_load %arg11[%swap3A_233] {strides = array<i32>} : memref<112xf32, #tpu.memory_space<vmem>>, vector<16xf32>,
      tpu.vector_store %arg11[%swap3A_233], %exp3A_232 {strides = array<i32>} : memref<112xf32, #tpu.memory_space<vmem>>, vector<16xf32>,
      %add3A_235 = arith.addf %add3A_229, %exp3A_232 : vector<16xf32>
      %get3A_236 = arith.constant 80 : index
      %get3A_237 = tpu.vector_load %arg11[%get3A_236] {strides = array<i32>} : memref<112xf32, #tpu.memory_space<vmem>>, vector<16xf32>,
      %exp3A_238 = math.exp %get3A_237 : vector<16xf32>
      %swap3A_239 = arith.constant 80 : index
      %swap3A_240 = tpu.vector_load %arg11[%swap3A_239] {strides = array<i32>} : memref<112xf32, #tpu.memory_space<vmem>>, vector<16xf32>,
      tpu.vector_store %arg11[%swap3A_239], %exp3A_238 {strides = array<i32>} : memref<112xf32, #tpu.memory_space<vmem>>, vector<16xf32>,
      %add3A_241 = arith.addf %add3A_235, %exp3A_238 : vector<16xf32>
      %get3A_242 = arith.constant 96 : index
      %get3A_243 = tpu.vector_load %arg11[%get3A_242] {strides = array<i32>} : memref<112xf32, #tpu.memory_space<vmem>>, vector<16xf32>,
      %exp3A_244 = math.exp %get3A_243 : vector<16xf32>
      %swap3A_245 = arith.constant 96 : index
      %swap3A_246 = tpu.vector_load %arg11[%swap3A_245] {strides = array<i32>} : memref<112xf32, #tpu.memory_space<vmem>>, vector<16xf32>,
      tpu.vector_store %arg11[%swap3A_245], %exp3A_244 {strides = array<i32>} : memref<112xf32, #tpu.memory_space<vmem>>, vector<16xf32>,
      %add3A_247 = arith.addf %add3A_241, %exp3A_244 : vector<16xf32>
      %reduce_sum3A = arith.constant true
      %reduce_sum3A_248 = vector.broadcast %reduce_sum3A : i1 to vector<16xi1>
      %reduce_sum3A_249 = tpu.scan <sum>, %add3A_247 masked %reduce_sum3A_248 : vector<16xf32>, vector<16xi1> -> vector<16xf32>
      %reduce_sum3A_250 = vector.extract %reduce_sum3A_249[15] : f32 from vector<16xf32>
      %broadcast_in_dim3A_251 = arith.constant 0.000000e+00 : f32
      %broadcast_in_dim3A_252 = vector.broadcast %broadcast_in_dim3A_251 : f32 to vector<16xf32>
      %add3A_253 = vector.broadcast %reduce_sum3A_250 : f32 to vector<16xf32>
      %add3A_254 = arith.addf %broadcast_in_dim3A_252, %add3A_253 : vector<16xf32>
      %div3A = arith.constant 1.000000e+00 : f32
      %div3A_255 = vector.broadcast %div3A : f32 to vector<16xf32>
      %div3A_256 = arith.divf %div3A_255, %add3A_254 : vector<16xf32>
      %get3A_257 = arith.constant 0 : index
      %get3A_258 = tpu.vector_load %arg11[%get3A_257] {strides = array<i32>} : memref<112xf32, #tpu.memory_space<vmem>>, vector<16xf32>,
      %mul3A_259 = arith.mulf %get3A_258, %div3A_256 : vector<16xf32>
      %swap3A_260 = arith.constant 0 : index
      %swap3A_261 = tpu.vector_load %arg11[%swap3A_260] {strides = array<i32>} : memref<112xf32, #tpu.memory_space<vmem>>, vector<16xf32>,
      tpu.vector_store %arg11[%swap3A_260], %mul3A_259 {strides = array<i32>} : memref<112xf32, #tpu.memory_space<vmem>>, vector<16xf32>,
      %get3A_262 = arith.constant 16 : index
      %get3A_263 = tpu.vector_load %arg11[%get3A_262] {strides = array<i32>} : memref<112xf32, #tpu.memory_space<vmem>>, vector<16xf32>,
      %mul3A_264 = arith.mulf %get3A_263, %div3A_256 : vector<16xf32>
      %swap3A_265 = arith.constant 16 : index
      %swap3A_266 = tpu.vector_load %arg11[%swap3A_265] {strides = array<i32>} : memref<112xf32, #tpu.memory_space<vmem>>, vector<16xf32>,
      tpu.vector_store %arg11[%swap3A_265], %mul3A_264 {strides = array<i32>} : memref<112xf32, #tpu.memory_space<vmem>>, vector<16xf32>,
      %get3A_267 = arith.constant 32 : index
      %get3A_268 = tpu.vector_load %arg11[%get3A_267] {strides = array<i32>} : memref<112xf32, #tpu.memory_space<vmem>>, vector<16xf32>,
      %mul3A_269 = arith.mulf %get3A_268, %div3A_256 : vector<16xf32>
      %swap3A_270 = arith.constant 32 : index
      %swap3A_271 = tpu.vector_load %arg11[%swap3A_270] {strides = array<i32>} : memref<112xf32, #tpu.memory_space<vmem>>, vector<16xf32>,
      tpu.vector_store %arg11[%swap3A_270], %mul3A_269 {strides = array<i32>} : memref<112xf32, #tpu.memory_space<vmem>>, vector<16xf32>,
      %get3A_272 = arith.constant 48 : index
      %get3A_273 = tpu.vector_load %arg11[%get3A_272] {strides = array<i32>} : memref<112xf32, #tpu.memory_space<vmem>>, vector<16xf32>,
      %mul3A_274 = arith.mulf %get3A_273, %div3A_256 : vector<16xf32>
      %swap3A_275 = arith.constant 48 : index
      %swap3A_276 = tpu.vector_load %arg11[%swap3A_275] {strides = array<i32>} : memref<112xf32, #tpu.memory_space<vmem>>, vector<16xf32>,
      tpu.vector_store %arg11[%swap3A_275], %mul3A_274 {strides = array<i32>} : memref<112xf32, #tpu.memory_space<vmem>>, vector<16xf32>,
      %get3A_277 = arith.constant 64 : index
      %get3A_278 = tpu.vector_load %arg11[%get3A_277] {strides = array<i32>} : memref<112xf32, #tpu.memory_space<vmem>>, vector<16xf32>,
      %mul3A_279 = arith.mulf %get3A_278, %div3A_256 : vector<16xf32>
      %swap3A_280 = arith.constant 64 : index
      %swap3A_281 = tpu.vector_load %arg11[%swap3A_280] {strides = array<i32>} : memref<112xf32, #tpu.memory_space<vmem>>, vector<16xf32>,
      tpu.vector_store %arg11[%swap3A_280], %mul3A_279 {strides = array<i32>} : memref<112xf32, #tpu.memory_space<vmem>>, vector<16xf32>,
      %get3A_282 = arith.constant 80 : index
      %get3A_283 = tpu.vector_load %arg11[%get3A_282] {strides = array<i32>} : memref<112xf32, #tpu.memory_space<vmem>>, vector<16xf32>,
      %mul3A_284 = arith.mulf %get3A_283, %div3A_256 : vector<16xf32>
      %swap3A_285 = arith.constant 80 : index
      %swap3A_286 = tpu.vector_load %arg11[%swap3A_285] {strides = array<i32>} : memref<112xf32, #tpu.memory_space<vmem>>, vector<16xf32>,
      tpu.vector_store %arg11[%swap3A_285], %mul3A_284 {strides = array<i32>} : memref<112xf32, #tpu.memory_space<vmem>>, vector<16xf32>,
      %get3A_287 = arith.constant 96 : index
      %get3A_288 = tpu.vector_load %arg11[%get3A_287] {strides = array<i32>} : memref<112xf32, #tpu.memory_space<vmem>>, vector<16xf32>,
      %mul3A_289 = arith.mulf %get3A_288, %div3A_256 : vector<16xf32>
      %swap3A_290 = arith.constant 96 : index
      %swap3A_291 = tpu.vector_load %arg11[%swap3A_290] {strides = array<i32>} : memref<112xf32, #tpu.memory_space<vmem>>, vector<16xf32>,
      tpu.vector_store %arg11[%swap3A_290], %mul3A_289 {strides = array<i32>} : memref<112xf32, #tpu.memory_space<vmem>>, vector<16xf32>,
      %broadcast_in_dim3A_292 = arith.constant 0.000000e+00 : f32
      %broadcast_in_dim3A_293 = vector.broadcast %broadcast_in_dim3A_292 : f32 to vector<16xf32>
      %broadcast_in_dim3A_294 = arith.constant 0.000000e+00 : f32
      %broadcast_in_dim3A_295 = vector.broadcast %broadcast_in_dim3A_294 : f32 to vector<16xf32>
      %broadcast_in_dim3A_296 = arith.constant 0.000000e+00 : f32
      %broadcast_in_dim3A_297 = vector.broadcast %broadcast_in_dim3A_296 : f32 to vector<16xf32>
      %broadcast_in_dim3A_298 = arith.constant 0.000000e+00 : f32
      %broadcast_in_dim3A_299 = vector.broadcast %broadcast_in_dim3A_298 : f32 to vector<16xf32>
      %broadcast_in_dim3A_300 = arith.constant 0.000000e+00 : f32
      %broadcast_in_dim3A_301 = vector.broadcast %broadcast_in_dim3A_300 : f32 to vector<16xf32>
      %broadcast_in_dim3A_302 = arith.constant 0.000000e+00 : f32
      %broadcast_in_dim3A_303 = vector.broadcast %broadcast_in_dim3A_302 : f32 to vector<16xf32>
      %broadcast_in_dim3A_304 = arith.constant 0.000000e+00 : f32
      %broadcast_in_dim3A_305 = vector.broadcast %broadcast_in_dim3A_304 : f32 to vector<16xf32>
      %broadcast_in_dim3A_306 = arith.constant 0.000000e+00 : f32
      %broadcast_in_dim3A_307 = vector.broadcast %broadcast_in_dim3A_306 : f32 to vector<16xf32>
      %scan3A_308 = arith.constant 0 : i32
      %scan3A_309 = arith.constant 100 : i32
      %scan3A_310 = arith.addi %scan3A_308, %scan3A_309 : i32
      %scan3A_311 = arith.constant 1 : i32
      %scan3A_312:8 = scf.for %scan3A_682 = %scan3A_308 to %scan3A_310 step %scan3A_311 iter_args(%scan3A_683 = %broadcast_in_dim3A_293, %scan3A_684 = %broadcast_in_dim3A_295, %scan3A_685 = %broadcast_in_dim3A_297, %scan3A_686 = %broadcast_in_dim3A_299, %scan3A_687 = %broadcast_in_dim3A_301, %scan3A_688 = %broadcast_in_dim3A_303, %scan3A_689 = %broadcast_in_dim3A_305, %scan3A_690 = %broadcast_in_dim3A_307) -> (vector<16xf32>, vector<16xf32>, vector<16xf32>, vector<16xf32>, vector<16xf32>, vector<16xf32>, vector<16xf32>, vector<16xf32>)  : i32 {
        %broadcast_in_dim3A_691 = arith.constant 0 : i32
        %broadcast_in_dim3A_692 = vector.broadcast %broadcast_in_dim3A_691 : i32 to vector<16xi32>
        %add3A_693 = vector.broadcast %scan3A_682 : i32 to vector<16xi32>
        %add3A_694 = arith.addi %broadcast_in_dim3A_692, %add3A_693 : vector<16xi32>
        %gather3A = tpu.vector_load_idx %arg11[%add3A_694] : memref<112xf32, #tpu.memory_space<vmem>>[vector<16xi32>], vector<16xf32>,
        %get3A_695 = arith.index_cast %scan3A_682 : i32 to index
        %get3A_696 = arith.constant 0 : index
        %get3A_697 = tpu.vector_load %arg7[%get3A_695, %get3A_696] {strides = array<i32>} : memref<100x128xf32, #tpu.memory_space<vmem>>, vector<16xf32>,
        %mul3A_698 = arith.mulf %gather3A, %get3A_697 : vector<16xf32>
        %add3A_699 = arith.addf %scan3A_683, %mul3A_698 : vector<16xf32>
        %get3A_700 = arith.index_cast %scan3A_682 : i32 to index
        %get3A_701 = arith.constant 16 : index
        %get3A_702 = tpu.vector_load %arg7[%get3A_700, %get3A_701] {strides = array<i32>} : memref<100x128xf32, #tpu.memory_space<vmem>>, vector<16xf32>,
        %mul3A_703 = arith.mulf %gather3A, %get3A_702 : vector<16xf32>
        %add3A_704 = arith.addf %scan3A_684, %mul3A_703 : vector<16xf32>
        %get3A_705 = arith.index_cast %scan3A_682 : i32 to index
        %get3A_706 = arith.constant 32 : index
        %get3A_707 = tpu.vector_load %arg7[%get3A_705, %get3A_706] {strides = array<i32>} : memref<100x128xf32, #tpu.memory_space<vmem>>, vector<16xf32>,
        %mul3A_708 = arith.mulf %gather3A, %get3A_707 : vector<16xf32>
        %add3A_709 = arith.addf %scan3A_685, %mul3A_708 : vector<16xf32>
        %get3A_710 = arith.index_cast %scan3A_682 : i32 to index
        %get3A_711 = arith.constant 48 : index
        %get3A_712 = tpu.vector_load %arg7[%get3A_710, %get3A_711] {strides = array<i32>} : memref<100x128xf32, #tpu.memory_space<vmem>>, vector<16xf32>,
        %mul3A_713 = arith.mulf %gather3A, %get3A_712 : vector<16xf32>
        %add3A_714 = arith.addf %scan3A_686, %mul3A_713 : vector<16xf32>
        %get3A_715 = arith.index_cast %scan3A_682 : i32 to index
        %get3A_716 = arith.constant 64 : index
        %get3A_717 = tpu.vector_load %arg7[%get3A_715, %get3A_716] {strides = array<i32>} : memref<100x128xf32, #tpu.memory_space<vmem>>, vector<16xf32>,
        %mul3A_718 = arith.mulf %gather3A, %get3A_717 : vector<16xf32>
        %add3A_719 = arith.addf %scan3A_687, %mul3A_718 : vector<16xf32>
        %get3A_720 = arith.index_cast %scan3A_682 : i32 to index
        %get3A_721 = arith.constant 80 : index
        %get3A_722 = tpu.vector_load %arg7[%get3A_720, %get3A_721] {strides = array<i32>} : memref<100x128xf32, #tpu.memory_space<vmem>>, vector<16xf32>,
        %mul3A_723 = arith.mulf %gather3A, %get3A_722 : vector<16xf32>
        %add3A_724 = arith.addf %scan3A_688, %mul3A_723 : vector<16xf32>
        %get3A_725 = arith.index_cast %scan3A_682 : i32 to index
        %get3A_726 = arith.constant 96 : index
        %get3A_727 = tpu.vector_load %arg7[%get3A_725, %get3A_726] {strides = array<i32>} : memref<100x128xf32, #tpu.memory_space<vmem>>, vector<16xf32>,
        %mul3A_728 = arith.mulf %gather3A, %get3A_727 : vector<16xf32>
        %add3A_729 = arith.addf %scan3A_689, %mul3A_728 : vector<16xf32>
        %get3A_730 = arith.index_cast %scan3A_682 : i32 to index
        %get3A_731 = arith.constant 112 : index
        %get3A_732 = tpu.vector_load %arg7[%get3A_730, %get3A_731] {strides = array<i32>} : memref<100x128xf32, #tpu.memory_space<vmem>>, vector<16xf32>,
        %mul3A_733 = arith.mulf %gather3A, %get3A_732 : vector<16xf32>
        %add3A_734 = arith.addf %scan3A_690, %mul3A_733 : vector<16xf32>
        scf.yield %add3A_699, %add3A_704, %add3A_709, %add3A_714, %add3A_719, %add3A_724, %add3A_729, %add3A_734 : vector<16xf32>, vector<16xf32>, vector<16xf32>, vector<16xf32>, vector<16xf32>, vector<16xf32>, vector<16xf32>, vector<16xf32>
      }
      %scan3A_313 = arith.constant 100 : i32
      %mul3A_314 = arith.constant 128 : i32
      %mul3A_315 = arith.muli %add3A_52, %mul3A_314 : i32
      %add3A_316 = arith.constant 0 : i32
      %add3A_317 = arith.addi %mul3A_315, %add3A_316 : i32
      %swap3A_318 = arith.index_cast %add3A_317 : i32 to index
      %swap3A_319 = tpu.vector_load %arg12[%swap3A_318] {strides = array<i32>} : memref<16384xf32, #tpu.memory_space<vmem>>, vector<16xf32>,
      tpu.vector_store %arg12[%swap3A_318], %scan3A_312#0 {strides = array<i32>} : memref<16384xf32, #tpu.memory_space<vmem>>, vector<16xf32>,
      %mul3A_320 = arith.constant 128 : i32
      %mul3A_321 = arith.muli %add3A_52, %mul3A_320 : i32
      %add3A_322 = arith.constant 16 : i32
      %add3A_323 = arith.addi %mul3A_321, %add3A_322 : i32
      %swap3A_324 = arith.index_cast %add3A_323 : i32 to index
      %swap3A_325 = tpu.vector_load %arg12[%swap3A_324] {strides = array<i32>} : memref<16384xf32, #tpu.memory_space<vmem>>, vector<16xf32>,
      tpu.vector_store %arg12[%swap3A_324], %scan3A_312#1 {strides = array<i32>} : memref<16384xf32, #tpu.memory_space<vmem>>, vector<16xf32>,
      %mul3A_326 = arith.constant 128 : i32
      %mul3A_327 = arith.muli %add3A_52, %mul3A_326 : i32
      %add3A_328 = arith.constant 32 : i32
      %add3A_329 = arith.addi %mul3A_327, %add3A_328 : i32
      %swap3A_330 = arith.index_cast %add3A_329 : i32 to index
      %swap3A_331 = tpu.vector_load %arg12[%swap3A_330] {strides = array<i32>} : memref<16384xf32, #tpu.memory_space<vmem>>, vector<16xf32>,
      tpu.vector_store %arg12[%swap3A_330], %scan3A_312#2 {strides = array<i32>} : memref<16384xf32, #tpu.memory_space<vmem>>, vector<16xf32>,
      %mul3A_332 = arith.constant 128 : i32
      %mul3A_333 = arith.muli %add3A_52, %mul3A_332 : i32
      %add3A_334 = arith.constant 48 : i32
      %add3A_335 = arith.addi %mul3A_333, %add3A_334 : i32
      %swap3A_336 = arith.index_cast %add3A_335 : i32 to index
      %swap3A_337 = tpu.vector_load %arg12[%swap3A_336] {strides = array<i32>} : memref<16384xf32, #tpu.memory_space<vmem>>, vector<16xf32>,
      tpu.vector_store %arg12[%swap3A_336], %scan3A_312#3 {strides = array<i32>} : memref<16384xf32, #tpu.memory_space<vmem>>, vector<16xf32>,
      %mul3A_338 = arith.constant 128 : i32
      %mul3A_339 = arith.muli %add3A_52, %mul3A_338 : i32
      %add3A_340 = arith.constant 64 : i32
      %add3A_341 = arith.addi %mul3A_339, %add3A_340 : i32
      %swap3A_342 = arith.index_cast %add3A_341 : i32 to index
      %swap3A_343 = tpu.vector_load %arg12[%swap3A_342] {strides = array<i32>} : memref<16384xf32, #tpu.memory_space<vmem>>, vector<16xf32>,
      tpu.vector_store %arg12[%swap3A_342], %scan3A_312#4 {strides = array<i32>} : memref<16384xf32, #tpu.memory_space<vmem>>, vector<16xf32>,
      %mul3A_344 = arith.constant 128 : i32
      %mul3A_345 = arith.muli %add3A_52, %mul3A_344 : i32
      %add3A_346 = arith.constant 80 : i32
      %add3A_347 = arith.addi %mul3A_345, %add3A_346 : i32
      %swap3A_348 = arith.index_cast %add3A_347 : i32 to index
      %swap3A_349 = tpu.vector_load %arg12[%swap3A_348] {strides = array<i32>} : memref<16384xf32, #tpu.memory_space<vmem>>, vector<16xf32>,
      tpu.vector_store %arg12[%swap3A_348], %scan3A_312#5 {strides = array<i32>} : memref<16384xf32, #tpu.memory_space<vmem>>, vector<16xf32>,
      %mul3A_350 = arith.constant 128 : i32
      %mul3A_351 = arith.muli %add3A_52, %mul3A_350 : i32
      %add3A_352 = arith.constant 96 : i32
      %add3A_353 = arith.addi %mul3A_351, %add3A_352 : i32
      %swap3A_354 = arith.index_cast %add3A_353 : i32 to index
      %swap3A_355 = tpu.vector_load %arg12[%swap3A_354] {strides = array<i32>} : memref<16384xf32, #tpu.memory_space<vmem>>, vector<16xf32>,
      tpu.vector_store %arg12[%swap3A_354], %scan3A_312#6 {strides = array<i32>} : memref<16384xf32, #tpu.memory_space<vmem>>, vector<16xf32>,
      %mul3A_356 = arith.constant 128 : i32
      %mul3A_357 = arith.muli %add3A_52, %mul3A_356 : i32
      %add3A_358 = arith.constant 112 : i32
      %add3A_359 = arith.addi %mul3A_357, %add3A_358 : i32
      %swap3A_360 = arith.index_cast %add3A_359 : i32 to index
      %swap3A_361 = tpu.vector_load %arg12[%swap3A_360] {strides = array<i32>} : memref<16384xf32, #tpu.memory_space<vmem>>, vector<16xf32>,
      tpu.vector_store %arg12[%swap3A_360], %scan3A_312#7 {strides = array<i32>} : memref<16384xf32, #tpu.memory_space<vmem>>, vector<16xf32>,
      %add3A_362 = arith.constant 2 : i32
      %add3A_363 = arith.addi %add3A_52, %add3A_362 : i32
      %min3A_364 = arith.constant 127 : i32
      %min3A_365 = arith.minsi %add3A_363, %min3A_364 : i32
      %add3A_366 = arith.addi %add3A_4, %min3A_365 : i32
      %dma_start3A_367 = arith.constant 0 : i32
      %dma_start3A_368 = arith.constant 0 : i32
      %dma_start3A_369 = tpu.memref_slice %arg2[%add3A_366, %dma_start3A_367, %dma_start3A_368] : memref<4096x100x128xf32, #tpu.memory_space<hbm>> -> memref<1x100x128xf32, #tpu.memory_space<hbm>>
      %dma_start3A_370 = tpu.memref_squeeze %dma_start3A_369 : memref<1x100x128xf32, #tpu.memory_space<hbm>> -> memref<100x128xf32, #tpu.memory_space<hbm>>
      %dma_start3A_371 = arith.constant 0 : i32
      %dma_start3A_372 = arith.constant 0 : i32
      %dma_start3A_373 = tpu.memref_slice %arg2[%add3A_366, %dma_start3A_371, %dma_start3A_372] : memref<4096x100x128xf32, #tpu.memory_space<hbm>> -> memref<1x100x128xf32, #tpu.memory_space<hbm>>
      %dma_start3A_374 = tpu.memref_squeeze %dma_start3A_373 : memref<1x100x128xf32, #tpu.memory_space<hbm>> -> memref<100x128xf32, #tpu.memory_space<hbm>>
      tpu.enqueue_dma source(%dma_start3A_374 : memref<100x128xf32, #tpu.memory_space<hbm>>) target(%arg7 : memref<100x128xf32, #tpu.memory_space<vmem>>) target_semaphore(%arg13 : memref<!tpu.dma_semaphore, #tpu.memory_space<semaphore_mem>>)
      %mul3A_375 = arith.constant 104 : i32
      %mul3A_376 = arith.muli %min3A_365, %mul3A_375 : i32
      %dma_start3A_377 = tpu.memref_slice %arg6[%mul3A_376] : memref<13312xi32, #tpu.memory_space<vmem>> -> memref<100xi32, #tpu.memory_space<vmem>>
      %dma_start3A_378 = arith.constant 0 : i32
      %dma_start3A_379 = arith.constant 0 : i32
      %dma_start3A_380 = tpu.memref_slice %arg4[%dma_start3A_378, %dma_start3A_379] : memref<1000x128xf32, #tpu.memory_space<hbm>> -> memref<1000x128xf32, #tpu.memory_space<hbm>>
      tpu.enqueue_indirect_dma source(%dma_start3A_380 : memref<1000x128xf32, #tpu.memory_space<hbm>>) target(%arg9 : memref<100x128xf32, #tpu.memory_space<vmem>>) offsets(%dma_start3A_377 : memref<100xi32, #tpu.memory_space<vmem>>) semaphore(%arg15 : memref<!tpu.dma_semaphore, #tpu.memory_space<semaphore_mem>>)
      %dma_wait3A_381 = arith.constant 0 : i32
      %dma_wait3A_382 = arith.constant 0 : i32
      %dma_wait3A_383 = arith.constant 0 : i32
      %dma_wait3A_384 = tpu.memref_slice %arg2[%dma_wait3A_381, %dma_wait3A_382, %dma_wait3A_383] : memref<4096x100x128xf32, #tpu.memory_space<hbm>> -> memref<1x100x128xf32, #tpu.memory_space<hbm>>
      %dma_wait3A_385 = tpu.memref_squeeze %dma_wait3A_384 : memref<1x100x128xf32, #tpu.memory_space<hbm>> -> memref<100x128xf32, #tpu.memory_space<hbm>>
      %dma_wait3A_386 = arith.constant 0 : i32
      %dma_wait3A_387 = arith.constant 0 : i32
      %dma_wait3A_388 = tpu.memref_slice %arg2[%dma_wait3A_381, %dma_wait3A_386, %dma_wait3A_387] : memref<4096x100x128xf32, #tpu.memory_space<hbm>> -> memref<1x100x128xf32, #tpu.memory_space<hbm>>
      %dma_wait3A_389 = tpu.memref_squeeze %dma_wait3A_388 : memref<1x100x128xf32, #tpu.memory_space<hbm>> -> memref<100x128xf32, #tpu.memory_space<hbm>>
      tpu.wait_dma2 semaphore(%arg14 : memref<!tpu.dma_semaphore, #tpu.memory_space<semaphore_mem>>) src(%dma_wait3A_389 : memref<100x128xf32, #tpu.memory_space<hbm>>) dst(%arg8 : memref<100x128xf32, #tpu.memory_space<vmem>>)
      %dma_wait3A_390 = arith.constant 0 : i32
      %dma_wait3A_391 = arith.constant 0 : i32
      %dma_wait3A_392 = arith.constant 0 : i32
      %dma_wait3A_393 = tpu.memref_slice %arg2[%dma_wait3A_390, %dma_wait3A_391, %dma_wait3A_392] : memref<4096x100x128xf32, #tpu.memory_space<hbm>> -> memref<1x100x128xf32, #tpu.memory_space<hbm>>
      %dma_wait3A_394 = tpu.memref_squeeze %dma_wait3A_393 : memref<1x100x128xf32, #tpu.memory_space<hbm>> -> memref<100x128xf32, #tpu.memory_space<hbm>>
      %dma_wait3A_395 = arith.constant 0 : i32
      %dma_wait3A_396 = arith.constant 0 : i32
      %dma_wait3A_397 = tpu.memref_slice %arg2[%dma_wait3A_390, %dma_wait3A_395, %dma_wait3A_396] : memref<4096x100x128xf32, #tpu.memory_space<hbm>> -> memref<1x100x128xf32, #tpu.memory_space<hbm>>
      %dma_wait3A_398 = tpu.memref_squeeze %dma_wait3A_397 : memref<1x100x128xf32, #tpu.memory_space<hbm>> -> memref<100x128xf32, #tpu.memory_space<hbm>>
      tpu.wait_dma2 semaphore(%arg16 : memref<!tpu.dma_semaphore, #tpu.memory_space<semaphore_mem>>) src(%dma_wait3A_398 : memref<100x128xf32, #tpu.memory_space<hbm>>) dst(%arg10 : memref<100x128xf32, #tpu.memory_space<vmem>>)
      %add3A_399 = arith.constant 1 : i32
      %add3A_400 = arith.addi %add3A_52, %add3A_399 : i32
      %mul3A_401 = arith.constant 8 : i32
      %mul3A_402 = vector.broadcast %mul3A_401 : i32 to vector<16xi32>
      %mul3A_403 = arith.muli %iota3A, %mul3A_402 : vector<16xi32>
      %add3A_404 = arith.constant 0 : i32
      %add3A_405 = vector.broadcast %add3A_404 : i32 to vector<16xi32>
      %add3A_406 = arith.addi %iota3A, %add3A_405 : vector<16xi32>
      %min3A_407 = arith.constant 99 : i32
      %min3A_408 = vector.broadcast %min3A_407 : i32 to vector<16xi32>
      %min3A_409 = arith.minsi %add3A_406, %min3A_408 : vector<16xi32>
      %broadcast_in_dim3A_410 = arith.constant 0.000000e+00 : f32
      %broadcast_in_dim3A_411 = vector.broadcast %broadcast_in_dim3A_410 : f32 to vector<16xf32>
      %scan3A_412 = arith.constant 0 : i32
      %scan3A_413 = arith.constant 32 : i32
      %scan3A_414 = arith.addi %scan3A_412, %scan3A_413 : i32
      %scan3A_415 = arith.constant 1 : i32
      %scan3A_416 = scf.for %scan3A_682 = %scan3A_412 to %scan3A_414 step %scan3A_415 iter_args(%scan3A_683 = %broadcast_in_dim3A_411) -> (vector<16xf32>)  : i32 {
        %mul3A_684 = arith.constant 4 : i32
        %mul3A_685 = arith.muli %scan3A_682, %mul3A_684 : i32
        %add3A_686 = arith.constant 0 : i32
        %add3A_687 = arith.addi %mul3A_685, %add3A_686 : i32
        %add3A_688 = vector.broadcast %add3A_687 : i32 to vector<16xi32>
        %add3A_689 = arith.addi %mul3A_403, %add3A_688 : vector<16xi32>
        %and3A = arith.constant 127 : i32
        %and3A_690 = vector.broadcast %and3A : i32 to vector<16xi32>
        %and3A_691 = arith.andi %add3A_689, %and3A_690 : vector<16xi32>
        %gather3A = tpu.vector_load_idx %arg8[%min3A_409, %and3A_691] : memref<100x128xf32, #tpu.memory_space<vmem>>[vector<16xi32>, vector<16xi32>], vector<16xf32>,
        %gather3A_692 = tpu.vector_load_idx %arg10[%min3A_409, %and3A_691] : memref<100x128xf32, #tpu.memory_space<vmem>>[vector<16xi32>, vector<16xi32>], vector<16xf32>,
        %mul3A_693 = arith.mulf %gather3A, %gather3A_692 : vector<16xf32>
        %add3A_694 = arith.addf %scan3A_683, %mul3A_693 : vector<16xf32>
        %mul3A_695 = arith.constant 4 : i32
        %mul3A_696 = arith.muli %scan3A_682, %mul3A_695 : i32
        %add3A_697 = arith.constant 1 : i32
        %add3A_698 = arith.addi %mul3A_696, %add3A_697 : i32
        %add3A_699 = vector.broadcast %add3A_698 : i32 to vector<16xi32>
        %add3A_700 = arith.addi %mul3A_403, %add3A_699 : vector<16xi32>
        %and3A_701 = arith.constant 127 : i32
        %and3A_702 = vector.broadcast %and3A_701 : i32 to vector<16xi32>
        %and3A_703 = arith.andi %add3A_700, %and3A_702 : vector<16xi32>
        %gather3A_704 = tpu.vector_load_idx %arg8[%min3A_409, %and3A_703] : memref<100x128xf32, #tpu.memory_space<vmem>>[vector<16xi32>, vector<16xi32>], vector<16xf32>,
        %gather3A_705 = tpu.vector_load_idx %arg10[%min3A_409, %and3A_703] : memref<100x128xf32, #tpu.memory_space<vmem>>[vector<16xi32>, vector<16xi32>], vector<16xf32>,
        %mul3A_706 = arith.mulf %gather3A_704, %gather3A_705 : vector<16xf32>
        %add3A_707 = arith.addf %add3A_694, %mul3A_706 : vector<16xf32>
        %mul3A_708 = arith.constant 4 : i32
        %mul3A_709 = arith.muli %scan3A_682, %mul3A_708 : i32
        %add3A_710 = arith.constant 2 : i32
        %add3A_711 = arith.addi %mul3A_709, %add3A_710 : i32
        %add3A_712 = vector.broadcast %add3A_711 : i32 to vector<16xi32>
        %add3A_713 = arith.addi %mul3A_403, %add3A_712 : vector<16xi32>
        %and3A_714 = arith.constant 127 : i32
        %and3A_715 = vector.broadcast %and3A_714 : i32 to vector<16xi32>
        %and3A_716 = arith.andi %add3A_713, %and3A_715 : vector<16xi32>
        %gather3A_717 = tpu.vector_load_idx %arg8[%min3A_409, %and3A_716] : memref<100x128xf32, #tpu.memory_space<vmem>>[vector<16xi32>, vector<16xi32>], vector<16xf32>,
        %gather3A_718 = tpu.vector_load_idx %arg10[%min3A_409, %and3A_716] : memref<100x128xf32, #tpu.memory_space<vmem>>[vector<16xi32>, vector<16xi32>], vector<16xf32>,
        %mul3A_719 = arith.mulf %gather3A_717, %gather3A_718 : vector<16xf32>
        %add3A_720 = arith.addf %add3A_707, %mul3A_719 : vector<16xf32>
        %mul3A_721 = arith.constant 4 : i32
        %mul3A_722 = arith.muli %scan3A_682, %mul3A_721 : i32
        %add3A_723 = arith.constant 3 : i32
        %add3A_724 = arith.addi %mul3A_722, %add3A_723 : i32
        %add3A_725 = vector.broadcast %add3A_724 : i32 to vector<16xi32>
        %add3A_726 = arith.addi %mul3A_403, %add3A_725 : vector<16xi32>
        %and3A_727 = arith.constant 127 : i32
        %and3A_728 = vector.broadcast %and3A_727 : i32 to vector<16xi32>
        %and3A_729 = arith.andi %add3A_726, %and3A_728 : vector<16xi32>
        %gather3A_730 = tpu.vector_load_idx %arg8[%min3A_409, %and3A_729] : memref<100x128xf32, #tpu.memory_space<vmem>>[vector<16xi32>, vector<16xi32>], vector<16xf32>,
        %gather3A_731 = tpu.vector_load_idx %arg10[%min3A_409, %and3A_729] : memref<100x128xf32, #tpu.memory_space<vmem>>[vector<16xi32>, vector<16xi32>], vector<16xf32>,
        %mul3A_732 = arith.mulf %gather3A_730, %gather3A_731 : vector<16xf32>
        %add3A_733 = arith.addf %add3A_720, %mul3A_732 : vector<16xf32>
        scf.yield %add3A_733 : vector<16xf32>
      }
      %scan3A_417 = arith.constant 32 : i32
      %swap3A_418 = arith.constant 0 : index
      %swap3A_419 = tpu.vector_load %arg11[%swap3A_418] {strides = array<i32>} : memref<112xf32, #tpu.memory_space<vmem>>, vector<16xf32>,
      tpu.vector_store %arg11[%swap3A_418], %scan3A_416 {strides = array<i32>} : memref<112xf32, #tpu.memory_space<vmem>>, vector<16xf32>,
      %add3A_420 = arith.constant 16 : i32
      %add3A_421 = vector.broadcast %add3A_420 : i32 to vector<16xi32>
      %add3A_422 = arith.addi %iota3A, %add3A_421 : vector<16xi32>
      %min3A_423 = arith.constant 99 : i32
      %min3A_424 = vector.broadcast %min3A_423 : i32 to vector<16xi32>
      %min3A_425 = arith.minsi %add3A_422, %min3A_424 : vector<16xi32>
      %broadcast_in_dim3A_426 = arith.constant 0.000000e+00 : f32
      %broadcast_in_dim3A_427 = vector.broadcast %broadcast_in_dim3A_426 : f32 to vector<16xf32>
      %scan3A_428 = arith.constant 0 : i32
      %scan3A_429 = arith.constant 32 : i32
      %scan3A_430 = arith.addi %scan3A_428, %scan3A_429 : i32
      %scan3A_431 = arith.constant 1 : i32
      %scan3A_432 = scf.for %scan3A_682 = %scan3A_428 to %scan3A_430 step %scan3A_431 iter_args(%scan3A_683 = %broadcast_in_dim3A_427) -> (vector<16xf32>)  : i32 {
        %mul3A_684 = arith.constant 4 : i32
        %mul3A_685 = arith.muli %scan3A_682, %mul3A_684 : i32
        %add3A_686 = arith.constant 0 : i32
        %add3A_687 = arith.addi %mul3A_685, %add3A_686 : i32
        %add3A_688 = vector.broadcast %add3A_687 : i32 to vector<16xi32>
        %add3A_689 = arith.addi %mul3A_403, %add3A_688 : vector<16xi32>
        %and3A = arith.constant 127 : i32
        %and3A_690 = vector.broadcast %and3A : i32 to vector<16xi32>
        %and3A_691 = arith.andi %add3A_689, %and3A_690 : vector<16xi32>
        %gather3A = tpu.vector_load_idx %arg8[%min3A_425, %and3A_691] : memref<100x128xf32, #tpu.memory_space<vmem>>[vector<16xi32>, vector<16xi32>], vector<16xf32>,
        %gather3A_692 = tpu.vector_load_idx %arg10[%min3A_425, %and3A_691] : memref<100x128xf32, #tpu.memory_space<vmem>>[vector<16xi32>, vector<16xi32>], vector<16xf32>,
        %mul3A_693 = arith.mulf %gather3A, %gather3A_692 : vector<16xf32>
        %add3A_694 = arith.addf %scan3A_683, %mul3A_693 : vector<16xf32>
        %mul3A_695 = arith.constant 4 : i32
        %mul3A_696 = arith.muli %scan3A_682, %mul3A_695 : i32
        %add3A_697 = arith.constant 1 : i32
        %add3A_698 = arith.addi %mul3A_696, %add3A_697 : i32
        %add3A_699 = vector.broadcast %add3A_698 : i32 to vector<16xi32>
        %add3A_700 = arith.addi %mul3A_403, %add3A_699 : vector<16xi32>
        %and3A_701 = arith.constant 127 : i32
        %and3A_702 = vector.broadcast %and3A_701 : i32 to vector<16xi32>
        %and3A_703 = arith.andi %add3A_700, %and3A_702 : vector<16xi32>
        %gather3A_704 = tpu.vector_load_idx %arg8[%min3A_425, %and3A_703] : memref<100x128xf32, #tpu.memory_space<vmem>>[vector<16xi32>, vector<16xi32>], vector<16xf32>,
        %gather3A_705 = tpu.vector_load_idx %arg10[%min3A_425, %and3A_703] : memref<100x128xf32, #tpu.memory_space<vmem>>[vector<16xi32>, vector<16xi32>], vector<16xf32>,
        %mul3A_706 = arith.mulf %gather3A_704, %gather3A_705 : vector<16xf32>
        %add3A_707 = arith.addf %add3A_694, %mul3A_706 : vector<16xf32>
        %mul3A_708 = arith.constant 4 : i32
        %mul3A_709 = arith.muli %scan3A_682, %mul3A_708 : i32
        %add3A_710 = arith.constant 2 : i32
        %add3A_711 = arith.addi %mul3A_709, %add3A_710 : i32
        %add3A_712 = vector.broadcast %add3A_711 : i32 to vector<16xi32>
        %add3A_713 = arith.addi %mul3A_403, %add3A_712 : vector<16xi32>
        %and3A_714 = arith.constant 127 : i32
        %and3A_715 = vector.broadcast %and3A_714 : i32 to vector<16xi32>
        %and3A_716 = arith.andi %add3A_713, %and3A_715 : vector<16xi32>
        %gather3A_717 = tpu.vector_load_idx %arg8[%min3A_425, %and3A_716] : memref<100x128xf32, #tpu.memory_space<vmem>>[vector<16xi32>, vector<16xi32>], vector<16xf32>,
        %gather3A_718 = tpu.vector_load_idx %arg10[%min3A_425, %and3A_716] : memref<100x128xf32, #tpu.memory_space<vmem>>[vector<16xi32>, vector<16xi32>], vector<16xf32>,
        %mul3A_719 = arith.mulf %gather3A_717, %gather3A_718 : vector<16xf32>
        %add3A_720 = arith.addf %add3A_707, %mul3A_719 : vector<16xf32>
        %mul3A_721 = arith.constant 4 : i32
        %mul3A_722 = arith.muli %scan3A_682, %mul3A_721 : i32
        %add3A_723 = arith.constant 3 : i32
        %add3A_724 = arith.addi %mul3A_722, %add3A_723 : i32
        %add3A_725 = vector.broadcast %add3A_724 : i32 to vector<16xi32>
        %add3A_726 = arith.addi %mul3A_403, %add3A_725 : vector<16xi32>
        %and3A_727 = arith.constant 127 : i32
        %and3A_728 = vector.broadcast %and3A_727 : i32 to vector<16xi32>
        %and3A_729 = arith.andi %add3A_726, %and3A_728 : vector<16xi32>
        %gather3A_730 = tpu.vector_load_idx %arg8[%min3A_425, %and3A_729] : memref<100x128xf32, #tpu.memory_space<vmem>>[vector<16xi32>, vector<16xi32>], vector<16xf32>,
        %gather3A_731 = tpu.vector_load_idx %arg10[%min3A_425, %and3A_729] : memref<100x128xf32, #tpu.memory_space<vmem>>[vector<16xi32>, vector<16xi32>], vector<16xf32>,
        %mul3A_732 = arith.mulf %gather3A_730, %gather3A_731 : vector<16xf32>
        %add3A_733 = arith.addf %add3A_720, %mul3A_732 : vector<16xf32>
        scf.yield %add3A_733 : vector<16xf32>
      }
      %scan3A_433 = arith.constant 32 : i32
      %swap3A_434 = arith.constant 16 : index
      %swap3A_435 = tpu.vector_load %arg11[%swap3A_434] {strides = array<i32>} : memref<112xf32, #tpu.memory_space<vmem>>, vector<16xf32>,
      tpu.vector_store %arg11[%swap3A_434], %scan3A_432 {strides = array<i32>} : memref<112xf32, #tpu.memory_space<vmem>>, vector<16xf32>,
      %add3A_436 = arith.constant 32 : i32
      %add3A_437 = vector.broadcast %add3A_436 : i32 to vector<16xi32>
      %add3A_438 = arith.addi %iota3A, %add3A_437 : vector<16xi32>
      %min3A_439 = arith.constant 99 : i32
      %min3A_440 = vector.broadcast %min3A_439 : i32 to vector<16xi32>
      %min3A_441 = arith.minsi %add3A_438, %min3A_440 : vector<16xi32>
      %broadcast_in_dim3A_442 = arith.constant 0.000000e+00 : f32
      %broadcast_in_dim3A_443 = vector.broadcast %broadcast_in_dim3A_442 : f32 to vector<16xf32>
      %scan3A_444 = arith.constant 0 : i32
      %scan3A_445 = arith.constant 32 : i32
      %scan3A_446 = arith.addi %scan3A_444, %scan3A_445 : i32
      %scan3A_447 = arith.constant 1 : i32
      %scan3A_448 = scf.for %scan3A_682 = %scan3A_444 to %scan3A_446 step %scan3A_447 iter_args(%scan3A_683 = %broadcast_in_dim3A_443) -> (vector<16xf32>)  : i32 {
        %mul3A_684 = arith.constant 4 : i32
        %mul3A_685 = arith.muli %scan3A_682, %mul3A_684 : i32
        %add3A_686 = arith.constant 0 : i32
        %add3A_687 = arith.addi %mul3A_685, %add3A_686 : i32
        %add3A_688 = vector.broadcast %add3A_687 : i32 to vector<16xi32>
        %add3A_689 = arith.addi %mul3A_403, %add3A_688 : vector<16xi32>
        %and3A = arith.constant 127 : i32
        %and3A_690 = vector.broadcast %and3A : i32 to vector<16xi32>
        %and3A_691 = arith.andi %add3A_689, %and3A_690 : vector<16xi32>
        %gather3A = tpu.vector_load_idx %arg8[%min3A_441, %and3A_691] : memref<100x128xf32, #tpu.memory_space<vmem>>[vector<16xi32>, vector<16xi32>], vector<16xf32>,
        %gather3A_692 = tpu.vector_load_idx %arg10[%min3A_441, %and3A_691] : memref<100x128xf32, #tpu.memory_space<vmem>>[vector<16xi32>, vector<16xi32>], vector<16xf32>,
        %mul3A_693 = arith.mulf %gather3A, %gather3A_692 : vector<16xf32>
        %add3A_694 = arith.addf %scan3A_683, %mul3A_693 : vector<16xf32>
        %mul3A_695 = arith.constant 4 : i32
        %mul3A_696 = arith.muli %scan3A_682, %mul3A_695 : i32
        %add3A_697 = arith.constant 1 : i32
        %add3A_698 = arith.addi %mul3A_696, %add3A_697 : i32
        %add3A_699 = vector.broadcast %add3A_698 : i32 to vector<16xi32>
        %add3A_700 = arith.addi %mul3A_403, %add3A_699 : vector<16xi32>
        %and3A_701 = arith.constant 127 : i32
        %and3A_702 = vector.broadcast %and3A_701 : i32 to vector<16xi32>
        %and3A_703 = arith.andi %add3A_700, %and3A_702 : vector<16xi32>
        %gather3A_704 = tpu.vector_load_idx %arg8[%min3A_441, %and3A_703] : memref<100x128xf32, #tpu.memory_space<vmem>>[vector<16xi32>, vector<16xi32>], vector<16xf32>,
        %gather3A_705 = tpu.vector_load_idx %arg10[%min3A_441, %and3A_703] : memref<100x128xf32, #tpu.memory_space<vmem>>[vector<16xi32>, vector<16xi32>], vector<16xf32>,
        %mul3A_706 = arith.mulf %gather3A_704, %gather3A_705 : vector<16xf32>
        %add3A_707 = arith.addf %add3A_694, %mul3A_706 : vector<16xf32>
        %mul3A_708 = arith.constant 4 : i32
        %mul3A_709 = arith.muli %scan3A_682, %mul3A_708 : i32
        %add3A_710 = arith.constant 2 : i32
        %add3A_711 = arith.addi %mul3A_709, %add3A_710 : i32
        %add3A_712 = vector.broadcast %add3A_711 : i32 to vector<16xi32>
        %add3A_713 = arith.addi %mul3A_403, %add3A_712 : vector<16xi32>
        %and3A_714 = arith.constant 127 : i32
        %and3A_715 = vector.broadcast %and3A_714 : i32 to vector<16xi32>
        %and3A_716 = arith.andi %add3A_713, %and3A_715 : vector<16xi32>
        %gather3A_717 = tpu.vector_load_idx %arg8[%min3A_441, %and3A_716] : memref<100x128xf32, #tpu.memory_space<vmem>>[vector<16xi32>, vector<16xi32>], vector<16xf32>,
        %gather3A_718 = tpu.vector_load_idx %arg10[%min3A_441, %and3A_716] : memref<100x128xf32, #tpu.memory_space<vmem>>[vector<16xi32>, vector<16xi32>], vector<16xf32>,
        %mul3A_719 = arith.mulf %gather3A_717, %gather3A_718 : vector<16xf32>
        %add3A_720 = arith.addf %add3A_707, %mul3A_719 : vector<16xf32>
        %mul3A_721 = arith.constant 4 : i32
        %mul3A_722 = arith.muli %scan3A_682, %mul3A_721 : i32
        %add3A_723 = arith.constant 3 : i32
        %add3A_724 = arith.addi %mul3A_722, %add3A_723 : i32
        %add3A_725 = vector.broadcast %add3A_724 : i32 to vector<16xi32>
        %add3A_726 = arith.addi %mul3A_403, %add3A_725 : vector<16xi32>
        %and3A_727 = arith.constant 127 : i32
        %and3A_728 = vector.broadcast %and3A_727 : i32 to vector<16xi32>
        %and3A_729 = arith.andi %add3A_726, %and3A_728 : vector<16xi32>
        %gather3A_730 = tpu.vector_load_idx %arg8[%min3A_441, %and3A_729] : memref<100x128xf32, #tpu.memory_space<vmem>>[vector<16xi32>, vector<16xi32>], vector<16xf32>,
        %gather3A_731 = tpu.vector_load_idx %arg10[%min3A_441, %and3A_729] : memref<100x128xf32, #tpu.memory_space<vmem>>[vector<16xi32>, vector<16xi32>], vector<16xf32>,
        %mul3A_732 = arith.mulf %gather3A_730, %gather3A_731 : vector<16xf32>
        %add3A_733 = arith.addf %add3A_720, %mul3A_732 : vector<16xf32>
        scf.yield %add3A_733 : vector<16xf32>
      }
      %scan3A_449 = arith.constant 32 : i32
      %swap3A_450 = arith.constant 32 : index
      %swap3A_451 = tpu.vector_load %arg11[%swap3A_450] {strides = array<i32>} : memref<112xf32, #tpu.memory_space<vmem>>, vector<16xf32>,
      tpu.vector_store %arg11[%swap3A_450], %scan3A_448 {strides = array<i32>} : memref<112xf32, #tpu.memory_space<vmem>>, vector<16xf32>,
      %add3A_452 = arith.constant 48 : i32
      %add3A_453 = vector.broadcast %add3A_452 : i32 to vector<16xi32>
      %add3A_454 = arith.addi %iota3A, %add3A_453 : vector<16xi32>
      %min3A_455 = arith.constant 99 : i32
      %min3A_456 = vector.broadcast %min3A_455 : i32 to vector<16xi32>
      %min3A_457 = arith.minsi %add3A_454, %min3A_456 : vector<16xi32>
      %broadcast_in_dim3A_458 = arith.constant 0.000000e+00 : f32
      %broadcast_in_dim3A_459 = vector.broadcast %broadcast_in_dim3A_458 : f32 to vector<16xf32>
      %scan3A_460 = arith.constant 0 : i32
      %scan3A_461 = arith.constant 32 : i32
      %scan3A_462 = arith.addi %scan3A_460, %scan3A_461 : i32
      %scan3A_463 = arith.constant 1 : i32
      %scan3A_464 = scf.for %scan3A_682 = %scan3A_460 to %scan3A_462 step %scan3A_463 iter_args(%scan3A_683 = %broadcast_in_dim3A_459) -> (vector<16xf32>)  : i32 {
        %mul3A_684 = arith.constant 4 : i32
        %mul3A_685 = arith.muli %scan3A_682, %mul3A_684 : i32
        %add3A_686 = arith.constant 0 : i32
        %add3A_687 = arith.addi %mul3A_685, %add3A_686 : i32
        %add3A_688 = vector.broadcast %add3A_687 : i32 to vector<16xi32>
        %add3A_689 = arith.addi %mul3A_403, %add3A_688 : vector<16xi32>
        %and3A = arith.constant 127 : i32
        %and3A_690 = vector.broadcast %and3A : i32 to vector<16xi32>
        %and3A_691 = arith.andi %add3A_689, %and3A_690 : vector<16xi32>
        %gather3A = tpu.vector_load_idx %arg8[%min3A_457, %and3A_691] : memref<100x128xf32, #tpu.memory_space<vmem>>[vector<16xi32>, vector<16xi32>], vector<16xf32>,
        %gather3A_692 = tpu.vector_load_idx %arg10[%min3A_457, %and3A_691] : memref<100x128xf32, #tpu.memory_space<vmem>>[vector<16xi32>, vector<16xi32>], vector<16xf32>,
        %mul3A_693 = arith.mulf %gather3A, %gather3A_692 : vector<16xf32>
        %add3A_694 = arith.addf %scan3A_683, %mul3A_693 : vector<16xf32>
        %mul3A_695 = arith.constant 4 : i32
        %mul3A_696 = arith.muli %scan3A_682, %mul3A_695 : i32
        %add3A_697 = arith.constant 1 : i32
        %add3A_698 = arith.addi %mul3A_696, %add3A_697 : i32
        %add3A_699 = vector.broadcast %add3A_698 : i32 to vector<16xi32>
        %add3A_700 = arith.addi %mul3A_403, %add3A_699 : vector<16xi32>
        %and3A_701 = arith.constant 127 : i32
        %and3A_702 = vector.broadcast %and3A_701 : i32 to vector<16xi32>
        %and3A_703 = arith.andi %add3A_700, %and3A_702 : vector<16xi32>
        %gather3A_704 = tpu.vector_load_idx %arg8[%min3A_457, %and3A_703] : memref<100x128xf32, #tpu.memory_space<vmem>>[vector<16xi32>, vector<16xi32>], vector<16xf32>,
        %gather3A_705 = tpu.vector_load_idx %arg10[%min3A_457, %and3A_703] : memref<100x128xf32, #tpu.memory_space<vmem>>[vector<16xi32>, vector<16xi32>], vector<16xf32>,
        %mul3A_706 = arith.mulf %gather3A_704, %gather3A_705 : vector<16xf32>
        %add3A_707 = arith.addf %add3A_694, %mul3A_706 : vector<16xf32>
        %mul3A_708 = arith.constant 4 : i32
        %mul3A_709 = arith.muli %scan3A_682, %mul3A_708 : i32
        %add3A_710 = arith.constant 2 : i32
        %add3A_711 = arith.addi %mul3A_709, %add3A_710 : i32
        %add3A_712 = vector.broadcast %add3A_711 : i32 to vector<16xi32>
        %add3A_713 = arith.addi %mul3A_403, %add3A_712 : vector<16xi32>
        %and3A_714 = arith.constant 127 : i32
        %and3A_715 = vector.broadcast %and3A_714 : i32 to vector<16xi32>
        %and3A_716 = arith.andi %add3A_713, %and3A_715 : vector<16xi32>
        %gather3A_717 = tpu.vector_load_idx %arg8[%min3A_457, %and3A_716] : memref<100x128xf32, #tpu.memory_space<vmem>>[vector<16xi32>, vector<16xi32>], vector<16xf32>,
        %gather3A_718 = tpu.vector_load_idx %arg10[%min3A_457, %and3A_716] : memref<100x128xf32, #tpu.memory_space<vmem>>[vector<16xi32>, vector<16xi32>], vector<16xf32>,
        %mul3A_719 = arith.mulf %gather3A_717, %gather3A_718 : vector<16xf32>
        %add3A_720 = arith.addf %add3A_707, %mul3A_719 : vector<16xf32>
        %mul3A_721 = arith.constant 4 : i32
        %mul3A_722 = arith.muli %scan3A_682, %mul3A_721 : i32
        %add3A_723 = arith.constant 3 : i32
        %add3A_724 = arith.addi %mul3A_722, %add3A_723 : i32
        %add3A_725 = vector.broadcast %add3A_724 : i32 to vector<16xi32>
        %add3A_726 = arith.addi %mul3A_403, %add3A_725 : vector<16xi32>
        %and3A_727 = arith.constant 127 : i32
        %and3A_728 = vector.broadcast %and3A_727 : i32 to vector<16xi32>
        %and3A_729 = arith.andi %add3A_726, %and3A_728 : vector<16xi32>
        %gather3A_730 = tpu.vector_load_idx %arg8[%min3A_457, %and3A_729] : memref<100x128xf32, #tpu.memory_space<vmem>>[vector<16xi32>, vector<16xi32>], vector<16xf32>,
        %gather3A_731 = tpu.vector_load_idx %arg10[%min3A_457, %and3A_729] : memref<100x128xf32, #tpu.memory_space<vmem>>[vector<16xi32>, vector<16xi32>], vector<16xf32>,
        %mul3A_732 = arith.mulf %gather3A_730, %gather3A_731 : vector<16xf32>
        %add3A_733 = arith.addf %add3A_720, %mul3A_732 : vector<16xf32>
        scf.yield %add3A_733 : vector<16xf32>
      }
      %scan3A_465 = arith.constant 32 : i32
      %swap3A_466 = arith.constant 48 : index
      %swap3A_467 = tpu.vector_load %arg11[%swap3A_466] {strides = array<i32>} : memref<112xf32, #tpu.memory_space<vmem>>, vector<16xf32>,
      tpu.vector_store %arg11[%swap3A_466], %scan3A_464 {strides = array<i32>} : memref<112xf32, #tpu.memory_space<vmem>>, vector<16xf32>,
      %add3A_468 = arith.constant 64 : i32
      %add3A_469 = vector.broadcast %add3A_468 : i32 to vector<16xi32>
      %add3A_470 = arith.addi %iota3A, %add3A_469 : vector<16xi32>
      %min3A_471 = arith.constant 99 : i32
      %min3A_472 = vector.broadcast %min3A_471 : i32 to vector<16xi32>
      %min3A_473 = arith.minsi %add3A_470, %min3A_472 : vector<16xi32>
      %broadcast_in_dim3A_474 = arith.constant 0.000000e+00 : f32
      %broadcast_in_dim3A_475 = vector.broadcast %broadcast_in_dim3A_474 : f32 to vector<16xf32>
      %scan3A_476 = arith.constant 0 : i32
      %scan3A_477 = arith.constant 32 : i32
      %scan3A_478 = arith.addi %scan3A_476, %scan3A_477 : i32
      %scan3A_479 = arith.constant 1 : i32
      %scan3A_480 = scf.for %scan3A_682 = %scan3A_476 to %scan3A_478 step %scan3A_479 iter_args(%scan3A_683 = %broadcast_in_dim3A_475) -> (vector<16xf32>)  : i32 {
        %mul3A_684 = arith.constant 4 : i32
        %mul3A_685 = arith.muli %scan3A_682, %mul3A_684 : i32
        %add3A_686 = arith.constant 0 : i32
        %add3A_687 = arith.addi %mul3A_685, %add3A_686 : i32
        %add3A_688 = vector.broadcast %add3A_687 : i32 to vector<16xi32>
        %add3A_689 = arith.addi %mul3A_403, %add3A_688 : vector<16xi32>
        %and3A = arith.constant 127 : i32
        %and3A_690 = vector.broadcast %and3A : i32 to vector<16xi32>
        %and3A_691 = arith.andi %add3A_689, %and3A_690 : vector<16xi32>
        %gather3A = tpu.vector_load_idx %arg8[%min3A_473, %and3A_691] : memref<100x128xf32, #tpu.memory_space<vmem>>[vector<16xi32>, vector<16xi32>], vector<16xf32>,
        %gather3A_692 = tpu.vector_load_idx %arg10[%min3A_473, %and3A_691] : memref<100x128xf32, #tpu.memory_space<vmem>>[vector<16xi32>, vector<16xi32>], vector<16xf32>,
        %mul3A_693 = arith.mulf %gather3A, %gather3A_692 : vector<16xf32>
        %add3A_694 = arith.addf %scan3A_683, %mul3A_693 : vector<16xf32>
        %mul3A_695 = arith.constant 4 : i32
        %mul3A_696 = arith.muli %scan3A_682, %mul3A_695 : i32
        %add3A_697 = arith.constant 1 : i32
        %add3A_698 = arith.addi %mul3A_696, %add3A_697 : i32
        %add3A_699 = vector.broadcast %add3A_698 : i32 to vector<16xi32>
        %add3A_700 = arith.addi %mul3A_403, %add3A_699 : vector<16xi32>
        %and3A_701 = arith.constant 127 : i32
        %and3A_702 = vector.broadcast %and3A_701 : i32 to vector<16xi32>
        %and3A_703 = arith.andi %add3A_700, %and3A_702 : vector<16xi32>
        %gather3A_704 = tpu.vector_load_idx %arg8[%min3A_473, %and3A_703] : memref<100x128xf32, #tpu.memory_space<vmem>>[vector<16xi32>, vector<16xi32>], vector<16xf32>,
        %gather3A_705 = tpu.vector_load_idx %arg10[%min3A_473, %and3A_703] : memref<100x128xf32, #tpu.memory_space<vmem>>[vector<16xi32>, vector<16xi32>], vector<16xf32>,
        %mul3A_706 = arith.mulf %gather3A_704, %gather3A_705 : vector<16xf32>
        %add3A_707 = arith.addf %add3A_694, %mul3A_706 : vector<16xf32>
        %mul3A_708 = arith.constant 4 : i32
        %mul3A_709 = arith.muli %scan3A_682, %mul3A_708 : i32
        %add3A_710 = arith.constant 2 : i32
        %add3A_711 = arith.addi %mul3A_709, %add3A_710 : i32
        %add3A_712 = vector.broadcast %add3A_711 : i32 to vector<16xi32>
        %add3A_713 = arith.addi %mul3A_403, %add3A_712 : vector<16xi32>
        %and3A_714 = arith.constant 127 : i32
        %and3A_715 = vector.broadcast %and3A_714 : i32 to vector<16xi32>
        %and3A_716 = arith.andi %add3A_713, %and3A_715 : vector<16xi32>
        %gather3A_717 = tpu.vector_load_idx %arg8[%min3A_473, %and3A_716] : memref<100x128xf32, #tpu.memory_space<vmem>>[vector<16xi32>, vector<16xi32>], vector<16xf32>,
        %gather3A_718 = tpu.vector_load_idx %arg10[%min3A_473, %and3A_716] : memref<100x128xf32, #tpu.memory_space<vmem>>[vector<16xi32>, vector<16xi32>], vector<16xf32>,
        %mul3A_719 = arith.mulf %gather3A_717, %gather3A_718 : vector<16xf32>
        %add3A_720 = arith.addf %add3A_707, %mul3A_719 : vector<16xf32>
        %mul3A_721 = arith.constant 4 : i32
        %mul3A_722 = arith.muli %scan3A_682, %mul3A_721 : i32
        %add3A_723 = arith.constant 3 : i32
        %add3A_724 = arith.addi %mul3A_722, %add3A_723 : i32
        %add3A_725 = vector.broadcast %add3A_724 : i32 to vector<16xi32>
        %add3A_726 = arith.addi %mul3A_403, %add3A_725 : vector<16xi32>
        %and3A_727 = arith.constant 127 : i32
        %and3A_728 = vector.broadcast %and3A_727 : i32 to vector<16xi32>
        %and3A_729 = arith.andi %add3A_726, %and3A_728 : vector<16xi32>
        %gather3A_730 = tpu.vector_load_idx %arg8[%min3A_473, %and3A_729] : memref<100x128xf32, #tpu.memory_space<vmem>>[vector<16xi32>, vector<16xi32>], vector<16xf32>,
        %gather3A_731 = tpu.vector_load_idx %arg10[%min3A_473, %and3A_729] : memref<100x128xf32, #tpu.memory_space<vmem>>[vector<16xi32>, vector<16xi32>], vector<16xf32>,
        %mul3A_732 = arith.mulf %gather3A_730, %gather3A_731 : vector<16xf32>
        %add3A_733 = arith.addf %add3A_720, %mul3A_732 : vector<16xf32>
        scf.yield %add3A_733 : vector<16xf32>
      }
      %scan3A_481 = arith.constant 32 : i32
      %swap3A_482 = arith.constant 64 : index
      %swap3A_483 = tpu.vector_load %arg11[%swap3A_482] {strides = array<i32>} : memref<112xf32, #tpu.memory_space<vmem>>, vector<16xf32>,
      tpu.vector_store %arg11[%swap3A_482], %scan3A_480 {strides = array<i32>} : memref<112xf32, #tpu.memory_space<vmem>>, vector<16xf32>,
      %add3A_484 = arith.constant 80 : i32
      %add3A_485 = vector.broadcast %add3A_484 : i32 to vector<16xi32>
      %add3A_486 = arith.addi %iota3A, %add3A_485 : vector<16xi32>
      %min3A_487 = arith.constant 99 : i32
      %min3A_488 = vector.broadcast %min3A_487 : i32 to vector<16xi32>
      %min3A_489 = arith.minsi %add3A_486, %min3A_488 : vector<16xi32>
      %broadcast_in_dim3A_490 = arith.constant 0.000000e+00 : f32
      %broadcast_in_dim3A_491 = vector.broadcast %broadcast_in_dim3A_490 : f32 to vector<16xf32>
      %scan3A_492 = arith.constant 0 : i32
      %scan3A_493 = arith.constant 32 : i32
      %scan3A_494 = arith.addi %scan3A_492, %scan3A_493 : i32
      %scan3A_495 = arith.constant 1 : i32
      %scan3A_496 = scf.for %scan3A_682 = %scan3A_492 to %scan3A_494 step %scan3A_495 iter_args(%scan3A_683 = %broadcast_in_dim3A_491) -> (vector<16xf32>)  : i32 {
        %mul3A_684 = arith.constant 4 : i32
        %mul3A_685 = arith.muli %scan3A_682, %mul3A_684 : i32
        %add3A_686 = arith.constant 0 : i32
        %add3A_687 = arith.addi %mul3A_685, %add3A_686 : i32
        %add3A_688 = vector.broadcast %add3A_687 : i32 to vector<16xi32>
        %add3A_689 = arith.addi %mul3A_403, %add3A_688 : vector<16xi32>
        %and3A = arith.constant 127 : i32
        %and3A_690 = vector.broadcast %and3A : i32 to vector<16xi32>
        %and3A_691 = arith.andi %add3A_689, %and3A_690 : vector<16xi32>
        %gather3A = tpu.vector_load_idx %arg8[%min3A_489, %and3A_691] : memref<100x128xf32, #tpu.memory_space<vmem>>[vector<16xi32>, vector<16xi32>], vector<16xf32>,
        %gather3A_692 = tpu.vector_load_idx %arg10[%min3A_489, %and3A_691] : memref<100x128xf32, #tpu.memory_space<vmem>>[vector<16xi32>, vector<16xi32>], vector<16xf32>,
        %mul3A_693 = arith.mulf %gather3A, %gather3A_692 : vector<16xf32>
        %add3A_694 = arith.addf %scan3A_683, %mul3A_693 : vector<16xf32>
        %mul3A_695 = arith.constant 4 : i32
        %mul3A_696 = arith.muli %scan3A_682, %mul3A_695 : i32
        %add3A_697 = arith.constant 1 : i32
        %add3A_698 = arith.addi %mul3A_696, %add3A_697 : i32
        %add3A_699 = vector.broadcast %add3A_698 : i32 to vector<16xi32>
        %add3A_700 = arith.addi %mul3A_403, %add3A_699 : vector<16xi32>
        %and3A_701 = arith.constant 127 : i32
        %and3A_702 = vector.broadcast %and3A_701 : i32 to vector<16xi32>
        %and3A_703 = arith.andi %add3A_700, %and3A_702 : vector<16xi32>
        %gather3A_704 = tpu.vector_load_idx %arg8[%min3A_489, %and3A_703] : memref<100x128xf32, #tpu.memory_space<vmem>>[vector<16xi32>, vector<16xi32>], vector<16xf32>,
        %gather3A_705 = tpu.vector_load_idx %arg10[%min3A_489, %and3A_703] : memref<100x128xf32, #tpu.memory_space<vmem>>[vector<16xi32>, vector<16xi32>], vector<16xf32>,
        %mul3A_706 = arith.mulf %gather3A_704, %gather3A_705 : vector<16xf32>
        %add3A_707 = arith.addf %add3A_694, %mul3A_706 : vector<16xf32>
        %mul3A_708 = arith.constant 4 : i32
        %mul3A_709 = arith.muli %scan3A_682, %mul3A_708 : i32
        %add3A_710 = arith.constant 2 : i32
        %add3A_711 = arith.addi %mul3A_709, %add3A_710 : i32
        %add3A_712 = vector.broadcast %add3A_711 : i32 to vector<16xi32>
        %add3A_713 = arith.addi %mul3A_403, %add3A_712 : vector<16xi32>
        %and3A_714 = arith.constant 127 : i32
        %and3A_715 = vector.broadcast %and3A_714 : i32 to vector<16xi32>
        %and3A_716 = arith.andi %add3A_713, %and3A_715 : vector<16xi32>
        %gather3A_717 = tpu.vector_load_idx %arg8[%min3A_489, %and3A_716] : memref<100x128xf32, #tpu.memory_space<vmem>>[vector<16xi32>, vector<16xi32>], vector<16xf32>,
        %gather3A_718 = tpu.vector_load_idx %arg10[%min3A_489, %and3A_716] : memref<100x128xf32, #tpu.memory_space<vmem>>[vector<16xi32>, vector<16xi32>], vector<16xf32>,
        %mul3A_719 = arith.mulf %gather3A_717, %gather3A_718 : vector<16xf32>
        %add3A_720 = arith.addf %add3A_707, %mul3A_719 : vector<16xf32>
        %mul3A_721 = arith.constant 4 : i32
        %mul3A_722 = arith.muli %scan3A_682, %mul3A_721 : i32
        %add3A_723 = arith.constant 3 : i32
        %add3A_724 = arith.addi %mul3A_722, %add3A_723 : i32
        %add3A_725 = vector.broadcast %add3A_724 : i32 to vector<16xi32>
        %add3A_726 = arith.addi %mul3A_403, %add3A_725 : vector<16xi32>
        %and3A_727 = arith.constant 127 : i32
        %and3A_728 = vector.broadcast %and3A_727 : i32 to vector<16xi32>
        %and3A_729 = arith.andi %add3A_726, %and3A_728 : vector<16xi32>
        %gather3A_730 = tpu.vector_load_idx %arg8[%min3A_489, %and3A_729] : memref<100x128xf32, #tpu.memory_space<vmem>>[vector<16xi32>, vector<16xi32>], vector<16xf32>,
        %gather3A_731 = tpu.vector_load_idx %arg10[%min3A_489, %and3A_729] : memref<100x128xf32, #tpu.memory_space<vmem>>[vector<16xi32>, vector<16xi32>], vector<16xf32>,
        %mul3A_732 = arith.mulf %gather3A_730, %gather3A_731 : vector<16xf32>
        %add3A_733 = arith.addf %add3A_720, %mul3A_732 : vector<16xf32>
        scf.yield %add3A_733 : vector<16xf32>
      }
      %scan3A_497 = arith.constant 32 : i32
      %swap3A_498 = arith.constant 80 : index
      %swap3A_499 = tpu.vector_load %arg11[%swap3A_498] {strides = array<i32>} : memref<112xf32, #tpu.memory_space<vmem>>, vector<16xf32>,
      tpu.vector_store %arg11[%swap3A_498], %scan3A_496 {strides = array<i32>} : memref<112xf32, #tpu.memory_space<vmem>>, vector<16xf32>,
      %add3A_500 = arith.constant 96 : i32
      %add3A_501 = vector.broadcast %add3A_500 : i32 to vector<16xi32>
      %add3A_502 = arith.addi %iota3A, %add3A_501 : vector<16xi32>
      %min3A_503 = arith.constant 99 : i32
      %min3A_504 = vector.broadcast %min3A_503 : i32 to vector<16xi32>
      %min3A_505 = arith.minsi %add3A_502, %min3A_504 : vector<16xi32>
      %broadcast_in_dim3A_506 = arith.constant 0.000000e+00 : f32
      %broadcast_in_dim3A_507 = vector.broadcast %broadcast_in_dim3A_506 : f32 to vector<16xf32>
      %scan3A_508 = arith.constant 0 : i32
      %scan3A_509 = arith.constant 32 : i32
      %scan3A_510 = arith.addi %scan3A_508, %scan3A_509 : i32
      %scan3A_511 = arith.constant 1 : i32
      %scan3A_512 = scf.for %scan3A_682 = %scan3A_508 to %scan3A_510 step %scan3A_511 iter_args(%scan3A_683 = %broadcast_in_dim3A_507) -> (vector<16xf32>)  : i32 {
        %mul3A_684 = arith.constant 4 : i32
        %mul3A_685 = arith.muli %scan3A_682, %mul3A_684 : i32
        %add3A_686 = arith.constant 0 : i32
        %add3A_687 = arith.addi %mul3A_685, %add3A_686 : i32
        %add3A_688 = vector.broadcast %add3A_687 : i32 to vector<16xi32>
        %add3A_689 = arith.addi %mul3A_403, %add3A_688 : vector<16xi32>
        %and3A = arith.constant 127 : i32
        %and3A_690 = vector.broadcast %and3A : i32 to vector<16xi32>
        %and3A_691 = arith.andi %add3A_689, %and3A_690 : vector<16xi32>
        %gather3A = tpu.vector_load_idx %arg8[%min3A_505, %and3A_691] : memref<100x128xf32, #tpu.memory_space<vmem>>[vector<16xi32>, vector<16xi32>], vector<16xf32>,
        %gather3A_692 = tpu.vector_load_idx %arg10[%min3A_505, %and3A_691] : memref<100x128xf32, #tpu.memory_space<vmem>>[vector<16xi32>, vector<16xi32>], vector<16xf32>,
        %mul3A_693 = arith.mulf %gather3A, %gather3A_692 : vector<16xf32>
        %add3A_694 = arith.addf %scan3A_683, %mul3A_693 : vector<16xf32>
        %mul3A_695 = arith.constant 4 : i32
        %mul3A_696 = arith.muli %scan3A_682, %mul3A_695 : i32
        %add3A_697 = arith.constant 1 : i32
        %add3A_698 = arith.addi %mul3A_696, %add3A_697 : i32
        %add3A_699 = vector.broadcast %add3A_698 : i32 to vector<16xi32>
        %add3A_700 = arith.addi %mul3A_403, %add3A_699 : vector<16xi32>
        %and3A_701 = arith.constant 127 : i32
        %and3A_702 = vector.broadcast %and3A_701 : i32 to vector<16xi32>
        %and3A_703 = arith.andi %add3A_700, %and3A_702 : vector<16xi32>
        %gather3A_704 = tpu.vector_load_idx %arg8[%min3A_505, %and3A_703] : memref<100x128xf32, #tpu.memory_space<vmem>>[vector<16xi32>, vector<16xi32>], vector<16xf32>,
        %gather3A_705 = tpu.vector_load_idx %arg10[%min3A_505, %and3A_703] : memref<100x128xf32, #tpu.memory_space<vmem>>[vector<16xi32>, vector<16xi32>], vector<16xf32>,
        %mul3A_706 = arith.mulf %gather3A_704, %gather3A_705 : vector<16xf32>
        %add3A_707 = arith.addf %add3A_694, %mul3A_706 : vector<16xf32>
        %mul3A_708 = arith.constant 4 : i32
        %mul3A_709 = arith.muli %scan3A_682, %mul3A_708 : i32
        %add3A_710 = arith.constant 2 : i32
        %add3A_711 = arith.addi %mul3A_709, %add3A_710 : i32
        %add3A_712 = vector.broadcast %add3A_711 : i32 to vector<16xi32>
        %add3A_713 = arith.addi %mul3A_403, %add3A_712 : vector<16xi32>
        %and3A_714 = arith.constant 127 : i32
        %and3A_715 = vector.broadcast %and3A_714 : i32 to vector<16xi32>
        %and3A_716 = arith.andi %add3A_713, %and3A_715 : vector<16xi32>
        %gather3A_717 = tpu.vector_load_idx %arg8[%min3A_505, %and3A_716] : memref<100x128xf32, #tpu.memory_space<vmem>>[vector<16xi32>, vector<16xi32>], vector<16xf32>,
        %gather3A_718 = tpu.vector_load_idx %arg10[%min3A_505, %and3A_716] : memref<100x128xf32, #tpu.memory_space<vmem>>[vector<16xi32>, vector<16xi32>], vector<16xf32>,
        %mul3A_719 = arith.mulf %gather3A_717, %gather3A_718 : vector<16xf32>
        %add3A_720 = arith.addf %add3A_707, %mul3A_719 : vector<16xf32>
        %mul3A_721 = arith.constant 4 : i32
        %mul3A_722 = arith.muli %scan3A_682, %mul3A_721 : i32
        %add3A_723 = arith.constant 3 : i32
        %add3A_724 = arith.addi %mul3A_722, %add3A_723 : i32
        %add3A_725 = vector.broadcast %add3A_724 : i32 to vector<16xi32>
        %add3A_726 = arith.addi %mul3A_403, %add3A_725 : vector<16xi32>
        %and3A_727 = arith.constant 127 : i32
        %and3A_728 = vector.broadcast %and3A_727 : i32 to vector<16xi32>
        %and3A_729 = arith.andi %add3A_726, %and3A_728 : vector<16xi32>
        %gather3A_730 = tpu.vector_load_idx %arg8[%min3A_505, %and3A_729] : memref<100x128xf32, #tpu.memory_space<vmem>>[vector<16xi32>, vector<16xi32>], vector<16xf32>,
        %gather3A_731 = tpu.vector_load_idx %arg10[%min3A_505, %and3A_729] : memref<100x128xf32, #tpu.memory_space<vmem>>[vector<16xi32>, vector<16xi32>], vector<16xf32>,
        %mul3A_732 = arith.mulf %gather3A_730, %gather3A_731 : vector<16xf32>
        %add3A_733 = arith.addf %add3A_720, %mul3A_732 : vector<16xf32>
        scf.yield %add3A_733 : vector<16xf32>
      }
      %scan3A_513 = arith.constant 32 : i32
      %lt3A_514 = arith.constant 4 : i32
      %lt3A_515 = vector.broadcast %lt3A_514 : i32 to vector<16xi32>
      %lt3A_516 = arith.cmpi slt, %iota3A, %lt3A_515 : vector<16xi32>
      %jit3A_517 = arith.constant -1.000000e+09 : f32
      %broadcast_in_dim3A_518 = vector.broadcast %jit3A_517 : f32 to vector<16xf32>
      %select_n3A_519 = arith.select %lt3A_516, %scan3A_512, %broadcast_in_dim3A_518 : vector<16xi1>, vector<16xf32>
      %swap3A_520 = arith.constant 96 : index
      %swap3A_521 = tpu.vector_load %arg11[%swap3A_520] {strides = array<i32>} : memref<112xf32, #tpu.memory_space<vmem>>, vector<16xf32>,
      tpu.vector_store %arg11[%swap3A_520], %select_n3A_519 {strides = array<i32>} : memref<112xf32, #tpu.memory_space<vmem>>, vector<16xf32>,
      %broadcast_in_dim3A_522 = arith.constant 0.000000e+00 : f32
      %broadcast_in_dim3A_523 = vector.broadcast %broadcast_in_dim3A_522 : f32 to vector<16xf32>
      %get3A_524 = arith.constant 0 : index
      %get3A_525 = tpu.vector_load %arg11[%get3A_524] {strides = array<i32>} : memref<112xf32, #tpu.memory_space<vmem>>, vector<16xf32>,
      %exp3A_526 = math.exp %get3A_525 : vector<16xf32>
      %swap3A_527 = arith.constant 0 : index
      %swap3A_528 = tpu.vector_load %arg11[%swap3A_527] {strides = array<i32>} : memref<112xf32, #tpu.memory_space<vmem>>, vector<16xf32>,
      tpu.vector_store %arg11[%swap3A_527], %exp3A_526 {strides = array<i32>} : memref<112xf32, #tpu.memory_space<vmem>>, vector<16xf32>,
      %add3A_529 = arith.addf %broadcast_in_dim3A_523, %exp3A_526 : vector<16xf32>
      %get3A_530 = arith.constant 16 : index
      %get3A_531 = tpu.vector_load %arg11[%get3A_530] {strides = array<i32>} : memref<112xf32, #tpu.memory_space<vmem>>, vector<16xf32>,
      %exp3A_532 = math.exp %get3A_531 : vector<16xf32>
      %swap3A_533 = arith.constant 16 : index
      %swap3A_534 = tpu.vector_load %arg11[%swap3A_533] {strides = array<i32>} : memref<112xf32, #tpu.memory_space<vmem>>, vector<16xf32>,
      tpu.vector_store %arg11[%swap3A_533], %exp3A_532 {strides = array<i32>} : memref<112xf32, #tpu.memory_space<vmem>>, vector<16xf32>,
      %add3A_535 = arith.addf %add3A_529, %exp3A_532 : vector<16xf32>
      %get3A_536 = arith.constant 32 : index
      %get3A_537 = tpu.vector_load %arg11[%get3A_536] {strides = array<i32>} : memref<112xf32, #tpu.memory_space<vmem>>, vector<16xf32>,
      %exp3A_538 = math.exp %get3A_537 : vector<16xf32>
      %swap3A_539 = arith.constant 32 : index
      %swap3A_540 = tpu.vector_load %arg11[%swap3A_539] {strides = array<i32>} : memref<112xf32, #tpu.memory_space<vmem>>, vector<16xf32>,
      tpu.vector_store %arg11[%swap3A_539], %exp3A_538 {strides = array<i32>} : memref<112xf32, #tpu.memory_space<vmem>>, vector<16xf32>,
      %add3A_541 = arith.addf %add3A_535, %exp3A_538 : vector<16xf32>
      %get3A_542 = arith.constant 48 : index
      %get3A_543 = tpu.vector_load %arg11[%get3A_542] {strides = array<i32>} : memref<112xf32, #tpu.memory_space<vmem>>, vector<16xf32>,
      %exp3A_544 = math.exp %get3A_543 : vector<16xf32>
      %swap3A_545 = arith.constant 48 : index
      %swap3A_546 = tpu.vector_load %arg11[%swap3A_545] {strides = array<i32>} : memref<112xf32, #tpu.memory_space<vmem>>, vector<16xf32>,
      tpu.vector_store %arg11[%swap3A_545], %exp3A_544 {strides = array<i32>} : memref<112xf32, #tpu.memory_space<vmem>>, vector<16xf32>,
      %add3A_547 = arith.addf %add3A_541, %exp3A_544 : vector<16xf32>
      %get3A_548 = arith.constant 64 : index
      %get3A_549 = tpu.vector_load %arg11[%get3A_548] {strides = array<i32>} : memref<112xf32, #tpu.memory_space<vmem>>, vector<16xf32>,
      %exp3A_550 = math.exp %get3A_549 : vector<16xf32>
      %swap3A_551 = arith.constant 64 : index
      %swap3A_552 = tpu.vector_load %arg11[%swap3A_551] {strides = array<i32>} : memref<112xf32, #tpu.memory_space<vmem>>, vector<16xf32>,
      tpu.vector_store %arg11[%swap3A_551], %exp3A_550 {strides = array<i32>} : memref<112xf32, #tpu.memory_space<vmem>>, vector<16xf32>,
      %add3A_553 = arith.addf %add3A_547, %exp3A_550 : vector<16xf32>
      %get3A_554 = arith.constant 80 : index
      %get3A_555 = tpu.vector_load %arg11[%get3A_554] {strides = array<i32>} : memref<112xf32, #tpu.memory_space<vmem>>, vector<16xf32>,
      %exp3A_556 = math.exp %get3A_555 : vector<16xf32>
      %swap3A_557 = arith.constant 80 : index
      %swap3A_558 = tpu.vector_load %arg11[%swap3A_557] {strides = array<i32>} : memref<112xf32, #tpu.memory_space<vmem>>, vector<16xf32>,
      tpu.vector_store %arg11[%swap3A_557], %exp3A_556 {strides = array<i32>} : memref<112xf32, #tpu.memory_space<vmem>>, vector<16xf32>,
      %add3A_559 = arith.addf %add3A_553, %exp3A_556 : vector<16xf32>
      %get3A_560 = arith.constant 96 : index
      %get3A_561 = tpu.vector_load %arg11[%get3A_560] {strides = array<i32>} : memref<112xf32, #tpu.memory_space<vmem>>, vector<16xf32>,
      %exp3A_562 = math.exp %get3A_561 : vector<16xf32>
      %swap3A_563 = arith.constant 96 : index
      %swap3A_564 = tpu.vector_load %arg11[%swap3A_563] {strides = array<i32>} : memref<112xf32, #tpu.memory_space<vmem>>, vector<16xf32>,
      tpu.vector_store %arg11[%swap3A_563], %exp3A_562 {strides = array<i32>} : memref<112xf32, #tpu.memory_space<vmem>>, vector<16xf32>,
      %add3A_565 = arith.addf %add3A_559, %exp3A_562 : vector<16xf32>
      %reduce_sum3A_566 = arith.constant true
      %reduce_sum3A_567 = vector.broadcast %reduce_sum3A_566 : i1 to vector<16xi1>
      %reduce_sum3A_568 = tpu.scan <sum>, %add3A_565 masked %reduce_sum3A_567 : vector<16xf32>, vector<16xi1> -> vector<16xf32>
      %reduce_sum3A_569 = vector.extract %reduce_sum3A_568[15] : f32 from vector<16xf32>
      %broadcast_in_dim3A_570 = arith.constant 0.000000e+00 : f32
      %broadcast_in_dim3A_571 = vector.broadcast %broadcast_in_dim3A_570 : f32 to vector<16xf32>
      %add3A_572 = vector.broadcast %reduce_sum3A_569 : f32 to vector<16xf32>
      %add3A_573 = arith.addf %broadcast_in_dim3A_571, %add3A_572 : vector<16xf32>
      %div3A_574 = arith.constant 1.000000e+00 : f32
      %div3A_575 = vector.broadcast %div3A_574 : f32 to vector<16xf32>
      %div3A_576 = arith.divf %div3A_575, %add3A_573 : vector<16xf32>
      %get3A_577 = arith.constant 0 : index
      %get3A_578 = tpu.vector_load %arg11[%get3A_577] {strides = array<i32>} : memref<112xf32, #tpu.memory_space<vmem>>, vector<16xf32>,
      %mul3A_579 = arith.mulf %get3A_578, %div3A_576 : vector<16xf32>
      %swap3A_580 = arith.constant 0 : index
      %swap3A_581 = tpu.vector_load %arg11[%swap3A_580] {strides = array<i32>} : memref<112xf32, #tpu.memory_space<vmem>>, vector<16xf32>,
      tpu.vector_store %arg11[%swap3A_580], %mul3A_579 {strides = array<i32>} : memref<112xf32, #tpu.memory_space<vmem>>, vector<16xf32>,
      %get3A_582 = arith.constant 16 : index
      %get3A_583 = tpu.vector_load %arg11[%get3A_582] {strides = array<i32>} : memref<112xf32, #tpu.memory_space<vmem>>, vector<16xf32>,
      %mul3A_584 = arith.mulf %get3A_583, %div3A_576 : vector<16xf32>
      %swap3A_585 = arith.constant 16 : index
      %swap3A_586 = tpu.vector_load %arg11[%swap3A_585] {strides = array<i32>} : memref<112xf32, #tpu.memory_space<vmem>>, vector<16xf32>,
      tpu.vector_store %arg11[%swap3A_585], %mul3A_584 {strides = array<i32>} : memref<112xf32, #tpu.memory_space<vmem>>, vector<16xf32>,
      %get3A_587 = arith.constant 32 : index
      %get3A_588 = tpu.vector_load %arg11[%get3A_587] {strides = array<i32>} : memref<112xf32, #tpu.memory_space<vmem>>, vector<16xf32>,
      %mul3A_589 = arith.mulf %get3A_588, %div3A_576 : vector<16xf32>
      %swap3A_590 = arith.constant 32 : index
      %swap3A_591 = tpu.vector_load %arg11[%swap3A_590] {strides = array<i32>} : memref<112xf32, #tpu.memory_space<vmem>>, vector<16xf32>,
      tpu.vector_store %arg11[%swap3A_590], %mul3A_589 {strides = array<i32>} : memref<112xf32, #tpu.memory_space<vmem>>, vector<16xf32>,
      %get3A_592 = arith.constant 48 : index
      %get3A_593 = tpu.vector_load %arg11[%get3A_592] {strides = array<i32>} : memref<112xf32, #tpu.memory_space<vmem>>, vector<16xf32>,
      %mul3A_594 = arith.mulf %get3A_593, %div3A_576 : vector<16xf32>
      %swap3A_595 = arith.constant 48 : index
      %swap3A_596 = tpu.vector_load %arg11[%swap3A_595] {strides = array<i32>} : memref<112xf32, #tpu.memory_space<vmem>>, vector<16xf32>,
      tpu.vector_store %arg11[%swap3A_595], %mul3A_594 {strides = array<i32>} : memref<112xf32, #tpu.memory_space<vmem>>, vector<16xf32>,
      %get3A_597 = arith.constant 64 : index
      %get3A_598 = tpu.vector_load %arg11[%get3A_597] {strides = array<i32>} : memref<112xf32, #tpu.memory_space<vmem>>, vector<16xf32>,
      %mul3A_599 = arith.mulf %get3A_598, %div3A_576 : vector<16xf32>
      %swap3A_600 = arith.constant 64 : index
      %swap3A_601 = tpu.vector_load %arg11[%swap3A_600] {strides = array<i32>} : memref<112xf32, #tpu.memory_space<vmem>>, vector<16xf32>,
      tpu.vector_store %arg11[%swap3A_600], %mul3A_599 {strides = array<i32>} : memref<112xf32, #tpu.memory_space<vmem>>, vector<16xf32>,
      %get3A_602 = arith.constant 80 : index
      %get3A_603 = tpu.vector_load %arg11[%get3A_602] {strides = array<i32>} : memref<112xf32, #tpu.memory_space<vmem>>, vector<16xf32>,
      %mul3A_604 = arith.mulf %get3A_603, %div3A_576 : vector<16xf32>
      %swap3A_605 = arith.constant 80 : index
      %swap3A_606 = tpu.vector_load %arg11[%swap3A_605] {strides = array<i32>} : memref<112xf32, #tpu.memory_space<vmem>>, vector<16xf32>,
      tpu.vector_store %arg11[%swap3A_605], %mul3A_604 {strides = array<i32>} : memref<112xf32, #tpu.memory_space<vmem>>, vector<16xf32>,
      %get3A_607 = arith.constant 96 : index
      %get3A_608 = tpu.vector_load %arg11[%get3A_607] {strides = array<i32>} : memref<112xf32, #tpu.memory_space<vmem>>, vector<16xf32>,
      %mul3A_609 = arith.mulf %get3A_608, %div3A_576 : vector<16xf32>
      %swap3A_610 = arith.constant 96 : index
      %swap3A_611 = tpu.vector_load %arg11[%swap3A_610] {strides = array<i32>} : memref<112xf32, #tpu.memory_space<vmem>>, vector<16xf32>,
      tpu.vector_store %arg11[%swap3A_610], %mul3A_609 {strides = array<i32>} : memref<112xf32, #tpu.memory_space<vmem>>, vector<16xf32>,
      %broadcast_in_dim3A_612 = arith.constant 0.000000e+00 : f32
      %broadcast_in_dim3A_613 = vector.broadcast %broadcast_in_dim3A_612 : f32 to vector<16xf32>
      %broadcast_in_dim3A_614 = arith.constant 0.000000e+00 : f32
      %broadcast_in_dim3A_615 = vector.broadcast %broadcast_in_dim3A_614 : f32 to vector<16xf32>
      %broadcast_in_dim3A_616 = arith.constant 0.000000e+00 : f32
      %broadcast_in_dim3A_617 = vector.broadcast %broadcast_in_dim3A_616 : f32 to vector<16xf32>
      %broadcast_in_dim3A_618 = arith.constant 0.000000e+00 : f32
      %broadcast_in_dim3A_619 = vector.broadcast %broadcast_in_dim3A_618 : f32 to vector<16xf32>
      %broadcast_in_dim3A_620 = arith.constant 0.000000e+00 : f32
      %broadcast_in_dim3A_621 = vector.broadcast %broadcast_in_dim3A_620 : f32 to vector<16xf32>
      %broadcast_in_dim3A_622 = arith.constant 0.000000e+00 : f32
      %broadcast_in_dim3A_623 = vector.broadcast %broadcast_in_dim3A_622 : f32 to vector<16xf32>
      %broadcast_in_dim3A_624 = arith.constant 0.000000e+00 : f32
      %broadcast_in_dim3A_625 = vector.broadcast %broadcast_in_dim3A_624 : f32 to vector<16xf32>
      %broadcast_in_dim3A_626 = arith.constant 0.000000e+00 : f32
      %broadcast_in_dim3A_627 = vector.broadcast %broadcast_in_dim3A_626 : f32 to vector<16xf32>
      %scan3A_628 = arith.constant 0 : i32
      %scan3A_629 = arith.constant 100 : i32
      %scan3A_630 = arith.addi %scan3A_628, %scan3A_629 : i32
      %scan3A_631 = arith.constant 1 : i32
      %scan3A_632:8 = scf.for %scan3A_682 = %scan3A_628 to %scan3A_630 step %scan3A_631 iter_args(%scan3A_683 = %broadcast_in_dim3A_613, %scan3A_684 = %broadcast_in_dim3A_615, %scan3A_685 = %broadcast_in_dim3A_617, %scan3A_686 = %broadcast_in_dim3A_619, %scan3A_687 = %broadcast_in_dim3A_621, %scan3A_688 = %broadcast_in_dim3A_623, %scan3A_689 = %broadcast_in_dim3A_625, %scan3A_690 = %broadcast_in_dim3A_627) -> (vector<16xf32>, vector<16xf32>, vector<16xf32>, vector<16xf32>, vector<16xf32>, vector<16xf32>, vector<16xf32>, vector<16xf32>)  : i32 {
        %broadcast_in_dim3A_691 = arith.constant 0 : i32
        %broadcast_in_dim3A_692 = vector.broadcast %broadcast_in_dim3A_691 : i32 to vector<16xi32>
        %add3A_693 = vector.broadcast %scan3A_682 : i32 to vector<16xi32>
        %add3A_694 = arith.addi %broadcast_in_dim3A_692, %add3A_693 : vector<16xi32>
        %gather3A = tpu.vector_load_idx %arg11[%add3A_694] : memref<112xf32, #tpu.memory_space<vmem>>[vector<16xi32>], vector<16xf32>,
        %get3A_695 = arith.index_cast %scan3A_682 : i32 to index
        %get3A_696 = arith.constant 0 : index
        %get3A_697 = tpu.vector_load %arg8[%get3A_695, %get3A_696] {strides = array<i32>} : memref<100x128xf32, #tpu.memory_space<vmem>>, vector<16xf32>,
        %mul3A_698 = arith.mulf %gather3A, %get3A_697 : vector<16xf32>
        %add3A_699 = arith.addf %scan3A_683, %mul3A_698 : vector<16xf32>
        %get3A_700 = arith.index_cast %scan3A_682 : i32 to index
        %get3A_701 = arith.constant 16 : index
        %get3A_702 = tpu.vector_load %arg8[%get3A_700, %get3A_701] {strides = array<i32>} : memref<100x128xf32, #tpu.memory_space<vmem>>, vector<16xf32>,
        %mul3A_703 = arith.mulf %gather3A, %get3A_702 : vector<16xf32>
        %add3A_704 = arith.addf %scan3A_684, %mul3A_703 : vector<16xf32>
        %get3A_705 = arith.index_cast %scan3A_682 : i32 to index
        %get3A_706 = arith.constant 32 : index
        %get3A_707 = tpu.vector_load %arg8[%get3A_705, %get3A_706] {strides = array<i32>} : memref<100x128xf32, #tpu.memory_space<vmem>>, vector<16xf32>,
        %mul3A_708 = arith.mulf %gather3A, %get3A_707 : vector<16xf32>
        %add3A_709 = arith.addf %scan3A_685, %mul3A_708 : vector<16xf32>
        %get3A_710 = arith.index_cast %scan3A_682 : i32 to index
        %get3A_711 = arith.constant 48 : index
        %get3A_712 = tpu.vector_load %arg8[%get3A_710, %get3A_711] {strides = array<i32>} : memref<100x128xf32, #tpu.memory_space<vmem>>, vector<16xf32>,
        %mul3A_713 = arith.mulf %gather3A, %get3A_712 : vector<16xf32>
        %add3A_714 = arith.addf %scan3A_686, %mul3A_713 : vector<16xf32>
        %get3A_715 = arith.index_cast %scan3A_682 : i32 to index
        %get3A_716 = arith.constant 64 : index
        %get3A_717 = tpu.vector_load %arg8[%get3A_715, %get3A_716] {strides = array<i32>} : memref<100x128xf32, #tpu.memory_space<vmem>>, vector<16xf32>,
        %mul3A_718 = arith.mulf %gather3A, %get3A_717 : vector<16xf32>
        %add3A_719 = arith.addf %scan3A_687, %mul3A_718 : vector<16xf32>
        %get3A_720 = arith.index_cast %scan3A_682 : i32 to index
        %get3A_721 = arith.constant 80 : index
        %get3A_722 = tpu.vector_load %arg8[%get3A_720, %get3A_721] {strides = array<i32>} : memref<100x128xf32, #tpu.memory_space<vmem>>, vector<16xf32>,
        %mul3A_723 = arith.mulf %gather3A, %get3A_722 : vector<16xf32>
        %add3A_724 = arith.addf %scan3A_688, %mul3A_723 : vector<16xf32>
        %get3A_725 = arith.index_cast %scan3A_682 : i32 to index
        %get3A_726 = arith.constant 96 : index
        %get3A_727 = tpu.vector_load %arg8[%get3A_725, %get3A_726] {strides = array<i32>} : memref<100x128xf32, #tpu.memory_space<vmem>>, vector<16xf32>,
        %mul3A_728 = arith.mulf %gather3A, %get3A_727 : vector<16xf32>
        %add3A_729 = arith.addf %scan3A_689, %mul3A_728 : vector<16xf32>
        %get3A_730 = arith.index_cast %scan3A_682 : i32 to index
        %get3A_731 = arith.constant 112 : index
        %get3A_732 = tpu.vector_load %arg8[%get3A_730, %get3A_731] {strides = array<i32>} : memref<100x128xf32, #tpu.memory_space<vmem>>, vector<16xf32>,
        %mul3A_733 = arith.mulf %gather3A, %get3A_732 : vector<16xf32>
        %add3A_734 = arith.addf %scan3A_690, %mul3A_733 : vector<16xf32>
        scf.yield %add3A_699, %add3A_704, %add3A_709, %add3A_714, %add3A_719, %add3A_724, %add3A_729, %add3A_734 : vector<16xf32>, vector<16xf32>, vector<16xf32>, vector<16xf32>, vector<16xf32>, vector<16xf32>, vector<16xf32>, vector<16xf32>
      }
      %scan3A_633 = arith.constant 100 : i32
      %mul3A_634 = arith.constant 128 : i32
      %mul3A_635 = arith.muli %add3A_400, %mul3A_634 : i32
      %add3A_636 = arith.constant 0 : i32
      %add3A_637 = arith.addi %mul3A_635, %add3A_636 : i32
      %swap3A_638 = arith.index_cast %add3A_637 : i32 to index
      %swap3A_639 = tpu.vector_load %arg12[%swap3A_638] {strides = array<i32>} : memref<16384xf32, #tpu.memory_space<vmem>>, vector<16xf32>,
      tpu.vector_store %arg12[%swap3A_638], %scan3A_632#0 {strides = array<i32>} : memref<16384xf32, #tpu.memory_space<vmem>>, vector<16xf32>,
      %mul3A_640 = arith.constant 128 : i32
      %mul3A_641 = arith.muli %add3A_400, %mul3A_640 : i32
      %add3A_642 = arith.constant 16 : i32
      %add3A_643 = arith.addi %mul3A_641, %add3A_642 : i32
      %swap3A_644 = arith.index_cast %add3A_643 : i32 to index
      %swap3A_645 = tpu.vector_load %arg12[%swap3A_644] {strides = array<i32>} : memref<16384xf32, #tpu.memory_space<vmem>>, vector<16xf32>,
      tpu.vector_store %arg12[%swap3A_644], %scan3A_632#1 {strides = array<i32>} : memref<16384xf32, #tpu.memory_space<vmem>>, vector<16xf32>,
      %mul3A_646 = arith.constant 128 : i32
      %mul3A_647 = arith.muli %add3A_400, %mul3A_646 : i32
      %add3A_648 = arith.constant 32 : i32
      %add3A_649 = arith.addi %mul3A_647, %add3A_648 : i32
      %swap3A_650 = arith.index_cast %add3A_649 : i32 to index
      %swap3A_651 = tpu.vector_load %arg12[%swap3A_650] {strides = array<i32>} : memref<16384xf32, #tpu.memory_space<vmem>>, vector<16xf32>,
      tpu.vector_store %arg12[%swap3A_650], %scan3A_632#2 {strides = array<i32>} : memref<16384xf32, #tpu.memory_space<vmem>>, vector<16xf32>,
      %mul3A_652 = arith.constant 128 : i32
      %mul3A_653 = arith.muli %add3A_400, %mul3A_652 : i32
      %add3A_654 = arith.constant 48 : i32
      %add3A_655 = arith.addi %mul3A_653, %add3A_654 : i32
      %swap3A_656 = arith.index_cast %add3A_655 : i32 to index
      %swap3A_657 = tpu.vector_load %arg12[%swap3A_656] {strides = array<i32>} : memref<16384xf32, #tpu.memory_space<vmem>>, vector<16xf32>,
      tpu.vector_store %arg12[%swap3A_656], %scan3A_632#3 {strides = array<i32>} : memref<16384xf32, #tpu.memory_space<vmem>>, vector<16xf32>,
      %mul3A_658 = arith.constant 128 : i32
      %mul3A_659 = arith.muli %add3A_400, %mul3A_658 : i32
      %add3A_660 = arith.constant 64 : i32
      %add3A_661 = arith.addi %mul3A_659, %add3A_660 : i32
      %swap3A_662 = arith.index_cast %add3A_661 : i32 to index
      %swap3A_663 = tpu.vector_load %arg12[%swap3A_662] {strides = array<i32>} : memref<16384xf32, #tpu.memory_space<vmem>>, vector<16xf32>,
      tpu.vector_store %arg12[%swap3A_662], %scan3A_632#4 {strides = array<i32>} : memref<16384xf32, #tpu.memory_space<vmem>>, vector<16xf32>,
      %mul3A_664 = arith.constant 128 : i32
      %mul3A_665 = arith.muli %add3A_400, %mul3A_664 : i32
      %add3A_666 = arith.constant 80 : i32
      %add3A_667 = arith.addi %mul3A_665, %add3A_666 : i32
      %swap3A_668 = arith.index_cast %add3A_667 : i32 to index
      %swap3A_669 = tpu.vector_load %arg12[%swap3A_668] {strides = array<i32>} : memref<16384xf32, #tpu.memory_space<vmem>>, vector<16xf32>,
      tpu.vector_store %arg12[%swap3A_668], %scan3A_632#5 {strides = array<i32>} : memref<16384xf32, #tpu.memory_space<vmem>>, vector<16xf32>,
      %mul3A_670 = arith.constant 128 : i32
      %mul3A_671 = arith.muli %add3A_400, %mul3A_670 : i32
      %add3A_672 = arith.constant 96 : i32
      %add3A_673 = arith.addi %mul3A_671, %add3A_672 : i32
      %swap3A_674 = arith.index_cast %add3A_673 : i32 to index
      %swap3A_675 = tpu.vector_load %arg12[%swap3A_674] {strides = array<i32>} : memref<16384xf32, #tpu.memory_space<vmem>>, vector<16xf32>,
      tpu.vector_store %arg12[%swap3A_674], %scan3A_632#6 {strides = array<i32>} : memref<16384xf32, #tpu.memory_space<vmem>>, vector<16xf32>,
      %mul3A_676 = arith.constant 128 : i32
      %mul3A_677 = arith.muli %add3A_400, %mul3A_676 : i32
      %add3A_678 = arith.constant 112 : i32
      %add3A_679 = arith.addi %mul3A_677, %add3A_678 : i32
      %swap3A_680 = arith.index_cast %add3A_679 : i32 to index
      %swap3A_681 = tpu.vector_load %arg12[%swap3A_680] {strides = array<i32>} : memref<16384xf32, #tpu.memory_space<vmem>>, vector<16xf32>,
      tpu.vector_store %arg12[%swap3A_680], %scan3A_632#7 {strides = array<i32>} : memref<16384xf32, #tpu.memory_space<vmem>>, vector<16xf32>,
    }
    %scan3A_26 = arith.constant 64 : i32
    %dma_wait3A = arith.constant 0 : i32
    %dma_wait3A_27 = arith.constant 0 : i32
    %dma_wait3A_28 = arith.constant 0 : i32
    %dma_wait3A_29 = tpu.memref_slice %arg2[%dma_wait3A, %dma_wait3A_27, %dma_wait3A_28] : memref<4096x100x128xf32, #tpu.memory_space<hbm>> -> memref<1x100x128xf32, #tpu.memory_space<hbm>>
    %dma_wait3A_30 = tpu.memref_squeeze %dma_wait3A_29 : memref<1x100x128xf32, #tpu.memory_space<hbm>> -> memref<100x128xf32, #tpu.memory_space<hbm>>
    %dma_wait3A_31 = arith.constant 0 : i32
    %dma_wait3A_32 = arith.constant 0 : i32
    %dma_wait3A_33 = tpu.memref_slice %arg2[%dma_wait3A, %dma_wait3A_31, %dma_wait3A_32] : memref<4096x100x128xf32, #tpu.memory_space<hbm>> -> memref<1x100x128xf32, #tpu.memory_space<hbm>>
    %dma_wait3A_34 = tpu.memref_squeeze %dma_wait3A_33 : memref<1x100x128xf32, #tpu.memory_space<hbm>> -> memref<100x128xf32, #tpu.memory_space<hbm>>
    tpu.wait_dma2 semaphore(%arg13 : memref<!tpu.dma_semaphore, #tpu.memory_space<semaphore_mem>>) src(%dma_wait3A_34 : memref<100x128xf32, #tpu.memory_space<hbm>>) dst(%arg7 : memref<100x128xf32, #tpu.memory_space<vmem>>)
    %dma_wait3A_35 = arith.constant 0 : i32
    %dma_wait3A_36 = arith.constant 0 : i32
    %dma_wait3A_37 = arith.constant 0 : i32
    %dma_wait3A_38 = tpu.memref_slice %arg2[%dma_wait3A_35, %dma_wait3A_36, %dma_wait3A_37] : memref<4096x100x128xf32, #tpu.memory_space<hbm>> -> memref<1x100x128xf32, #tpu.memory_space<hbm>>
    %dma_wait3A_39 = tpu.memref_squeeze %dma_wait3A_38 : memref<1x100x128xf32, #tpu.memory_space<hbm>> -> memref<100x128xf32, #tpu.memory_space<hbm>>
    %dma_wait3A_40 = arith.constant 0 : i32
    %dma_wait3A_41 = arith.constant 0 : i32
    %dma_wait3A_42 = tpu.memref_slice %arg2[%dma_wait3A_35, %dma_wait3A_40, %dma_wait3A_41] : memref<4096x100x128xf32, #tpu.memory_space<hbm>> -> memref<1x100x128xf32, #tpu.memory_space<hbm>>
    %dma_wait3A_43 = tpu.memref_squeeze %dma_wait3A_42 : memref<1x100x128xf32, #tpu.memory_space<hbm>> -> memref<100x128xf32, #tpu.memory_space<hbm>>
    tpu.wait_dma2 semaphore(%arg15 : memref<!tpu.dma_semaphore, #tpu.memory_space<semaphore_mem>>) src(%dma_wait3A_43 : memref<100x128xf32, #tpu.memory_space<hbm>>) dst(%arg9 : memref<100x128xf32, #tpu.memory_space<vmem>>)
    %mul3A_44 = arith.constant 128 : i32
    %mul3A_45 = arith.muli %add3A, %mul3A_44 : i32
    %mul3A_46 = arith.constant 128 : i32
    %mul3A_47 = arith.muli %mul3A_45, %mul3A_46 : i32
    "tpu.region"() ({
      %run_scoped3A = tpu.sem_alloc : memref<!tpu.dma_semaphore, #tpu.memory_space<semaphore_mem>>
      %dma_start3A_48 = tpu.memref_slice %arg5[%mul3A_47] : memref<524288xf32, #tpu.memory_space<hbm>> -> memref<16384xf32, #tpu.memory_space<hbm>>
      %dma_start3A_49 = tpu.memref_slice %arg5[%mul3A_47] : memref<524288xf32, #tpu.memory_space<hbm>> -> memref<16384xf32, #tpu.memory_space<hbm>>
      tpu.enqueue_dma source(%arg12 : memref<16384xf32, #tpu.memory_space<vmem>>) target(%dma_start3A_49 : memref<16384xf32, #tpu.memory_space<hbm>>) target_semaphore(%run_scoped3A : memref<!tpu.dma_semaphore, #tpu.memory_space<semaphore_mem>>)
      %dma_wait3A_50 = tpu.memref_slice %arg5[%mul3A_47] : memref<524288xf32, #tpu.memory_space<hbm>> -> memref<16384xf32, #tpu.memory_space<hbm>>
      %dma_wait3A_51 = tpu.memref_slice %arg5[%mul3A_47] : memref<524288xf32, #tpu.memory_space<hbm>> -> memref<16384xf32, #tpu.memory_space<hbm>>
      tpu.wait_dma2 semaphore(%run_scoped3A : memref<!tpu.dma_semaphore, #tpu.memory_space<semaphore_mem>>) src(%arg12 : memref<16384xf32, #tpu.memory_space<vmem>>) dst(%dma_wait3A_51 : memref<16384xf32, #tpu.memory_space<hbm>>)
      tpu.yield
    }) : () -> ()
    return
  }
}

</mosaic_0001>

<sc_bundles>
// kernel: kernel.3.cloned.1.call-start
scs
__scs_entry_jumppad:
0x0: {  	(pc) =	sbr.rel $0x88, $3  }
0x1: {  	(tag) =	ssettag $0x0;
	lr =	simm.s32 $0x1  }
0x2: {  	[smem:$0x3F9E] =	sst lr;
	_ =	strace $0xD0000000  }
0x3: {  	_ = 	snop  }
0x4: {  	_ = 	snop  }
0x5: {  	_ = 	snop  }
0x6: {  	_ = 	snop  }
0x7: {  	_ = 	snop  }
__scs_overlays_trampoline_lowered:
0x8: {  	[smem:$0x3FAD] =	sst s0  }
0x9: {  	[smem:$0x3FAE] =	sst s1  }
0xa: {  	[smem:$0x3FAF] =	sst s2  }
0xb: {  	[smem:$0x3FB0] =	sst s3  }
0xc: {  	[smem:$0x3FB1] =	sst s4  }
0xd: {  	[smem:$0x3FB2] =	sst s5  }
0xe: {  	[smem:$0x3FB3] =	sst s6  }
0xf: {  	[smem:$0x3FB4] =	sst s7  }
0x10: {  	[smem:$0x3FB5] =	sst s8  }
0x11: {  	[smem:$0x3FB6] =	sst s9;
	s0 =	simm.s32 @!p0 $0x0  }
0x12: {  	s1 =	sld [smem:$0x3F9C];
	s0 =	simm.s32 @p0 $0x1  }
0x13: {  	[smem:$0x3FB7] =	sst s0;
	s0 =	simm.s32 @!p1 $0x0  }
0x14: {  	s2 =	sld [smem:$0x3F9B];
	s0 =	simm.s32 @p1 $0x1  }
0x15: {  	[smem:$0x3FB8] =	sst s0;
	s0 =	simm.s32 @!p2 $0x0  }
0x16: {  	s3 =	sld [smem:$0x3FDB];
	s0 =	simm.s32 @p2 $0x1  }
0x17: {  	s4 =	simm.s32 $0x1BF5;
	[smem:$0x3FBA] =	sst s0  }
0x18: {  	s0 =	sld [smem:$0x3F9D];
	_ =	swait.ge [sflag:s4], $0x0  }
0x19: {  	s7 =	sld [smem:$0x3F9E]  }
0x1a: {  	s8 =	sadd.s32 $0xFFFFE003, lr  }
0x1b: {  	s9 =	sadd.s32 $0xFFFFFEF7, lr;
	s5 =	simm.s32 $0xFFFFFFFF;
	p2 =	slt.u32 s8, $0xFFFFF086  }
0x1c: {  	p1 =	slt.u32 s9, $0xF7A;
	s5 =	simm.s32 @!p2 $0x0  }
0x1d: {  	s5 =	simm.s32 @p1 $0x1;
	p0 =	seq.s32 s7, s2  }
0x1e: {  	s7 =	smul.u32 @!p0 $0xF7A, s2;
	p2 =	seq.s32 @!p0 s5, $0x0  }
0x1f: {  	s9 =	smul.u32 $0xF7A, s1;
	s8 =	simm.s32 @!p0 $0x1BF5;
	p2 =	por !p2, p0  }
0x20: {  	[sflag:s8] =	ssyncset.s32 @!p0 $0xFFFFF086;
	s6 =	sadd.s32 @!p0 s3, s7;
	s7 =	simm.s32 @!p0 $0x108  }
0x21: {  	s3 =	sadd.s32 s3, s9;
	s6 =	sadd.s32 @!p0 $0x88, s6;
	s7 =	simm.s32 @p2 $0x1082  }
0x22: {  	[simem:s7], [sflag:s8] =	dma.local @!p0 [hbm:s6], $0xF7A  }
0x23: {  	s9 =	sor.u32 $0xD0000000, s2;
	s6 =	simm.s32 $0x108;
	_ =	swait.ge @!p0 [sflag:s8], $0x0  }
0x24: {  	s3 =	sadd.s32 $0x88, s3;
	s6 =	simm.s32 @!p1 $0x1082;
	[sflag:s4] =	ssyncset.s32 $0xFFFFF086  }
0x25: {  	[simem:s6], [sflag:s4] =	dma.local [hbm:s3], $0xF7A  }
0x26: {  	[smem:$0x3F9E] =	sst s1;
	(tag) =	ssettag s2;
	_ =	strace s9  }
0x27: {  	s1 =	sld [smem:$0x3FAE]  }
0x28: {  	s2 =	sld [smem:$0x3FAF]  }
0x29: {  	s4 =	sld [smem:$0x3FB1]  }
0x2a: {  	p0 =	seq.s32 s5, $0x0;
	s5 =	sld [smem:$0x3FB2]  }
0x2b: {  	s6 =	sld [smem:$0x3FB3]  }
0x2c: {  	s7 =	sld [smem:$0x3FB4]  }
0x2d: {  	s3 =	simm.s32 $0x108;
	s8 =	sld [smem:$0x3FB5]  }
0x2e: {  	s3 =	simm.s32 @!p0 $0x1082;
	s9 =	sld [smem:$0x3FB6]  }
0x2f: {  	lr =	sadd.s32 s0, s3;
	s0 =	sld [smem:$0x3FAD]  }
0x30: {  	s3 =	sld [smem:$0x3FB0]  }
0x31: {  	[smem:$0x3FB9] =	sst s10  }
0x32: {  	s10 =	sld [smem:$0x3FB7];
	_ =	sdelay $0x3  }
0x33: {  	p0 =	seq.s32 s10, $0x1;
	s10 =	sld [smem:$0x3FB9];
	_ =	sdelay $0x3  }
0x34: {  	[smem:$0x3FB9] =	sst s10  }
0x35: {  	s10 =	sld [smem:$0x3FB8];
	_ =	sdelay $0x3  }
0x36: {  	p1 =	seq.s32 s10, $0x1;
	s10 =	sld [smem:$0x3FB9];
	_ =	sdelay $0x3  }
0x37: {  	[smem:$0x3FB9] =	sst s10  }
0x38: {  	s10 =	sld [smem:$0x3FBA]  }
0x39: {  	_ = 	snop;
	(pc) =	sbr.ind lr, $3  }
0x3a: {  	_ = 	snop  }
0x3b: {  	_ = 	snop  }
0x3c: {  	p2 =	seq.s32 s10, $0x1;
	s10 =	sld [smem:$0x3FB9]  }
0x3d: {  	_ =	shalt  }
0x3e: {  	_ =	shalt  }
0x3f: {  	_ =	shalt  }
0x40: {  	_ =	shalt  }
0x41: {  	_ =	shalt  }
0x42: {  	_ =	shalt  }
0x43: {  	_ =	shalt  }
0x44: {  	_ =	shalt  }
0x45: {  	_ =	shalt  }
0x46: {  	_ =	shalt  }
0x47: {  	_ =	shalt  }
0x48: {  	_ =	shalt  }
0x49: {  	_ =	shalt  }
0x4a: {  	_ =	shalt  }
0x4b: {  	_ =	shalt  }
0x4c: {  	_ =	shalt  }
0x4d: {  	_ =	shalt  }
0x4e: {  	_ =	shalt  }
0x4f: {  	_ =	shalt  }
0x50: {  	_ =	shalt  }
0x51: {  	_ =	shalt  }
0x52: {  	_ =	shalt  }
0x53: {  	_ =	shalt  }
0x54: {  	_ =	shalt  }
0x55: {  	_ =	shalt  }
0x56: {  	_ =	shalt  }
0x57: {  	_ =	shalt  }
0x58: {  	_ =	shalt  }
0x59: {  	_ =	shalt  }
0x5a: {  	_ =	shalt  }
0x5b: {  	_ =	shalt  }
0x5c: {  	_ =	shalt  }
0x5d: {  	_ =	shalt  }
0x5e: {  	_ =	shalt  }
0x5f: {  	_ =	shalt  }
0x60: {  	_ =	shalt  }
0x61: {  	_ =	shalt  }
0x62: {  	_ =	shalt  }
0x63: {  	_ =	shalt  }
0x64: {  	_ =	shalt  }
0x65: {  	_ =	shalt  }
0x66: {  	_ =	shalt  }
0x67: {  	_ =	shalt  }
0x68: {  	_ =	shalt  }
0x69: {  	_ =	shalt  }
0x6a: {  	_ =	shalt  }
0x6b: {  	_ =	shalt  }
0x6c: {  	_ =	shalt  }
0x6d: {  	_ =	shalt  }
0x6e: {  	_ =	shalt  }
0x6f: {  	_ =	shalt  }
0x70: {  	_ =	shalt  }
0x71: {  	_ =	shalt  }
0x72: {  	_ =	shalt  }
0x73: {  	_ =	shalt  }
0x74: {  	_ =	shalt  }
0x75: {  	_ =	shalt  }
0x76: {  	_ =	shalt  }
0x77: {  	_ =	shalt  }
0x78: {  	_ =	shalt  }
0x79: {  	_ =	shalt  }
0x7a: {  	_ =	shalt  }
0x7b: {  	_ =	shalt  }
0x7c: {  	_ =	shalt  }
0x7d: {  	_ =	shalt  }
0x7e: {  	_ =	shalt  }
0x7f: {  	_ =	shalt  }
0x80: {  	_ =	shalt  }
0x81: {  	_ =	shalt  }
0x82: {  	_ =	shalt  }
0x83: {  	_ =	shalt  }
0x84: {  	_ =	shalt  }
0x85: {  	_ =	shalt  }
0x86: {  	_ =	shalt  }
0x87: {  	_ =	shalt  }
.Lfunc_end0:
.L_simem_size_0:
called_computation_lowered:
.L_overlay_start_0:
0x88: {  	s2 =	sld [smem:$0x3FD9]  }
0x89: {  	s3 =	sld [smem:$0x3FFE];
	_ =	sdelay $0x1  }
0x8a: {  	s1 =	srdreg.scid  }
0x8b: {  	s0 =	sand.u32 $0x1, s1  }
0x8c: {  	s17 =	sshll.u32 s0, $0xA;
	s2 =	sadd.s32 s3, s2  }
0x8d: {  	s2 =	sadd.s32 s2, s17  }
0x8e: {  	[smem:$0x3FC5] =	sst s2  }
0x8f: {  	_ = 	snop  }
0x90: {  	s2 =	sld [smem:$0x3FC7]  }
0x91: {  	s18 =	sld [smem:$0x3FD0];
	(tm) =	ssettm $0x1  }
0x92: {  	s4 =	sld [smem:$0x3FFB];
	_ =	sdelay $0x3  }
0x93: {  	_ =	strace s4  }
0x94: {  	s4 =	sld [smem:$0x3FFC];
	_ =	sdelay $0x3  }
0x95: {  	_ =	strace s4  }
0x96: {  	s4 =	sld [smem:$0x3FFD];
	_ =	sdelay $0x3  }
0x97: {  	_ =	strace s4  }
0x98: {  	_ =	strace $0x8FFFFFFF  }
0x99: {  	s19 =	sld [smem:$0x3FDB];
	_ =	sdelay $0x1  }
0x9a: {  	s5 =	simm.s32 $_scs_section_size  }
0x9b: {  	s6 =	simm.s32 $_size__tile_overlayer_lowered;
	s7 =	simm.s32 $_tile_overlayer_lowered  }
0x9c: {  	s22 =	simm.s32 $0x1BFF;
	s21 =	sshll.u32 s7, $0x1;
	s4 =	sadd.s32 s5, s19  }
0x9d: {  	s8 =	simm.s32 $0x0;
	s20 =	sshll.u32 s6, $0x1;
	s6 =	sadd.s32 s21, s4  }
0x9e: {  	[timem:s8], [sflag:s22] =	dma.local [hbm:s6], s20  }
0x9f: {  	_ =	swait.ge [sflag:s22], s20  }
0xa0: {  	s5 =	ssub.s32 $0x0, s20;
	[sflag:s22] =	ssyncset.done $0x0  }
0xa1: {  	[sflag:s22] =	ssyncadd.s32 s5;
	_ =	sdelay $0x1  }
0xa2: {  	s23 =	simm.s32 $0x1B8B  }
0xa3: {  	_ =	swait.ge [sflag:s23], $0x1  }
0xa4: {  	[sflag:s23] =	ssyncset.done $0x0  }
0xa5: {  	s25 =	simm.s32 $0x1B8E;
	s24 =	sld [smem:$0x3FFE];
	[sflag:s23] =	ssyncadd.s32 $0xFFFFFFFF  }
0xa6: {  	s26 =	simm.s32 $execute0_lowered;
	[smem:$0x3FD2] =	sst s25  }
0xa7: {  	s6 =	sshll.u32 s26, $0x1;
	_ =	strace $0x80000046;
	[dreg:$0x1] =	wrdreg $0xFFFFFFFF  }
0xa8: {  	s28 =	simm.s32 $_size_execute0_lowered;
	s4 =	sadd.s32 s4, s6;
	[dreg:$0x0] =	wrdreg $0x0  }
0xa9: {  	s6 =	sshll.u32 s28, $0x1;
	[dreg:$0x2] =	wrdreg s4  }
0xaa: {  	[dreg:$0x3] =	wrdreg s6  }
0xab: {  	[dreg:$0x4] =	wrdreg $0xC0  }
0xac: {  	_ =	task [dreg:s8], $0x5FFFF  }
0xad: {  	[dreg:$0x1] =	wrdreg $0xFFFFFFFF  }
0xae: {  	[dreg:$0x0] =	wrdreg $0x60  }
0xaf: {  	[dreg:$0x2] =	wrdreg s24  }
0xb0: {  	[dreg:$0x3] =	wrdreg s2  }
0xb1: {  	[dreg:$0x4] =	wrdreg s18  }
0xb2: {  	[dreg:$0x5] =	wrdreg $0x9  }
0xb3: {  	_ =	task.clear_ibuf [dreg:s8], $0x6FFFF;
	_ =	strace $0x90000046  }
0xb4: {  	s29 =	simm.s32 $0x9;
	_ =	strace $0x80000048  }
0xb5: {  	_ =	swait.ge [sflag:s29], $0x1  }
0xb6: {  	[sflag:s29] =	ssyncadd.s32 $0xFFFFFFFF  }
0xb7: {  	_ =	strace $0x90000048  }
0xb8: {  	_ =	sfence  }
0xb9: {  	s30 =	sld [smem:$0x0];
	_ =	sdelay $0x2  }
0xba: {  	s31 =	sshll.u32 s1, $0xD;
	s1 =	sshrl.u32 s1, $0x2  }
0xbb: {  	s3 =	sand.u32 $0x4000, s31;
	s1 =	sadd.s32 s1, s30  }
0xbc: {  	s0 =	sor.u32 s3, s0;
	s1 =	sshll.u32 s1, $0x11  }
0xbd: {  	s0 =	sor.u32 s1, s0  }
0xbe: {  	s0 =	sadd.s32 $0x8F2B, s0  }
0xbf: {  	[sflag:s0] =	ssyncadd.remote.s32 $0x1  }
0xc0: {  	_ =	sfence.sel $0xFFFF  }
0xc1: {  	[dreg:$0x0] =	wrdreg $0xFFFFFFFF;
	(pc) =	sbr.abs _section_cstart, $3  }
0xc2: {  	[dreg:$0x1] =	wrdreg $0xFFFFFFFF  }
0xc3: {  	_ =	task.clear_ibuf [dreg:s8], $0x2FFFF;
	_ =	strace $0x9FFFFFFF  }
0xc4: {  	(tm) =	ssettm $0x7FFFFFFF  }
0xc5: {  	_ =	shalt  }
tec
execute0_lowered:
.L_overlay_start_1:
0x0: {  	(tag) =	ssettag $0x1  }
0x1: {  	s5 =	rddreg [dreg:$0x0]  }
0x2: {  	s2 =	rddreg [dreg:$0x1]  }
0x3: {  	s8 =	rddreg [dreg:$0x2]  }
0x4: {  	s0 =	rddreg [dreg:$0x3];
	s4 =	srdreg.scid  }
0x5: {  	s1 =	stileid.u32;
	s3 =	simm.s32 $0x0;
	s12 =	simm.s32 $0x64  }
0x6: {  	s13 =	simm.s32 $0x9C00;
	s14 =	simm.s32 $0x6800;
	s15 =	simm.s32 $0xD000  }
0x7: {  	s16 =	simm.s32 $0x1;
	s17 =	simm.s32 $0x3;
	s18 =	simm.s32 $0x10400  }
0x8: {  	s19 =	simm.s32 $0x2;
	s4 =	sand.u32 $0x1, s4;
	s6 =	sshll.u32 s1, $0x1  }
0x9: {  	s20 =	simm.s32 $0x4;
	s21 =	simm.s32 $0x10480;
	s9 =	sor.u32 s4, s6  }
0xa: {  	v1 =	vlaneseq.u32;
	s22 =	simm.s32 $0x0;
	s7 =	ssub.s32 $0x2, s4;
	s6 =	smul.u32 $0x680, s9  }
0xb: {  	v5 =	vimm.s32 $0x3180;
	vm0 =	vcmask $0x300;
	[smem:$0x7FF] =	sst s3;
	v0 =	vmul.u32 $0x80, v1;
	s10 =	sshrl.u32 s7, $0x1;
	s11 =	smul.u32 $0x34000, s9  }
0xc: {  	v1 =	vmul.u32 $0x8, v1;
	v6 =	vsel vm0, $0x3000, v5;
	vm0 =	vcmask $0x704;
	_ =	strace $0x80000047;
	s4 =	sadd.s32 $0xD400, s5;
	s10 =	ssub.s32 s7, s10  }
0xd: {  	v7 =	vsel vm0, $0x3080, v6;
	vm0 =	vcmask $0xB08;
	v2 =	vor.u32 $0x800, v0;
	s6 =	sadd.s32 s6, s5;
	s5 =	sshll.u32 s9, $0x7;
	s7 =	sadd.s32 s4, s11  }
0xe: {  	v3 =	vor.u32 $0x1000, v0;
	v4 =	vor.u32 $0x1800, v0;
	v5 =	vor.u32 $0x2000, v0;
	s9 =	sshll.u32 s9, $0xB;
	s11 =	simm.s32 $0x3400;
	s6 =	sadd.s32 $0x400, s6  }
0xf: {  	v6 =	vor.u32 $0x2800, v0;
	v7 =	vsel vm0, $0x3100, v7;
	vm0 =	vmmov $0xf;
	s8 =	sadd.s32 s8, s9;
	s9 =	smax.u32 s10, $0x1;
	s10 =	simm.s32 $0x5  }
.LBB2_1:
0x10: {  	[tilespmem:s3], [sflag:$0x5] =	stream.linear.gather [hbm4b:s6+s3], $0x3400, $0x38;
	[tilespmem:$0x14480] =	vst v63  }
0x11: {  	_ =	swait.ge [sflag:s10], $0x3400  }
0x12: {  	[sflag:s10] =	ssyncset.done $0x0  }
0x13: {  	[sflag:s10] =	ssyncadd.s32 $0xFFFFCC00  }
0x14: {  	[tilespmem:s11], [sflag:$0x1] =	stream.linear.gather [hbm4b:s7+s3], $0x3200, $0x38;
	[tilespmem:$0x14480] =	vst v63  }
0x15: {  	s23 =	simm.s32 $0x0  }
0x16: {  	[tilespmem:s13], [sflag:$0x3] =	stream.indirect.gather [hbm4b:s2+s12], $0x80, s3, s12, $0xb8;
	[tilespmem:$0x14480] =	vst v63  }
.LBB2_2:
0x17: {  	s24 =	sshllo.u32 s23, $0x1  }
0x18: {  	s25 =	sadd.s32 s5, s24  }
0x19: {  	s25 =	smul.u32 $0x680, s25;
	_ =	sdelay $0x1  }
0x1a: {  	s26 =	simm.s32 $0x0;
	s28 =	smul.u32 $0x1A0, s24;
	s25 =	sadd.s32 s4, s25  }
0x1b: {  	[tilespmem:s14], [sflag:$0x2] =	stream.linear.gather [hbm4b:s25+s26], $0x3200, $0x38;
	[tilespmem:$0x14480] =	vst v63  }
0x1c: {  	s31 =	sshra.s32 s28, $0x2  }
0x1d: {  	v8 =	vadd.s32 s26, v1;
	[tilespmem:s15], [sflag:$0x4] =	stream.indirect.gather [hbm4b:s2+s12], $0x80, s31, s12, $0xb8;
	[tilespmem:$0x14480] =	vst v63  }
0x1e: {  	s29 =	simm.s32 $0x1;
	v8 =	vand.u32 $0x7C, v8;
	_ =	swait.ge [sflag:s16], $0x3200  }
0x1f: {  	v9 =	vadd.s32 s29, v1;
	v8 =	vor.u32 v0, v8;
	[sflag:s16] =	ssyncset.done $0x0  }
0x20: {  	s30 =	simm.s32 $0x2;
	v9 =	vand.u32 $0x7D, v9;
	[sflag:s16] =	ssyncadd.s32 $0xFFFFCE00  }
0x21: {  	v10 =	vadd.s32 s30, v1;
	v9 =	vor.u32 v0, v9;
	_ =	swait.ge [sflag:s17], $0x3200  }
0x22: {  	v10 =	vand.u32 $0x7E, v10;
	s31 =	simm.s32 $0x3;
	[sflag:s17] =	ssyncset.done $0x0  }
0x23: {  	v10 =	vor.u32 v0, v10;
	v11 =	vadd.s32 s31, v1;
	[sflag:s17] =	ssyncadd.s32 $0xFFFFCE00  }
0x24: {  	s26 =	simm.s32 $0x4;
	v11 =	vand.u32 $0x7F, v11;
	v12 =	vld.idx.msk [tilespmem:v8+s11+$0x0], $0xffff  }
0x25: {  	v13 =	vadd.s32 s26, v1;
	v15 =	vor.u32 v0, v11;
	v14 =	vld.idx.msk [tilespmem:v8+s13+$0x0], $0xffff  }
0x26: {  	s29 =	simm.s32 $0x5;
	v8 =	vand.u32 $0x7C, v13;
	v19 =	vld.idx.msk [tilespmem:v9+s11+$0x0], $0xffff  }
0x27: {  	v11 =	vadd.s32 s29, v1;
	v20 =	vld.idx.msk [tilespmem:v9+s13+$0x0], $0xffff;
	v17 =	vor.u32 v0, v8  }
0x28: {  	s30 =	simm.s32 $0x6;
	v9 =	vand.u32 $0x7D, v11;
	v13 =	vld.idx.msk [tilespmem:v10+s13+$0x0], $0xffff  }
0x29: {  	v8 =	vld.idx.msk [tilespmem:v10+s11+$0x0], $0xffff;
	v11 =	vor.u32 v0, v9;
	v10 =	vadd.s32 s30, v1  }
0x2a: {  	s31 =	simm.s32 $0x7;
	v9 =	vld.idx.msk [tilespmem:v15+s11+$0x0], $0xffff;
	v10 =	vand.u32 $0x7E, v10  }
0x2b: {  	s26 =	simm.s32 $0x8;
	v18 =	vadd.s32 s31, v1;
	v16 =	vld.idx.msk [tilespmem:v15+s13+$0x0], $0xffff;
	v15 =	vor.u32 v0, v10;
	v12 =	vmul.f32 v14, v12  }
0x2c: {  	v21 =	vimm.f32 $0.0e+00;
	v22 =	vadd.s32 s26, v1;
	v14 =	vand.u32 $0x7F, v18;
	v10 =	vld.idx.msk [tilespmem:v17+s11+$0x0], $0xffff  }
0x2d: {  	s28 =	simm.s32 $0x9;
	v20 =	vmul.f32 v20, v19;
	v17 =	vld.idx.msk [tilespmem:v17+s13+$0x0], $0xffff;
	v14 =	vor.u32 v0, v14;
	v18 =	vadd.f32 v12, v21  }
0x2e: {  	s25 =	sshll.u32 s23, $0x1;
	v19 =	vadd.s32 s28, v1;
	s28 =	simm.s32 $0xC;
	v21 =	vand.u32 $0x7C, v22;
	v12 =	vld.idx.msk [tilespmem:v11+s11+$0x0], $0xffff  }
.LBB2_3:
0x2f: {  	p0 =	sne.s32 s28, $0x7C;
	v21 =	vor.u32 v0, v21;
	s29 =	sadd.s32 $0x2, s26;
	v22 =	vld.idx.msk [tilespmem:v11+s13+$0x0], $0xffff;
	v18 =	vadd.f32 v20, v18;
	v20 =	vmul.f32 v13, v8  }
0x30: {  	v11 =	vand.u32 $0x7D, v19;
	v19 =	vadd.s32 s29, v1;
	v8 =	vld.idx.msk [tilespmem:v15+s11+$0x0], $0xffff  }
0x31: {  	v11 =	vor.u32 v0, v11;
	s29 =	sadd.s32 $0x3, s26;
	s26 =	smov.u32 s28;
	v13 =	vld.idx.msk [tilespmem:v15+s13+$0x0], $0xffff;
	v18 =	vadd.f32 v20, v18;
	v20 =	vmul.f32 v16, v9  }
.Ltmp0:
0x32: {  	v15 =	vand.u32 $0x7E, v19;
	v19 =	vadd.s32 s29, v1;
	v9 =	vld.idx.msk [tilespmem:v14+s11+$0x0], $0xffff;
	(pc) =	sbr.rel @p0 .LBB2_3-.Ltmp0, $4  }
0x33: {  	v15 =	vor.u32 v0, v15;
	v23 =	vmul.f32 v17, v10;
	v16 =	vld.idx.msk [tilespmem:v14+s13+$0x0], $0xffff;
	v18 =	vadd.f32 v20, v18  }
0x34: {  	v24 =	vadd.s32 s28, v1;
	v14 =	vand.u32 $0x7F, v19;
	v10 =	vld.idx.msk [tilespmem:v21+s11+$0x0], $0xffff  }
0x35: {  	s29 =	sadd.s32 $0x1, s28;
	v14 =	vor.u32 v0, v14;
	v20 =	vmul.f32 v22, v12;
	v17 =	vld.idx.msk [tilespmem:v21+s13+$0x0], $0xffff;
	v18 =	vadd.f32 v23, v18  }
0x36: {  	s28 =	sadd.s32 $0x4, s28;
	v19 =	vadd.s32 s29, v1;
	v21 =	vand.u32 $0x7C, v24;
	v12 =	vld.idx.msk [tilespmem:v11+s11+$0x0], $0xffff  }
0x37: {  	_ =	sdelay $0x2  }
0x38: {  	v18 =	vadd.f32 v20, v18;
	v8 =	vmul.f32 v13, v8  }
0x39: {  	v13 =	vor.u32 v0, v21;
	v11 =	vld.idx.msk [tilespmem:v11+s13+$0x0], $0xffff  }
0x3a: {  	s28 =	sadd.s32 $0x2, s26;
	v19 =	vand.u32 $0x7D, v19;
	v20 =	vld.idx.msk [tilespmem:v15+s11+$0x0], $0xffff;
	v9 =	vmul.f32 v16, v9;
	v8 =	vadd.f32 v8, v18  }
0x3b: {  	v15 =	vld.idx.msk [tilespmem:v15+s13+$0x0], $0xffff;
	v16 =	vadd.s32 s28, v1;
	v18 =	vor.u32 v0, v19  }
0x3c: {  	v16 =	vand.u32 $0x7E, v16;
	v19 =	vld.idx.msk [tilespmem:v14+s11+$0x0], $0xffff;
	v10 =	vmul.f32 v17, v10;
	v8 =	vadd.f32 v9, v8  }
0x3d: {  	s29 =	sadd.s32 $0x3, s26;
	v14 =	vld.idx.msk [tilespmem:v14+s13+$0x0], $0xffff;
	v9 =	vor.u32 v0, v16  }
0x3e: {  	v16 =	vadd.s32 s29, v1;
	v17 =	vld.idx.msk [tilespmem:v13+s11+$0x0], $0xffff;
	v8 =	vadd.f32 v10, v8;
	v10 =	vmul.f32 v11, v12  }
0x3f: {  	v11 =	vand.u32 $0x7F, v16;
	v12 =	vld.idx.msk [tilespmem:v13+s13+$0x0], $0xffff  }
0x40: {  	v11 =	vor.u32 v0, v11;
	v13 =	vld.idx.msk [tilespmem:v18+s11+$0x0], $0xffff;
	v8 =	vadd.f32 v10, v8;
	v10 =	vmul.f32 v15, v20  }
0x41: {  	v15 =	vld.idx.msk [tilespmem:v18+s13+$0x0], $0xffff  }
0x42: {  	v16 =	vld.idx.msk [tilespmem:v9+s11+$0x0], $0xffff;
	v8 =	vadd.f32 v10, v8;
	v10 =	vmul.f32 v14, v19  }
0x43: {  	v9 =	vld.idx.msk [tilespmem:v9+s13+$0x0], $0xffff  }
0x44: {  	v12 =	vmul.f32 v12, v17;
	v8 =	vadd.f32 v10, v8  }
0x45: {  	v10 =	vld.idx.msk [tilespmem:v11+s11+$0x0], $0xffff  }
0x46: {  	v11 =	vld.idx.msk [tilespmem:v11+s13+$0x0], $0xffff;
	v8 =	vadd.f32 v12, v8;
	v12 =	vmul.f32 v15, v13;
	_ =	sdelay $0x1  }
0x47: {  	s30 =	simm.s32 $0x0;
	v9 =	vmul.f32 v9, v16;
	v8 =	vadd.f32 v12, v8  }
0x48: {  	v12 =	vadd.s32 s30, v1  }
0x49: {  	s31 =	simm.s32 $0x1;
	v8 =	vadd.f32 v9, v8;
	v9 =	vand.u32 $0x7C, v12  }
0x4a: {  	v10 =	vmul.f32 v11, v10;
	v11 =	vadd.s32 s31, v1;
	v9 =	vor.u32 v2, v9  }
0x4b: {  	s30 =	simm.s32 $0x3;
	v11 =	vand.u32 $0x7D, v11  }
0x4c: {  	s29 =	simm.s32 $0x2;
	v12 =	vadd.s32 s30, v1;
	v11 =	vor.u32 v2, v11;
	v8 =	vadd.f32 v10, v8  }
0x4d: {  	v12 =	vand.u32 $0x7F, v12;
	v10 =	vadd.s32 s29, v1  }
0x4e: {  	v16 =	vor.u32 v2, v12;
	v10 =	vand.u32 $0x7E, v10;
	[tilespmem:$0x10400] =	vst v8  }
0x4f: {  	s31 =	simm.s32 $0x4;
	v10 =	vor.u32 v2, v10;
	v13 =	vld.idx.msk [tilespmem:v9+s11+$0x0], $0xffff  }
0x50: {  	v14 =	vadd.s32 s31, v1;
	v15 =	vld.idx.msk [tilespmem:v9+s13+$0x0], $0xffff  }
0x51: {  	s29 =	simm.s32 $0x5;
	v9 =	vand.u32 $0x7C, v14;
	v19 =	vld.idx.msk [tilespmem:v11+s11+$0x0], $0xffff  }
0x52: {  	v12 =	vadd.s32 s29, v1;
	v21 =	vld.idx.msk [tilespmem:v11+s13+$0x0], $0xffff;
	v18 =	vor.u32 v2, v9  }
0x53: {  	s30 =	simm.s32 $0x6;
	v11 =	vand.u32 $0x7D, v12;
	v17 =	vld.idx.msk [tilespmem:v16+s13+$0x0], $0xffff  }
0x54: {  	v12 =	vor.u32 v2, v11;
	v11 =	vadd.s32 s30, v1;
	v9 =	vld.idx.msk [tilespmem:v10+s11+$0x0], $0xffff  }
0x55: {  	s31 =	simm.s32 $0x7;
	v11 =	vand.u32 $0x7E, v11;
	v14 =	vld.idx.msk [tilespmem:v10+s13+$0x0], $0xffff  }
0x56: {  	s26 =	simm.s32 $0x8;
	v20 =	vadd.s32 s31, v1;
	v10 =	vld.idx.msk [tilespmem:v16+s11+$0x0], $0xffff;
	v16 =	vor.u32 v2, v11;
	v13 =	vmul.f32 v15, v13  }
0x57: {  	v22 =	vimm.f32 $0.0e+00;
	v23 =	vadd.s32 s26, v1;
	v15 =	vand.u32 $0x7F, v20;
	v11 =	vld.idx.msk [tilespmem:v18+s11+$0x0], $0xffff  }
0x58: {  	s28 =	simm.s32 $0x9;
	v21 =	vmul.f32 v21, v19;
	v18 =	vld.idx.msk [tilespmem:v18+s13+$0x0], $0xffff;
	v15 =	vor.u32 v2, v15;
	v20 =	vadd.f32 v13, v22  }
0x59: {  	v19 =	vadd.s32 s28, v1;
	s28 =	simm.s32 $0xC;
	v22 =	vand.u32 $0x7C, v23;
	v13 =	vld.idx.msk [tilespmem:v12+s11+$0x0], $0xffff  }
.LBB2_5:
0x5a: {  	p0 =	sne.s32 s28, $0x7C;
	v22 =	vor.u32 v2, v22;
	s29 =	sadd.s32 $0x2, s26;
	v23 =	vld.idx.msk [tilespmem:v12+s13+$0x0], $0xffff;
	v20 =	vadd.f32 v21, v20;
	v21 =	vmul.f32 v14, v9  }
0x5b: {  	v12 =	vand.u32 $0x7D, v19;
	v19 =	vadd.s32 s29, v1;
	v9 =	vld.idx.msk [tilespmem:v16+s11+$0x0], $0xffff  }
0x5c: {  	v12 =	vor.u32 v2, v12;
	s29 =	sadd.s32 $0x3, s26;
	s26 =	smov.u32 s28;
	v14 =	vld.idx.msk [tilespmem:v16+s13+$0x0], $0xffff;
	v20 =	vadd.f32 v21, v20;
	v21 =	vmul.f32 v17, v10  }
.Ltmp1:
0x5d: {  	v16 =	vand.u32 $0x7E, v19;
	v19 =	vadd.s32 s29, v1;
	v10 =	vld.idx.msk [tilespmem:v15+s11+$0x0], $0xffff;
	(pc) =	sbr.rel @p0 .LBB2_5-.Ltmp1, $4  }
0x5e: {  	v16 =	vor.u32 v2, v16;
	v24 =	vmul.f32 v18, v11;
	v17 =	vld.idx.msk [tilespmem:v15+s13+$0x0], $0xffff;
	v20 =	vadd.f32 v21, v20  }
0x5f: {  	v25 =	vadd.s32 s28, v1;
	v15 =	vand.u32 $0x7F, v19;
	v11 =	vld.idx.msk [tilespmem:v22+s11+$0x0], $0xffff  }
0x60: {  	s29 =	sadd.s32 $0x1, s28;
	v15 =	vor.u32 v2, v15;
	v21 =	vmul.f32 v23, v13;
	v18 =	vld.idx.msk [tilespmem:v22+s13+$0x0], $0xffff;
	v20 =	vadd.f32 v24, v20  }
0x61: {  	s28 =	sadd.s32 $0x4, s28;
	v19 =	vadd.s32 s29, v1;
	v22 =	vand.u32 $0x7C, v25;
	v13 =	vld.idx.msk [tilespmem:v12+s11+$0x0], $0xffff  }
0x62: {  	_ =	sdelay $0x2  }
0x63: {  	v20 =	vadd.f32 v21, v20;
	v9 =	vmul.f32 v14, v9  }
0x64: {  	v14 =	vor.u32 v2, v22;
	v12 =	vld.idx.msk [tilespmem:v12+s13+$0x0], $0xffff  }
0x65: {  	s28 =	sadd.s32 $0x2, s26;
	v19 =	vand.u32 $0x7D, v19;
	v21 =	vld.idx.msk [tilespmem:v16+s11+$0x0], $0xffff;
	v10 =	vmul.f32 v17, v10;
	v9 =	vadd.f32 v9, v20  }
0x66: {  	v16 =	vld.idx.msk [tilespmem:v16+s13+$0x0], $0xffff;
	v17 =	vadd.s32 s28, v1;
	v19 =	vor.u32 v2, v19  }
0x67: {  	v17 =	vand.u32 $0x7E, v17;
	v20 =	vld.idx.msk [tilespmem:v15+s11+$0x0], $0xffff;
	v11 =	vmul.f32 v18, v11;
	v9 =	vadd.f32 v10, v9  }
0x68: {  	s29 =	sadd.s32 $0x3, s26;
	v15 =	vld.idx.msk [tilespmem:v15+s13+$0x0], $0xffff;
	v10 =	vor.u32 v2, v17  }
0x69: {  	v17 =	vadd.s32 s29, v1;
	v18 =	vld.idx.msk [tilespmem:v14+s11+$0x0], $0xffff;
	v9 =	vadd.f32 v11, v9;
	v11 =	vmul.f32 v12, v13  }
0x6a: {  	v12 =	vand.u32 $0x7F, v17;
	v13 =	vld.idx.msk [tilespmem:v14+s13+$0x0], $0xffff  }
0x6b: {  	v14 =	vld.idx.msk [tilespmem:v19+s11+$0x0], $0xffff;
	v12 =	vor.u32 v2, v12;
	v9 =	vadd.f32 v11, v9;
	v11 =	vmul.f32 v16, v21  }
0x6c: {  	v16 =	vld.idx.msk [tilespmem:v19+s13+$0x0], $0xffff  }
0x6d: {  	v17 =	vld.idx.msk [tilespmem:v10+s11+$0x0], $0xffff;
	v9 =	vadd.f32 v11, v9;
	v11 =	vmul.f32 v15, v20  }
0x6e: {  	v10 =	vld.idx.msk [tilespmem:v10+s13+$0x0], $0xffff  }
0x6f: {  	v13 =	vmul.f32 v13, v18;
	v9 =	vadd.f32 v11, v9  }
0x70: {  	v11 =	vld.idx.msk [tilespmem:v12+s11+$0x0], $0xffff  }
0x71: {  	v12 =	vld.idx.msk [tilespmem:v12+s13+$0x0], $0xffff;
	v9 =	vadd.f32 v13, v9;
	v13 =	vmul.f32 v16, v14;
	_ =	sdelay $0x1  }
0x72: {  	s30 =	simm.s32 $0x0;
	v10 =	vmul.f32 v10, v17;
	v9 =	vadd.f32 v13, v9  }
0x73: {  	v13 =	vadd.s32 s30, v1  }
0x74: {  	s31 =	simm.s32 $0x1;
	v9 =	vadd.f32 v10, v9;
	v10 =	vand.u32 $0x7C, v13  }
0x75: {  	v11 =	vmul.f32 v12, v11;
	v12 =	vadd.s32 s31, v1;
	v10 =	vor.u32 v3, v10  }
0x76: {  	s30 =	simm.s32 $0x3;
	v12 =	vand.u32 $0x7D, v12  }
0x77: {  	s29 =	simm.s32 $0x2;
	v13 =	vadd.s32 s30, v1;
	v12 =	vor.u32 v3, v12;
	v9 =	vadd.f32 v11, v9  }
0x78: {  	v13 =	vand.u32 $0x7F, v13;
	v11 =	vadd.s32 s29, v1  }
0x79: {  	v17 =	vor.u32 v3, v13;
	v11 =	vand.u32 $0x7E, v11;
	[tilespmem:$0x10410] =	vst v9  }
0x7a: {  	s31 =	simm.s32 $0x4;
	v11 =	vor.u32 v3, v11;
	v14 =	vld.idx.msk [tilespmem:v10+s11+$0x0], $0xffff  }
0x7b: {  	v15 =	vadd.s32 s31, v1;
	v16 =	vld.idx.msk [tilespmem:v10+s13+$0x0], $0xffff  }
0x7c: {  	s29 =	simm.s32 $0x5;
	v10 =	vand.u32 $0x7C, v15;
	v20 =	vld.idx.msk [tilespmem:v12+s11+$0x0], $0xffff  }
0x7d: {  	v13 =	vadd.s32 s29, v1;
	v22 =	vld.idx.msk [tilespmem:v12+s13+$0x0], $0xffff;
	v19 =	vor.u32 v3, v10  }
0x7e: {  	s30 =	simm.s32 $0x6;
	v12 =	vand.u32 $0x7D, v13;
	v18 =	vld.idx.msk [tilespmem:v17+s13+$0x0], $0xffff  }
0x7f: {  	v13 =	vor.u32 v3, v12;
	v12 =	vadd.s32 s30, v1;
	v10 =	vld.idx.msk [tilespmem:v11+s11+$0x0], $0xffff  }
0x80: {  	s31 =	simm.s32 $0x7;
	v12 =	vand.u32 $0x7E, v12;
	v15 =	vld.idx.msk [tilespmem:v11+s13+$0x0], $0xffff  }
0x81: {  	s26 =	simm.s32 $0x8;
	v21 =	vadd.s32 s31, v1;
	v11 =	vld.idx.msk [tilespmem:v17+s11+$0x0], $0xffff;
	v17 =	vor.u32 v3, v12;
	v14 =	vmul.f32 v16, v14  }
0x82: {  	v23 =	vimm.f32 $0.0e+00;
	v24 =	vadd.s32 s26, v1;
	v16 =	vand.u32 $0x7F, v21;
	v12 =	vld.idx.msk [tilespmem:v19+s11+$0x0], $0xffff  }
0x83: {  	s28 =	simm.s32 $0x9;
	v22 =	vmul.f32 v22, v20;
	v19 =	vld.idx.msk [tilespmem:v19+s13+$0x0], $0xffff;
	v16 =	vor.u32 v3, v16;
	v21 =	vadd.f32 v14, v23  }
0x84: {  	v20 =	vadd.s32 s28, v1;
	s28 =	simm.s32 $0xC;
	v23 =	vand.u32 $0x7C, v24;
	v14 =	vld.idx.msk [tilespmem:v13+s11+$0x0], $0xffff  }
.LBB2_7:
0x85: {  	p0 =	sne.s32 s28, $0x7C;
	v23 =	vor.u32 v3, v23;
	s29 =	sadd.s32 $0x2, s26;
	v24 =	vld.idx.msk [tilespmem:v13+s13+$0x0], $0xffff;
	v21 =	vadd.f32 v22, v21;
	v22 =	vmul.f32 v15, v10  }
0x86: {  	v13 =	vand.u32 $0x7D, v20;
	v20 =	vadd.s32 s29, v1;
	v10 =	vld.idx.msk [tilespmem:v17+s11+$0x0], $0xffff  }
0x87: {  	v13 =	vor.u32 v3, v13;
	s29 =	sadd.s32 $0x3, s26;
	s26 =	smov.u32 s28;
	v15 =	vld.idx.msk [tilespmem:v17+s13+$0x0], $0xffff;
	v21 =	vadd.f32 v22, v21;
	v22 =	vmul.f32 v18, v11  }
.Ltmp2:
0x88: {  	v17 =	vand.u32 $0x7E, v20;
	v20 =	vadd.s32 s29, v1;
	v11 =	vld.idx.msk [tilespmem:v16+s11+$0x0], $0xffff;
	(pc) =	sbr.rel @p0 .LBB2_7-.Ltmp2, $4  }
0x89: {  	v17 =	vor.u32 v3, v17;
	v25 =	vmul.f32 v19, v12;
	v18 =	vld.idx.msk [tilespmem:v16+s13+$0x0], $0xffff;
	v21 =	vadd.f32 v22, v21  }
0x8a: {  	v26 =	vadd.s32 s28, v1;
	v16 =	vand.u32 $0x7F, v20;
	v12 =	vld.idx.msk [tilespmem:v23+s11+$0x0], $0xffff  }
0x8b: {  	s29 =	sadd.s32 $0x1, s28;
	v16 =	vor.u32 v3, v16;
	v22 =	vmul.f32 v24, v14;
	v19 =	vld.idx.msk [tilespmem:v23+s13+$0x0], $0xffff;
	v21 =	vadd.f32 v25, v21  }
0x8c: {  	s28 =	sadd.s32 $0x4, s28;
	v20 =	vadd.s32 s29, v1;
	v23 =	vand.u32 $0x7C, v26;
	v14 =	vld.idx.msk [tilespmem:v13+s11+$0x0], $0xffff  }
0x8d: {  	_ =	sdelay $0x2  }
0x8e: {  	v21 =	vadd.f32 v22, v21;
	v10 =	vmul.f32 v15, v10  }
0x8f: {  	v15 =	vor.u32 v3, v23;
	v13 =	vld.idx.msk [tilespmem:v13+s13+$0x0], $0xffff  }
0x90: {  	s28 =	sadd.s32 $0x2, s26;
	v20 =	vand.u32 $0x7D, v20;
	v22 =	vld.idx.msk [tilespmem:v17+s11+$0x0], $0xffff;
	v11 =	vmul.f32 v18, v11;
	v10 =	vadd.f32 v10, v21  }
0x91: {  	v17 =	vld.idx.msk [tilespmem:v17+s13+$0x0], $0xffff;
	v18 =	vadd.s32 s28, v1;
	v20 =	vor.u32 v3, v20  }
0x92: {  	v18 =	vand.u32 $0x7E, v18;
	v21 =	vld.idx.msk [tilespmem:v16+s11+$0x0], $0xffff;
	v12 =	vmul.f32 v19, v12;
	v10 =	vadd.f32 v11, v10  }
0x93: {  	s29 =	sadd.s32 $0x3, s26;
	v16 =	vld.idx.msk [tilespmem:v16+s13+$0x0], $0xffff;
	v11 =	vor.u32 v3, v18  }
0x94: {  	v18 =	vadd.s32 s29, v1;
	v19 =	vld.idx.msk [tilespmem:v15+s11+$0x0], $0xffff;
	v10 =	vadd.f32 v12, v10;
	v12 =	vmul.f32 v13, v14  }
0x95: {  	v13 =	vand.u32 $0x7F, v18;
	v14 =	vld.idx.msk [tilespmem:v15+s13+$0x0], $0xffff  }
0x96: {  	v15 =	vld.idx.msk [tilespmem:v20+s11+$0x0], $0xffff;
	v13 =	vor.u32 v3, v13;
	v10 =	vadd.f32 v12, v10;
	v12 =	vmul.f32 v17, v22  }
0x97: {  	v17 =	vld.idx.msk [tilespmem:v20+s13+$0x0], $0xffff  }
0x98: {  	v18 =	vld.idx.msk [tilespmem:v11+s11+$0x0], $0xffff;
	v10 =	vadd.f32 v12, v10;
	v12 =	vmul.f32 v16, v21  }
0x99: {  	v11 =	vld.idx.msk [tilespmem:v11+s13+$0x0], $0xffff  }
0x9a: {  	v14 =	vmul.f32 v14, v19;
	v10 =	vadd.f32 v12, v10  }
0x9b: {  	v12 =	vld.idx.msk [tilespmem:v13+s11+$0x0], $0xffff  }
0x9c: {  	v13 =	vld.idx.msk [tilespmem:v13+s13+$0x0], $0xffff;
	v10 =	vadd.f32 v14, v10;
	v14 =	vmul.f32 v17, v15;
	_ =	sdelay $0x1  }
0x9d: {  	s30 =	simm.s32 $0x0;
	v11 =	vmul.f32 v11, v18;
	v10 =	vadd.f32 v14, v10  }
0x9e: {  	v14 =	vadd.s32 s30, v1  }
0x9f: {  	s31 =	simm.s32 $0x1;
	v10 =	vadd.f32 v11, v10;
	v11 =	vand.u32 $0x7C, v14  }
0xa0: {  	v12 =	vmul.f32 v13, v12;
	v13 =	vadd.s32 s31, v1;
	v11 =	vor.u32 v4, v11  }
0xa1: {  	s30 =	simm.s32 $0x3;
	v13 =	vand.u32 $0x7D, v13  }
0xa2: {  	s29 =	simm.s32 $0x2;
	v14 =	vadd.s32 s30, v1;
	v13 =	vor.u32 v4, v13;
	v10 =	vadd.f32 v12, v10  }
0xa3: {  	v14 =	vand.u32 $0x7F, v14;
	v12 =	vadd.s32 s29, v1  }
0xa4: {  	v18 =	vor.u32 v4, v14;
	v12 =	vand.u32 $0x7E, v12;
	[tilespmem:$0x10420] =	vst v10  }
0xa5: {  	s31 =	simm.s32 $0x4;
	v12 =	vor.u32 v4, v12;
	v15 =	vld.idx.msk [tilespmem:v11+s11+$0x0], $0xffff  }
0xa6: {  	v16 =	vadd.s32 s31, v1;
	v17 =	vld.idx.msk [tilespmem:v11+s13+$0x0], $0xffff  }
0xa7: {  	s29 =	simm.s32 $0x5;
	v11 =	vand.u32 $0x7C, v16;
	v21 =	vld.idx.msk [tilespmem:v13+s11+$0x0], $0xffff  }
0xa8: {  	v14 =	vadd.s32 s29, v1;
	v23 =	vld.idx.msk [tilespmem:v13+s13+$0x0], $0xffff;
	v20 =	vor.u32 v4, v11  }
0xa9: {  	s30 =	simm.s32 $0x6;
	v13 =	vand.u32 $0x7D, v14;
	v19 =	vld.idx.msk [tilespmem:v18+s13+$0x0], $0xffff  }
0xaa: {  	v14 =	vor.u32 v4, v13;
	v13 =	vadd.s32 s30, v1;
	v11 =	vld.idx.msk [tilespmem:v12+s11+$0x0], $0xffff  }
0xab: {  	s31 =	simm.s32 $0x7;
	v13 =	vand.u32 $0x7E, v13;
	v16 =	vld.idx.msk [tilespmem:v12+s13+$0x0], $0xffff  }
0xac: {  	s26 =	simm.s32 $0x8;
	v22 =	vadd.s32 s31, v1;
	v12 =	vld.idx.msk [tilespmem:v18+s11+$0x0], $0xffff;
	v18 =	vor.u32 v4, v13;
	v15 =	vmul.f32 v17, v15  }
0xad: {  	v24 =	vimm.f32 $0.0e+00;
	v25 =	vadd.s32 s26, v1;
	v17 =	vand.u32 $0x7F, v22;
	v13 =	vld.idx.msk [tilespmem:v20+s11+$0x0], $0xffff  }
0xae: {  	s28 =	simm.s32 $0x9;
	v23 =	vmul.f32 v23, v21;
	v20 =	vld.idx.msk [tilespmem:v20+s13+$0x0], $0xffff;
	v17 =	vor.u32 v4, v17;
	v22 =	vadd.f32 v15, v24  }
0xaf: {  	v21 =	vadd.s32 s28, v1;
	s28 =	simm.s32 $0xC;
	v24 =	vand.u32 $0x7C, v25;
	v15 =	vld.idx.msk [tilespmem:v14+s11+$0x0], $0xffff  }
.LBB2_9:
0xb0: {  	p0 =	sne.s32 s28, $0x7C;
	v24 =	vor.u32 v4, v24;
	s29 =	sadd.s32 $0x2, s26;
	v25 =	vld.idx.msk [tilespmem:v14+s13+$0x0], $0xffff;
	v22 =	vadd.f32 v23, v22;
	v23 =	vmul.f32 v16, v11  }
0xb1: {  	v14 =	vand.u32 $0x7D, v21;
	v21 =	vadd.s32 s29, v1;
	v11 =	vld.idx.msk [tilespmem:v18+s11+$0x0], $0xffff  }
0xb2: {  	v14 =	vor.u32 v4, v14;
	s29 =	sadd.s32 $0x3, s26;
	s26 =	smov.u32 s28;
	v16 =	vld.idx.msk [tilespmem:v18+s13+$0x0], $0xffff;
	v22 =	vadd.f32 v23, v22;
	v23 =	vmul.f32 v19, v12  }
.Ltmp3:
0xb3: {  	v18 =	vand.u32 $0x7E, v21;
	v21 =	vadd.s32 s29, v1;
	v12 =	vld.idx.msk [tilespmem:v17+s11+$0x0], $0xffff;
	(pc) =	sbr.rel @p0 .LBB2_9-.Ltmp3, $4  }
0xb4: {  	v18 =	vor.u32 v4, v18;
	v26 =	vmul.f32 v20, v13;
	v19 =	vld.idx.msk [tilespmem:v17+s13+$0x0], $0xffff;
	v22 =	vadd.f32 v23, v22  }
0xb5: {  	v27 =	vadd.s32 s28, v1;
	v17 =	vand.u32 $0x7F, v21;
	v13 =	vld.idx.msk [tilespmem:v24+s11+$0x0], $0xffff  }
0xb6: {  	s29 =	sadd.s32 $0x1, s28;
	v17 =	vor.u32 v4, v17;
	v23 =	vmul.f32 v25, v15;
	v20 =	vld.idx.msk [tilespmem:v24+s13+$0x0], $0xffff;
	v22 =	vadd.f32 v26, v22  }
0xb7: {  	s28 =	sadd.s32 $0x4, s28;
	v21 =	vadd.s32 s29, v1;
	v24 =	vand.u32 $0x7C, v27;
	v15 =	vld.idx.msk [tilespmem:v14+s11+$0x0], $0xffff  }
0xb8: {  	_ =	sdelay $0x2  }
0xb9: {  	v22 =	vadd.f32 v23, v22;
	v11 =	vmul.f32 v16, v11  }
0xba: {  	v16 =	vor.u32 v4, v24;
	v14 =	vld.idx.msk [tilespmem:v14+s13+$0x0], $0xffff  }
0xbb: {  	s28 =	sadd.s32 $0x2, s26;
	v21 =	vand.u32 $0x7D, v21;
	v23 =	vld.idx.msk [tilespmem:v18+s11+$0x0], $0xffff;
	v12 =	vmul.f32 v19, v12;
	v11 =	vadd.f32 v11, v22  }
0xbc: {  	v18 =	vld.idx.msk [tilespmem:v18+s13+$0x0], $0xffff;
	v19 =	vadd.s32 s28, v1;
	v21 =	vor.u32 v4, v21  }
0xbd: {  	v19 =	vand.u32 $0x7E, v19;
	v22 =	vld.idx.msk [tilespmem:v17+s11+$0x0], $0xffff;
	v13 =	vmul.f32 v20, v13;
	v11 =	vadd.f32 v12, v11  }
0xbe: {  	s29 =	sadd.s32 $0x3, s26;
	v17 =	vld.idx.msk [tilespmem:v17+s13+$0x0], $0xffff;
	v12 =	vor.u32 v4, v19  }
0xbf: {  	v19 =	vadd.s32 s29, v1;
	v20 =	vld.idx.msk [tilespmem:v16+s11+$0x0], $0xffff;
	v11 =	vadd.f32 v13, v11;
	v13 =	vmul.f32 v14, v15  }
0xc0: {  	v14 =	vand.u32 $0x7F, v19;
	v15 =	vld.idx.msk [tilespmem:v16+s13+$0x0], $0xffff  }
0xc1: {  	v16 =	vld.idx.msk [tilespmem:v21+s11+$0x0], $0xffff;
	v14 =	vor.u32 v4, v14;
	v11 =	vadd.f32 v13, v11;
	v13 =	vmul.f32 v18, v23  }
0xc2: {  	v18 =	vld.idx.msk [tilespmem:v21+s13+$0x0], $0xffff  }
0xc3: {  	v19 =	vld.idx.msk [tilespmem:v12+s11+$0x0], $0xffff;
	v11 =	vadd.f32 v13, v11;
	v13 =	vmul.f32 v17, v22  }
0xc4: {  	v12 =	vld.idx.msk [tilespmem:v12+s13+$0x0], $0xffff  }
0xc5: {  	v15 =	vmul.f32 v15, v20;
	v11 =	vadd.f32 v13, v11  }
0xc6: {  	v13 =	vld.idx.msk [tilespmem:v14+s11+$0x0], $0xffff  }
0xc7: {  	v14 =	vld.idx.msk [tilespmem:v14+s13+$0x0], $0xffff;
	v11 =	vadd.f32 v15, v11;
	v15 =	vmul.f32 v18, v16;
	_ =	sdelay $0x1  }
0xc8: {  	s30 =	simm.s32 $0x0;
	v12 =	vmul.f32 v12, v19;
	v11 =	vadd.f32 v15, v11  }
0xc9: {  	v15 =	vadd.s32 s30, v1  }
0xca: {  	s31 =	simm.s32 $0x1;
	v11 =	vadd.f32 v12, v11;
	v12 =	vand.u32 $0x7C, v15  }
0xcb: {  	v13 =	vmul.f32 v14, v13;
	v14 =	vadd.s32 s31, v1;
	v12 =	vor.u32 v5, v12  }
0xcc: {  	s30 =	simm.s32 $0x3;
	v14 =	vand.u32 $0x7D, v14  }
0xcd: {  	s29 =	simm.s32 $0x2;
	v15 =	vadd.s32 s30, v1;
	v14 =	vor.u32 v5, v14;
	v11 =	vadd.f32 v13, v11  }
0xce: {  	v15 =	vand.u32 $0x7F, v15;
	v13 =	vadd.s32 s29, v1  }
0xcf: {  	v19 =	vor.u32 v5, v15;
	v13 =	vand.u32 $0x7E, v13;
	[tilespmem:$0x10430] =	vst v11  }
0xd0: {  	s31 =	simm.s32 $0x4;
	v13 =	vor.u32 v5, v13;
	v16 =	vld.idx.msk [tilespmem:v12+s11+$0x0], $0xffff  }
0xd1: {  	v17 =	vadd.s32 s31, v1;
	v18 =	vld.idx.msk [tilespmem:v12+s13+$0x0], $0xffff  }
0xd2: {  	s29 =	simm.s32 $0x5;
	v12 =	vand.u32 $0x7C, v17;
	v22 =	vld.idx.msk [tilespmem:v14+s11+$0x0], $0xffff  }
0xd3: {  	v15 =	vadd.s32 s29, v1;
	v24 =	vld.idx.msk [tilespmem:v14+s13+$0x0], $0xffff;
	v21 =	vor.u32 v5, v12  }
0xd4: {  	s30 =	simm.s32 $0x6;
	v14 =	vand.u32 $0x7D, v15;
	v20 =	vld.idx.msk [tilespmem:v19+s13+$0x0], $0xffff  }
0xd5: {  	v15 =	vor.u32 v5, v14;
	v14 =	vadd.s32 s30, v1;
	v12 =	vld.idx.msk [tilespmem:v13+s11+$0x0], $0xffff  }
0xd6: {  	s31 =	simm.s32 $0x7;
	v14 =	vand.u32 $0x7E, v14;
	v17 =	vld.idx.msk [tilespmem:v13+s13+$0x0], $0xffff  }
0xd7: {  	s26 =	simm.s32 $0x8;
	v23 =	vadd.s32 s31, v1;
	v13 =	vld.idx.msk [tilespmem:v19+s11+$0x0], $0xffff;
	v19 =	vor.u32 v5, v14;
	v16 =	vmul.f32 v18, v16  }
0xd8: {  	v25 =	vimm.f32 $0.0e+00;
	v26 =	vadd.s32 s26, v1;
	v18 =	vand.u32 $0x7F, v23;
	v14 =	vld.idx.msk [tilespmem:v21+s11+$0x0], $0xffff  }
0xd9: {  	s28 =	simm.s32 $0x9;
	v24 =	vmul.f32 v24, v22;
	v21 =	vld.idx.msk [tilespmem:v21+s13+$0x0], $0xffff;
	v18 =	vor.u32 v5, v18;
	v23 =	vadd.f32 v16, v25  }
0xda: {  	v22 =	vadd.s32 s28, v1;
	s28 =	simm.s32 $0xC;
	v25 =	vand.u32 $0x7C, v26;
	v16 =	vld.idx.msk [tilespmem:v15+s11+$0x0], $0xffff  }
.LBB2_11:
0xdb: {  	p0 =	sne.s32 s28, $0x7C;
	v25 =	vor.u32 v5, v25;
	s29 =	sadd.s32 $0x2, s26;
	v26 =	vld.idx.msk [tilespmem:v15+s13+$0x0], $0xffff;
	v23 =	vadd.f32 v24, v23;
	v24 =	vmul.f32 v17, v12  }
0xdc: {  	v15 =	vand.u32 $0x7D, v22;
	v22 =	vadd.s32 s29, v1;
	v12 =	vld.idx.msk [tilespmem:v19+s11+$0x0], $0xffff  }
0xdd: {  	v15 =	vor.u32 v5, v15;
	s29 =	sadd.s32 $0x3, s26;
	s26 =	smov.u32 s28;
	v17 =	vld.idx.msk [tilespmem:v19+s13+$0x0], $0xffff;
	v23 =	vadd.f32 v24, v23;
	v24 =	vmul.f32 v20, v13  }
.Ltmp4:
0xde: {  	v19 =	vand.u32 $0x7E, v22;
	v22 =	vadd.s32 s29, v1;
	v13 =	vld.idx.msk [tilespmem:v18+s11+$0x0], $0xffff;
	(pc) =	sbr.rel @p0 .LBB2_11-.Ltmp4, $4  }
0xdf: {  	v19 =	vor.u32 v5, v19;
	v27 =	vmul.f32 v21, v14;
	v20 =	vld.idx.msk [tilespmem:v18+s13+$0x0], $0xffff;
	v23 =	vadd.f32 v24, v23  }
0xe0: {  	v28 =	vadd.s32 s28, v1;
	v18 =	vand.u32 $0x7F, v22;
	v14 =	vld.idx.msk [tilespmem:v25+s11+$0x0], $0xffff  }
0xe1: {  	s29 =	sadd.s32 $0x1, s28;
	v18 =	vor.u32 v5, v18;
	v24 =	vmul.f32 v26, v16;
	v21 =	vld.idx.msk [tilespmem:v25+s13+$0x0], $0xffff;
	v23 =	vadd.f32 v27, v23  }
0xe2: {  	s28 =	sadd.s32 $0x4, s28;
	v22 =	vadd.s32 s29, v1;
	v25 =	vand.u32 $0x7C, v28;
	v16 =	vld.idx.msk [tilespmem:v15+s11+$0x0], $0xffff  }
0xe3: {  	_ =	sdelay $0x2  }
0xe4: {  	v23 =	vadd.f32 v24, v23;
	v12 =	vmul.f32 v17, v12  }
0xe5: {  	v17 =	vor.u32 v5, v25;
	v15 =	vld.idx.msk [tilespmem:v15+s13+$0x0], $0xffff  }
0xe6: {  	s28 =	sadd.s32 $0x2, s26;
	v22 =	vand.u32 $0x7D, v22;
	v24 =	vld.idx.msk [tilespmem:v19+s11+$0x0], $0xffff;
	v13 =	vmul.f32 v20, v13;
	v12 =	vadd.f32 v12, v23  }
0xe7: {  	v19 =	vld.idx.msk [tilespmem:v19+s13+$0x0], $0xffff;
	v20 =	vadd.s32 s28, v1;
	v22 =	vor.u32 v5, v22  }
0xe8: {  	v20 =	vand.u32 $0x7E, v20;
	v23 =	vld.idx.msk [tilespmem:v18+s11+$0x0], $0xffff;
	v14 =	vmul.f32 v21, v14;
	v12 =	vadd.f32 v13, v12  }
0xe9: {  	s29 =	sadd.s32 $0x3, s26;
	v18 =	vld.idx.msk [tilespmem:v18+s13+$0x0], $0xffff;
	v13 =	vor.u32 v5, v20  }
0xea: {  	v20 =	vadd.s32 s29, v1;
	v21 =	vld.idx.msk [tilespmem:v17+s11+$0x0], $0xffff;
	v12 =	vadd.f32 v14, v12;
	v14 =	vmul.f32 v15, v16  }
0xeb: {  	v15 =	vand.u32 $0x7F, v20;
	v16 =	vld.idx.msk [tilespmem:v17+s13+$0x0], $0xffff  }
0xec: {  	v17 =	vld.idx.msk [tilespmem:v22+s11+$0x0], $0xffff;
	v15 =	vor.u32 v5, v15;
	v12 =	vadd.f32 v14, v12;
	v14 =	vmul.f32 v19, v24  }
0xed: {  	v19 =	vld.idx.msk [tilespmem:v22+s13+$0x0], $0xffff  }
0xee: {  	v20 =	vld.idx.msk [tilespmem:v13+s11+$0x0], $0xffff;
	v12 =	vadd.f32 v14, v12;
	v14 =	vmul.f32 v18, v23  }
0xef: {  	v13 =	vld.idx.msk [tilespmem:v13+s13+$0x0], $0xffff  }
0xf0: {  	v16 =	vmul.f32 v16, v21;
	v12 =	vadd.f32 v14, v12  }
0xf1: {  	v14 =	vld.idx.msk [tilespmem:v15+s11+$0x0], $0xffff  }
0xf2: {  	v15 =	vld.idx.msk [tilespmem:v15+s13+$0x0], $0xffff;
	v12 =	vadd.f32 v16, v12;
	v16 =	vmul.f32 v19, v17;
	_ =	sdelay $0x1  }
0xf3: {  	s30 =	simm.s32 $0x0;
	v13 =	vmul.f32 v13, v20;
	v12 =	vadd.f32 v16, v12  }
0xf4: {  	v16 =	vadd.s32 s30, v1  }
0xf5: {  	s31 =	simm.s32 $0x1;
	v12 =	vadd.f32 v13, v12;
	v13 =	vand.u32 $0x7C, v16  }
0xf6: {  	v14 =	vmul.f32 v15, v14;
	v15 =	vadd.s32 s31, v1;
	v13 =	vor.u32 v6, v13  }
0xf7: {  	s30 =	simm.s32 $0x3;
	v15 =	vand.u32 $0x7D, v15  }
0xf8: {  	s29 =	simm.s32 $0x2;
	v16 =	vadd.s32 s30, v1;
	v15 =	vor.u32 v6, v15;
	v12 =	vadd.f32 v14, v12  }
0xf9: {  	v16 =	vand.u32 $0x7F, v16;
	v14 =	vadd.s32 s29, v1  }
0xfa: {  	v20 =	vor.u32 v6, v16;
	v14 =	vand.u32 $0x7E, v14;
	[tilespmem:$0x10440] =	vst v12  }
0xfb: {  	s31 =	simm.s32 $0x4;
	v14 =	vor.u32 v6, v14;
	v17 =	vld.idx.msk [tilespmem:v13+s11+$0x0], $0xffff  }
0xfc: {  	v18 =	vadd.s32 s31, v1;
	v19 =	vld.idx.msk [tilespmem:v13+s13+$0x0], $0xffff  }
0xfd: {  	s29 =	simm.s32 $0x5;
	v13 =	vand.u32 $0x7C, v18;
	v23 =	vld.idx.msk [tilespmem:v15+s11+$0x0], $0xffff  }
0xfe: {  	v16 =	vadd.s32 s29, v1;
	v25 =	vld.idx.msk [tilespmem:v15+s13+$0x0], $0xffff;
	v22 =	vor.u32 v6, v13  }
0xff: {  	s30 =	simm.s32 $0x6;
	v15 =	vand.u32 $0x7D, v16;
	v21 =	vld.idx.msk [tilespmem:v20+s13+$0x0], $0xffff  }
0x100: {  	v16 =	vor.u32 v6, v15;
	v15 =	vadd.s32 s30, v1;
	v13 =	vld.idx.msk [tilespmem:v14+s11+$0x0], $0xffff  }
0x101: {  	s31 =	simm.s32 $0x7;
	v15 =	vand.u32 $0x7E, v15;
	v18 =	vld.idx.msk [tilespmem:v14+s13+$0x0], $0xffff  }
0x102: {  	s26 =	simm.s32 $0x8;
	v24 =	vadd.s32 s31, v1;
	v14 =	vld.idx.msk [tilespmem:v20+s11+$0x0], $0xffff;
	v20 =	vor.u32 v6, v15;
	v17 =	vmul.f32 v19, v17  }
0x103: {  	v26 =	vimm.f32 $0.0e+00;
	v27 =	vadd.s32 s26, v1;
	v19 =	vand.u32 $0x7F, v24;
	v15 =	vld.idx.msk [tilespmem:v22+s11+$0x0], $0xffff  }
0x104: {  	s28 =	simm.s32 $0x9;
	v25 =	vmul.f32 v25, v23;
	v22 =	vld.idx.msk [tilespmem:v22+s13+$0x0], $0xffff;
	v19 =	vor.u32 v6, v19;
	v24 =	vadd.f32 v17, v26  }
0x105: {  	v23 =	vadd.s32 s28, v1;
	s28 =	simm.s32 $0xC;
	v26 =	vand.u32 $0x7C, v27;
	v17 =	vld.idx.msk [tilespmem:v16+s11+$0x0], $0xffff  }
.LBB2_13:
0x106: {  	p0 =	sne.s32 s28, $0x7C;
	v26 =	vor.u32 v6, v26;
	s29 =	sadd.s32 $0x2, s26;
	v27 =	vld.idx.msk [tilespmem:v16+s13+$0x0], $0xffff;
	v24 =	vadd.f32 v25, v24;
	v25 =	vmul.f32 v18, v13  }
0x107: {  	v16 =	vand.u32 $0x7D, v23;
	v23 =	vadd.s32 s29, v1;
	v13 =	vld.idx.msk [tilespmem:v20+s11+$0x0], $0xffff  }
0x108: {  	v16 =	vor.u32 v6, v16;
	s29 =	sadd.s32 $0x3, s26;
	s26 =	smov.u32 s28;
	v18 =	vld.idx.msk [tilespmem:v20+s13+$0x0], $0xffff;
	v24 =	vadd.f32 v25, v24;
	v25 =	vmul.f32 v21, v14  }
.Ltmp5:
0x109: {  	v20 =	vand.u32 $0x7E, v23;
	v23 =	vadd.s32 s29, v1;
	v14 =	vld.idx.msk [tilespmem:v19+s11+$0x0], $0xffff;
	(pc) =	sbr.rel @p0 .LBB2_13-.Ltmp5, $4  }
0x10a: {  	v20 =	vor.u32 v6, v20;
	v28 =	vmul.f32 v22, v15;
	v21 =	vld.idx.msk [tilespmem:v19+s13+$0x0], $0xffff;
	v24 =	vadd.f32 v25, v24  }
0x10b: {  	v29 =	vadd.s32 s28, v1;
	v19 =	vand.u32 $0x7F, v23;
	v15 =	vld.idx.msk [tilespmem:v26+s11+$0x0], $0xffff  }
0x10c: {  	s29 =	sadd.s32 $0x1, s28;
	v19 =	vor.u32 v6, v19;
	v25 =	vmul.f32 v27, v17;
	v22 =	vld.idx.msk [tilespmem:v26+s13+$0x0], $0xffff;
	v24 =	vadd.f32 v28, v24  }
0x10d: {  	s28 =	sadd.s32 $0x4, s28;
	v23 =	vadd.s32 s29, v1;
	v26 =	vand.u32 $0x7C, v29;
	v17 =	vld.idx.msk [tilespmem:v16+s11+$0x0], $0xffff  }
0x10e: {  	_ =	sdelay $0x2  }
0x10f: {  	v24 =	vadd.f32 v25, v24;
	v13 =	vmul.f32 v18, v13  }
0x110: {  	v18 =	vor.u32 v6, v26;
	v16 =	vld.idx.msk [tilespmem:v16+s13+$0x0], $0xffff  }
0x111: {  	s28 =	sadd.s32 $0x2, s26;
	v23 =	vand.u32 $0x7D, v23;
	v25 =	vld.idx.msk [tilespmem:v20+s11+$0x0], $0xffff;
	v14 =	vmul.f32 v21, v14;
	v13 =	vadd.f32 v13, v24  }
0x112: {  	v20 =	vld.idx.msk [tilespmem:v20+s13+$0x0], $0xffff;
	v21 =	vadd.s32 s28, v1;
	v23 =	vor.u32 v6, v23  }
0x113: {  	v21 =	vand.u32 $0x7E, v21;
	v24 =	vld.idx.msk [tilespmem:v19+s11+$0x0], $0xffff;
	v15 =	vmul.f32 v22, v15;
	v13 =	vadd.f32 v14, v13  }
0x114: {  	s29 =	sadd.s32 $0x3, s26;
	v19 =	vld.idx.msk [tilespmem:v19+s13+$0x0], $0xffff;
	v14 =	vor.u32 v6, v21  }
0x115: {  	v21 =	vadd.s32 s29, v1;
	v22 =	vld.idx.msk [tilespmem:v18+s11+$0x0], $0xffff;
	v13 =	vadd.f32 v15, v13;
	v15 =	vmul.f32 v16, v17  }
0x116: {  	v16 =	vand.u32 $0x7F, v21;
	v17 =	vld.idx.msk [tilespmem:v18+s13+$0x0], $0xffff  }
0x117: {  	v18 =	vld.idx.msk [tilespmem:v23+s11+$0x0], $0xffff;
	v16 =	vor.u32 v6, v16;
	v13 =	vadd.f32 v15, v13;
	v15 =	vmul.f32 v20, v25  }
0x118: {  	v20 =	vld.idx.msk [tilespmem:v23+s13+$0x0], $0xffff  }
0x119: {  	v21 =	vld.idx.msk [tilespmem:v14+s11+$0x0], $0xffff;
	v13 =	vadd.f32 v15, v13;
	v15 =	vmul.f32 v19, v24  }
0x11a: {  	v14 =	vld.idx.msk [tilespmem:v14+s13+$0x0], $0xffff  }
0x11b: {  	v17 =	vmul.f32 v17, v22;
	v13 =	vadd.f32 v15, v13  }
0x11c: {  	v15 =	vld.idx.msk [tilespmem:v16+s11+$0x0], $0xffff  }
0x11d: {  	v16 =	vld.idx.msk [tilespmem:v16+s13+$0x0], $0xffff;
	v13 =	vadd.f32 v17, v13;
	v17 =	vmul.f32 v20, v18;
	_ =	sdelay $0x1  }
0x11e: {  	s30 =	simm.s32 $0x0;
	v14 =	vmul.f32 v14, v21;
	v13 =	vadd.f32 v17, v13  }
0x11f: {  	v17 =	vadd.s32 s30, v1  }
0x120: {  	s31 =	simm.s32 $0x1;
	v13 =	vadd.f32 v14, v13;
	v14 =	vand.u32 $0x7C, v17  }
0x121: {  	v15 =	vmul.f32 v16, v15;
	v16 =	vadd.s32 s31, v1;
	v14 =	vor.u32 v7, v14  }
0x122: {  	s29 =	simm.s32 $0x2;
	v16 =	vand.u32 $0x7D, v16  }
0x123: {  	v16 =	vor.u32 v7, v16;
	v13 =	vadd.f32 v15, v13;
	v15 =	vadd.s32 s29, v1  }
0x124: {  	s30 =	simm.s32 $0x3;
	v15 =	vand.u32 $0x7E, v15  }
0x125: {  	v17 =	vadd.s32 s30, v1;
	[tilespmem:$0x10450] =	vst v13;
	v15 =	vor.u32 v7, v15  }
0x126: {  	s31 =	simm.s32 $0x4;
	v17 =	vand.u32 $0x7F, v17;
	v18 =	vld.idx.msk [tilespmem:v14+s11+$0x0], $0xffff  }
0x127: {  	v19 =	vadd.s32 s31, v1;
	v22 =	vor.u32 v7, v17;
	v21 =	vld.idx.msk [tilespmem:v14+s13+$0x0], $0xffff  }
0x128: {  	s29 =	simm.s32 $0x5;
	v14 =	vand.u32 $0x7C, v19;
	v24 =	vld.idx.msk [tilespmem:v16+s11+$0x0], $0xffff  }
0x129: {  	v17 =	vadd.s32 s29, v1;
	v26 =	vld.idx.msk [tilespmem:v16+s13+$0x0], $0xffff;
	v19 =	vor.u32 v7, v14  }
0x12a: {  	s30 =	simm.s32 $0x6;
	v16 =	vand.u32 $0x7D, v17;
	v14 =	vld.idx.msk [tilespmem:v15+s11+$0x0], $0xffff  }
0x12b: {  	v17 =	vor.u32 v7, v16;
	v16 =	vadd.s32 s30, v1;
	v20 =	vld.idx.msk [tilespmem:v15+s13+$0x0], $0xffff  }
0x12c: {  	s31 =	simm.s32 $0x7;
	v16 =	vand.u32 $0x7E, v16;
	v15 =	vld.idx.msk [tilespmem:v22+s11+$0x0], $0xffff  }
0x12d: {  	s26 =	simm.s32 $0x8;
	v23 =	vadd.s32 s31, v1;
	v22 =	vld.idx.msk [tilespmem:v22+s13+$0x0], $0xffff;
	v18 =	vmul.f32 v21, v18;
	v21 =	vor.u32 v7, v16  }
0x12e: {  	v28 =	vadd.s32 s26, v1;
	v25 =	vimm.f32 $0.0e+00;
	v27 =	vand.u32 $0x7F, v23;
	v16 =	vld.idx.msk [tilespmem:v19+s11+$0x0], $0xffff  }
0x12f: {  	s28 =	simm.s32 $0x9;
	v26 =	vmul.f32 v26, v24;
	v23 =	vld.idx.msk [tilespmem:v19+s13+$0x0], $0xffff;
	v19 =	vor.u32 v7, v27;
	v25 =	vadd.f32 v18, v25  }
0x130: {  	v24 =	vadd.s32 s28, v1;
	s28 =	simm.s32 $0xC;
	v27 =	vand.u32 $0x7C, v28;
	v18 =	vld.idx.msk [tilespmem:v17+s11+$0x0], $0xffff  }
.LBB2_15:
0x131: {  	p0 =	sne.s32 s28, $0x7C;
	v27 =	vor.u32 v7, v27;
	s29 =	sadd.s32 $0x2, s26;
	v28 =	vld.idx.msk [tilespmem:v17+s13+$0x0], $0xffff;
	v25 =	vadd.f32 v26, v25;
	v26 =	vmul.f32 v20, v14  }
0x132: {  	v17 =	vand.u32 $0x7D, v24;
	v24 =	vadd.s32 s29, v1;
	v14 =	vld.idx.msk [tilespmem:v21+s11+$0x0], $0xffff  }
0x133: {  	v17 =	vor.u32 v7, v17;
	s29 =	sadd.s32 $0x3, s26;
	s26 =	smov.u32 s28;
	v20 =	vld.idx.msk [tilespmem:v21+s13+$0x0], $0xffff;
	v25 =	vadd.f32 v26, v25;
	v26 =	vmul.f32 v22, v15  }
.Ltmp6:
0x134: {  	v21 =	vand.u32 $0x7E, v24;
	v24 =	vadd.s32 s29, v1;
	v15 =	vld.idx.msk [tilespmem:v19+s11+$0x0], $0xffff;
	(pc) =	sbr.rel @p0 .LBB2_15-.Ltmp6, $4  }
0x135: {  	v21 =	vor.u32 v7, v21;
	v29 =	vmul.f32 v23, v16;
	v22 =	vld.idx.msk [tilespmem:v19+s13+$0x0], $0xffff;
	v25 =	vadd.f32 v26, v25  }
0x136: {  	v30 =	vadd.s32 s28, v1;
	v19 =	vand.u32 $0x7F, v24;
	v16 =	vld.idx.msk [tilespmem:v27+s11+$0x0], $0xffff  }
0x137: {  	s29 =	sadd.s32 $0x1, s28;
	v19 =	vor.u32 v7, v19;
	v26 =	vmul.f32 v28, v18;
	v23 =	vld.idx.msk [tilespmem:v27+s13+$0x0], $0xffff;
	v25 =	vadd.f32 v29, v25  }
0x138: {  	s28 =	sadd.s32 $0x4, s28;
	v24 =	vadd.s32 s29, v1;
	v27 =	vand.u32 $0x7C, v30;
	v18 =	vld.idx.msk [tilespmem:v17+s11+$0x0], $0xffff  }
0x139: {  	_ =	sdelay $0x2  }
0x13a: {  	v25 =	vadd.f32 v26, v25;
	v14 =	vmul.f32 v20, v14  }
0x13b: {  	v20 =	vor.u32 v7, v27;
	v17 =	vld.idx.msk [tilespmem:v17+s13+$0x0], $0xffff  }
0x13c: {  	s28 =	sadd.s32 $0x2, s26;
	v24 =	vand.u32 $0x7D, v24;
	v62 =	vld.idx.msk [tilespmem:v21+s11+$0x0], $0xffff;
	v15 =	vmul.f32 v22, v15;
	v14 =	vadd.f32 v14, v25  }
0x13d: {  	v21 =	vld.idx.msk [tilespmem:v21+s13+$0x0], $0xffff;
	v22 =	vadd.s32 s28, v1;
	v24 =	vor.u32 v7, v24  }
0x13e: {  	s29 =	sadd.s32 $0x3, s26;
	v63 =	vld.idx.msk [tilespmem:v19+s11+$0x0], $0xffff;
	v22 =	vand.u32 $0x7E, v22;
	v16 =	vmul.f32 v23, v16;
	v14 =	vadd.f32 v15, v14  }
0x13f: {  	v19 =	vld.idx.msk [tilespmem:v19+s13+$0x0], $0xffff;
	v22 =	vor.u32 v7, v22;
	v15 =	vadd.s32 s29, v1  }
0x140: {  	v23 =	vld.idx.msk [tilespmem:v20+s11+$0x0], $0xffff;
	v15 =	vand.u32 $0x7F, v15;
	v14 =	vadd.f32 v16, v14;
	v16 =	vmul.f32 v17, v18  }
0x141: {  	v17 =	vld.idx.msk [tilespmem:v20+s13+$0x0], $0xffff;
	v15 =	vor.u32 v7, v15  }
0x142: {  	v18 =	vld.idx.msk [tilespmem:v24+s11+$0x0], $0xffff;
	v14 =	vadd.f32 v16, v14;
	v16 =	vmul.f32 v21, v62  }
0x143: {  	v20 =	vld.idx.msk [tilespmem:v24+s13+$0x0], $0xffff  }
0x144: {  	v21 =	vld.idx.msk [tilespmem:v22+s11+$0x0], $0xffff;
	v14 =	vadd.f32 v16, v14;
	v16 =	vmul.f32 v19, v63  }
0x145: {  	v8 =	vmul.f32 $1.442695020e+00, v8;
	v19 =	vld.idx.msk [tilespmem:v22+s13+$0x0], $0xffff  }
0x146: {  	v22 =	vld.idx.msk [tilespmem:v15+s11+$0x0], $0xffff;
	v17 =	vmul.f32 v17, v23;
	v14 =	vadd.f32 v16, v14  }
0x147: {  	(erf) = vpow2.f32 v8;
	v8 =	vmul.f32 $1.442695020e+00, v9;
	v15 =	vld.idx.msk [tilespmem:v15+s13+$0x0], $0xffff  }
0x148: {  	v9 =	vadd.f32 v17, v14;
	v14 =	vmul.f32 v20, v18  }
0x149: {  	(erf) = vpow2.f32 v8;
	v8 =	vmul.f32 $1.442695020e+00, v10  }
0x14a: {  	v10 =	vmul.f32 v19, v21;
	v9 =	vadd.f32 v14, v9  }
0x14b: {  	(erf) = vpow2.f32 v8;
	v8 =	vmul.f32 $1.442695020e+00, v11  }
0x14c: {  	v9 =	vadd.f32 v10, v9;
	v10 =	vmul.f32 v15, v22  }
0x14d: {  	(erf) = vpow2.f32 v8;
	v8 =	vmul.f32 $1.442695020e+00, v12  }
0x14e: {  	v9 =	vadd.f32 v10, v9  }
0x14f: {  	(erf) = vpow2.f32 v8;
	v8 =	vmul.f32 $1.442695020e+00, v13  }
0x150: {  	v9 =	vnsel vm0, $0xCE6E6B28, v9  }
0x151: {  	v10 =	vpop (erf);
	(erf) = vpow2.f32 v8;
	v8 =	vmul.f32 $1.442695020e+00, v9  }
0x152: {  	v11 =	vadd.f32 $0.0e+00, v10  }
0x153: {  	v9 =	vpop (erf)  }
0x154: {  	(erf) = vpow2.f32 v8;
	v11 =	vadd.f32 v9, v11  }
0x155: {  	v8 =	vpop (erf)  }
0x156: {  	v11 =	vadd.f32 v8, v11  }
0x157: {  	v12 =	vpop (erf)  }
0x158: {  	v11 =	vadd.f32 v12, v11  }
0x159: {  	v13 =	vpop (erf)  }
0x15a: {  	v11 =	vadd.f32 v13, v11  }
0x15b: {  	v14 =	vpop (erf)  }
0x15c: {  	v11 =	vadd.f32 v14, v11  }
0x15d: {  	v15 =	vpop (erf)  }
0x15e: {  	v11 =	vadd.f32 v15, v11;
	_ =	sdelay $0x1  }
0x15f: {  	(xrf2) =	vadd.scan.msk.f32 $0xffff, v11;
	_ =	sdelay $0x9  }
0x160: {  	v11, _, _ =	vpop (xrf2)  }
0x161: {  	v11 =	vadd.f32 $0.0e+00, v11;
	_ =	sdelay $0x1  }
0x162: {  	v11 =	vbroadcast v11, $0xF;
	_ =	sdelay $0x1  }
0x163: {  	(erf) = vrcp.f32 v11;
	_ =	sdelay $0x8  }
0x164: {  	v11 =	vpop (erf)  }
0x165: {  	v10 =	vmul.f32 v11, v10  }
0x166: {  	v9 =	vmul.f32 v11, v9  }
0x167: {  	v8 =	vmul.f32 v11, v8;
	[tilespmem:$0x10400] =	vst v10  }
0x168: {  	s30 =	simm.s32 $0x0;
	[tilespmem:$0x10410] =	vst v9;
	v9 =	vmul.f32 v11, v12  }
0x169: {  	[tilespmem:$0x10420] =	vst v8;
	v8 =	vmul.f32 v11, v13;
	v10 =	vmov s30  }
0x16a: {  	[tilespmem:$0x10430] =	vst v9;
	v9 =	vmul.f32 v11, v14  }
0x16b: {  	[tilespmem:$0x10440] =	vst v8;
	v8 =	vmul.f32 v11, v15  }
0x16c: {  	[tilespmem:$0x10450] =	vst v9  }
0x16d: {  	[tilespmem:$0x10460] =	vst v8  }
0x16e: {  	s31 =	simm.s32 $0x3440;
	v17 =	vld.idx.msk [tilespmem:v10+s18+$0x0], $0xffff  }
0x16f: {  	v8 =	vld [tilespmem:s31+$0x30]  }
0x170: {  	v9 =	vld [tilespmem:s31+$0xFFFFFFC0]  }
0x171: {  	v10 =	vld [tilespmem:s31+$0xFFFFFFD0]  }
0x172: {  	s28 =	simm.s32 $0x1;
	v13 =	vld [tilespmem:s31+$0xFFFFFFE0]  }
0x173: {  	v11 =	vmov s28;
	v14 =	vld [tilespmem:s31+$0xFFFFFFF0]  }
0x174: {  	v16 =	vld [tilespmem:s31+$0x0]  }
0x175: {  	v20 =	vld [tilespmem:s31+$0x10]  }
0x176: {  	v23 =	vld [tilespmem:s31+$0x20]  }
0x177: {  	v12 =	vimm.f32 $0.0e+00;
	s28 =	simm.s32 $0x2;
	v15 =	vmul.f32 v9, v17  }
0x178: {  	s26 =	simm.s32 $0x34C0;
	v21 =	vmov s28;
	v8 =	vmul.f32 v8, v17;
	v18 =	vmul.f32 v10, v17;
	v9 =	vld.idx.msk [tilespmem:v11+s18+$0x0], $0xffff  }
0x179: {  	v13 =	vmul.f32 v13, v17;
	v14 =	vmul.f32 v14, v17;
	v10 =	vadd.f32 v15, v12;
	v15 =	vld [tilespmem:s26+$0x30]  }
0x17a: {  	v16 =	vmul.f32 v16, v17;
	v22 =	vmul.f32 v20, v17;
	v11 =	vadd.f32 v18, v12;
	v18 =	vld [tilespmem:s26+$0xFFFFFFC0]  }
0x17b: {  	v19 =	vld [tilespmem:s26+$0xFFFFFFD0];
	v23 =	vmul.f32 v23, v17;
	v8 =	vadd.f32 v8, v12;
	v13 =	vadd.f32 v13, v12  }
0x17c: {  	s28 =	simm.s32 $0x3;
	v20 =	vld [tilespmem:s26+$0xFFFFFFE0];
	v17 =	vimm.f32 $0.0e+00;
	v14 =	vadd.f32 v14, v12;
	v16 =	vadd.f32 v16, v12  }
.LBB2_17:
0x17d: {  	p0 =	sne.s32 s28, $0x63;
	v24 =	vld [tilespmem:s26+$0xFFFFFFF0];
	v12 =	vadd.f32 v22, v12  }
0x17e: {  	v22 =	vld [tilespmem:s26+$0x0];
	v15 =	vmul.f32 v15, v9;
	v17 =	vadd.f32 v23, v17;
	v23 =	vmov v9  }
0x17f: {  	v18 =	vmul.f32 v18, v23;
	v25 =	vld [tilespmem:s26+$0x10]  }
0x180: {  	v19 =	vmul.f32 v19, v23;
	v26 =	vld [tilespmem:s26+$0x20];
	v8 =	vadd.f32 v15, v8  }
.Ltmp7:
0x181: {  	s26 =	sadd.s32 $0x80, s26;
	v9 =	vld.idx.msk [tilespmem:v21+s18+$0x0], $0xffff;
	v10 =	vadd.f32 v18, v10;
	v20 =	vmul.f32 v20, v23;
	(pc) =	sbr.rel @p0 .LBB2_17-.Ltmp7, $4  }
0x182: {  	v15 =	vld [tilespmem:s26+$0x30];
	v11 =	vadd.f32 v19, v11;
	v21 =	vmul.f32 v24, v23  }
0x183: {  	v18 =	vld [tilespmem:s26+$0xFFFFFFC0];
	v13 =	vadd.f32 v20, v13;
	v24 =	vmul.f32 v22, v23  }
0x184: {  	v19 =	vld [tilespmem:s26+$0xFFFFFFD0];
	v14 =	vadd.f32 v21, v14;
	v22 =	vmul.f32 v25, v23  }
0x185: {  	v21 =	vmov s28;
	s28 =	sadd.s32 $0x1, s28;
	v20 =	vld [tilespmem:s26+$0xFFFFFFE0];
	v16 =	vadd.f32 v24, v16;
	v23 =	vmul.f32 v26, v23  }
0x186: {  	_ = 	snop  }
0x187: {  	v24 =	vld [tilespmem:s26+$0xFFFFFFF0]  }
0x188: {  	v25 =	vld [tilespmem:s26+$0x0]  }
0x189: {  	v26 =	vld [tilespmem:s26+$0x10]  }
0x18a: {  	v21 =	vld.idx.msk [tilespmem:v21+s18+$0x0], $0xffff;
	s28 =	sadd.s32 $0x80, s26  }
0x18b: {  	v28 =	vld [tilespmem:s28+$0xFFFFFFC0]  }
0x18c: {  	v29 =	vld [tilespmem:s28+$0xFFFFFFD0]  }
0x18d: {  	v12 =	vadd.f32 v22, v12;
	v22 =	vld [tilespmem:s28+$0xFFFFFFE0]  }
0x18e: {  	v17 =	vadd.f32 v23, v17;
	v23 =	vld [tilespmem:s28+$0xFFFFFFF0];
	v18 =	vmul.f32 v18, v9  }
0x18f: {  	v27 =	vld [tilespmem:s26+$0x20];
	v19 =	vmul.f32 v19, v9;
	v20 =	vmul.f32 v20, v9  }
0x190: {  	v62 =	vld [tilespmem:s28+$0x0];
	v15 =	vmul.f32 v15, v9;
	v10 =	vadd.f32 v18, v10;
	v18 =	vmul.f32 v24, v9  }
0x191: {  	v11 =	vadd.f32 v19, v11;
	v13 =	vadd.f32 v20, v13;
	v19 =	vmul.f32 v28, v21;
	v20 =	vld [tilespmem:s28+$0x10]  }
0x192: {  	v63 =	vld [tilespmem:s28+$0x20];
	v22 =	vmul.f32 v22, v21;
	v14 =	vadd.f32 v18, v14;
	v18 =	vmul.f32 v29, v21  }
0x193: {  	s29 =	sshll.u32 s23, $0x8;
	v61 =	vmul.f32 v25, v9;
	v23 =	vmul.f32 v23, v21;
	v10 =	vadd.f32 v19, v10;
	v19 =	vld [tilespmem:s28+$0x30]  }
0x194: {  	s26 =	sand.u32 $0x3FFFFF00, s29;
	v13 =	vadd.f32 v22, v13;
	v11 =	vadd.f32 v18, v11;
	v18 =	vmul.f32 v26, v9  }
0x195: {  	v16 =	vadd.f32 v61, v16;
	v22 =	vmul.f32 v62, v21;
	v9 =	vmul.f32 v27, v9;
	[tilespmem:s26+$0x10480] =	vst v10  }
0x196: {  	[tilespmem:s26+$0x104A0] =	vst v13;
	v10 =	vadd.f32 v18, v12;
	v12 =	vadd.f32 v23, v14;
	v14 =	vmul.f32 v20, v21  }
0x197: {  	s25 =	smin.u32 s25, $0x7D;
	[tilespmem:s26+$0x10490] =	vst v11;
	v9 =	vadd.f32 v9, v17;
	v11 =	vadd.f32 v22, v16;
	v16 =	vmul.f32 v63, v21  }
0x198: {  	s25 =	sadd.s32 $0x2, s25;
	v8 =	vadd.f32 v15, v8;
	v13 =	vmul.f32 v19, v21;
	v10 =	vadd.f32 v14, v10;
	[tilespmem:s26+$0x104B0] =	vst v12  }
0x199: {  	s28 =	sadd.s32 s5, s25;
	v9 =	vadd.f32 v16, v9;
	[tilespmem:s26+$0x104C0] =	vst v11  }
0x19a: {  	s28 =	smul.u32 $0x680, s28;
	v8 =	vadd.f32 v13, v8;
	[tilespmem:s26+$0x104D0] =	vst v10  }
0x19b: {  	[tilespmem:s26+$0x104E0] =	vst v9  }
0x19c: {  	s31 =	simm.s32 $0x0;
	s25 =	smul.u32 $0x1A0, s25;
	s30 =	sadd.s32 s4, s28;
	[tilespmem:s26+$0x104F0] =	vst v8  }
0x19d: {  	[tilespmem:s11], [sflag:$0x1] =	stream.linear.gather [hbm4b:s30+s31], $0x3200, $0x38;
	[tilespmem:$0x14480] =	vst v63  }
0x19e: {  	s25 =	sshrl.u32 s25, $0x2  }
0x19f: {  	v8 =	vadd.s32 s31, v1;
	[tilespmem:s13], [sflag:$0x3] =	stream.indirect.gather [hbm4b:s2+s12], $0x80, s25, s12, $0xb8;
	[tilespmem:$0x14480] =	vst v63  }
0x1a0: {  	s29 =	simm.s32 $0x1;
	v8 =	vand.u32 $0x7C, v8;
	_ =	swait.ge [sflag:s19], $0x3200  }
0x1a1: {  	v9 =	vadd.s32 s29, v1;
	v8 =	vor.u32 v0, v8;
	[sflag:s19] =	ssyncset.done $0x0  }
0x1a2: {  	v9 =	vand.u32 $0x7D, v9;
	s30 =	simm.s32 $0x2;
	[sflag:s19] =	ssyncadd.s32 $0xFFFFCE00  }
0x1a3: {  	v9 =	vor.u32 v0, v9;
	v10 =	vadd.s32 s30, v1;
	_ =	swait.ge [sflag:s20], $0x3200  }
0x1a4: {  	s31 =	simm.s32 $0x3;
	v10 =	vand.u32 $0x7E, v10;
	[sflag:s20] =	ssyncset.done $0x0  }
0x1a5: {  	v11 =	vadd.s32 s31, v1;
	v10 =	vor.u32 v0, v10;
	[sflag:s20] =	ssyncadd.s32 $0xFFFFCE00  }
0x1a6: {  	s26 =	simm.s32 $0x4;
	v11 =	vand.u32 $0x7F, v11;
	v12 =	vld.idx.msk [tilespmem:v8+s14+$0x0], $0xffff  }
0x1a7: {  	v13 =	vadd.s32 s26, v1;
	v15 =	vor.u32 v0, v11;
	v14 =	vld.idx.msk [tilespmem:v8+s15+$0x0], $0xffff  }
0x1a8: {  	s28 =	simm.s32 $0x5;
	v8 =	vand.u32 $0x7C, v13;
	v18 =	vld.idx.msk [tilespmem:v9+s14+$0x0], $0xffff  }
0x1a9: {  	v11 =	vadd.s32 s28, v1;
	v20 =	vld.idx.msk [tilespmem:v9+s15+$0x0], $0xffff;
	v17 =	vor.u32 v0, v8  }
0x1aa: {  	s29 =	simm.s32 $0x6;
	v9 =	vand.u32 $0x7D, v11;
	v13 =	vld.idx.msk [tilespmem:v10+s15+$0x0], $0xffff  }
0x1ab: {  	v8 =	vld.idx.msk [tilespmem:v10+s14+$0x0], $0xffff;
	v11 =	vor.u32 v0, v9;
	v10 =	vadd.s32 s29, v1  }
0x1ac: {  	s30 =	simm.s32 $0x7;
	v16 =	vld.idx.msk [tilespmem:v15+s15+$0x0], $0xffff;
	v10 =	vand.u32 $0x7E, v10  }
0x1ad: {  	v19 =	vadd.s32 s30, v1;
	s25 =	simm.s32 $0x8;
	v9 =	vld.idx.msk [tilespmem:v15+s14+$0x0], $0xffff;
	v15 =	vor.u32 v0, v10;
	v12 =	vmul.f32 v14, v12  }
0x1ae: {  	v21 =	vimm.f32 $0.0e+00;
	v22 =	vadd.s32 s25, v1;
	v14 =	vand.u32 $0x7F, v19;
	v10 =	vld.idx.msk [tilespmem:v17+s14+$0x0], $0xffff  }
0x1af: {  	s31 =	simm.s32 $0x9;
	v20 =	vmul.f32 v20, v18;
	v17 =	vld.idx.msk [tilespmem:v17+s15+$0x0], $0xffff;
	v14 =	vor.u32 v0, v14;
	v19 =	vadd.f32 v12, v21  }
0x1b0: {  	s26 =	simm.s32 $0xC;
	v18 =	vadd.s32 s31, v1;
	v21 =	vand.u32 $0x7C, v22;
	v12 =	vld.idx.msk [tilespmem:v11+s14+$0x0], $0xffff  }
.LBB2_19:
0x1b1: {  	p0 =	sne.s32 s26, $0x7C;
	v21 =	vor.u32 v0, v21;
	s28 =	sadd.s32 $0x2, s25;
	v22 =	vld.idx.msk [tilespmem:v11+s15+$0x0], $0xffff;
	v19 =	vadd.f32 v20, v19;
	v20 =	vmul.f32 v13, v8  }
0x1b2: {  	v11 =	vand.u32 $0x7D, v18;
	v18 =	vadd.s32 s28, v1;
	v8 =	vld.idx.msk [tilespmem:v15+s14+$0x0], $0xffff  }
0x1b3: {  	v11 =	vor.u32 v0, v11;
	s28 =	sadd.s32 $0x3, s25;
	s25 =	smov.u32 s26;
	v13 =	vld.idx.msk [tilespmem:v15+s15+$0x0], $0xffff;
	v19 =	vadd.f32 v20, v19;
	v20 =	vmul.f32 v16, v9  }
.Ltmp8:
0x1b4: {  	v15 =	vand.u32 $0x7E, v18;
	v18 =	vadd.s32 s28, v1;
	v9 =	vld.idx.msk [tilespmem:v14+s14+$0x0], $0xffff;
	(pc) =	sbr.rel @p0 .LBB2_19-.Ltmp8, $4  }
0x1b5: {  	v15 =	vor.u32 v0, v15;
	v23 =	vmul.f32 v17, v10;
	v16 =	vld.idx.msk [tilespmem:v14+s15+$0x0], $0xffff;
	v19 =	vadd.f32 v20, v19  }
0x1b6: {  	v24 =	vadd.s32 s26, v1;
	v14 =	vand.u32 $0x7F, v18;
	v10 =	vld.idx.msk [tilespmem:v21+s14+$0x0], $0xffff  }
0x1b7: {  	s28 =	sadd.s32 $0x1, s26;
	v14 =	vor.u32 v0, v14;
	v20 =	vmul.f32 v22, v12;
	v17 =	vld.idx.msk [tilespmem:v21+s15+$0x0], $0xffff;
	v19 =	vadd.f32 v23, v19  }
0x1b8: {  	s26 =	sadd.s32 $0x4, s26;
	v18 =	vadd.s32 s28, v1;
	v21 =	vand.u32 $0x7C, v24;
	v12 =	vld.idx.msk [tilespmem:v11+s14+$0x0], $0xffff  }
0x1b9: {  	_ =	sdelay $0x2  }
0x1ba: {  	v19 =	vadd.f32 v20, v19;
	v8 =	vmul.f32 v13, v8  }
0x1bb: {  	v13 =	vor.u32 v0, v21;
	v11 =	vld.idx.msk [tilespmem:v11+s15+$0x0], $0xffff  }
0x1bc: {  	s26 =	sadd.s32 $0x2, s25;
	v18 =	vand.u32 $0x7D, v18;
	v20 =	vld.idx.msk [tilespmem:v15+s14+$0x0], $0xffff;
	v9 =	vmul.f32 v16, v9;
	v8 =	vadd.f32 v8, v19  }
0x1bd: {  	v15 =	vld.idx.msk [tilespmem:v15+s15+$0x0], $0xffff;
	v16 =	vadd.s32 s26, v1;
	v18 =	vor.u32 v0, v18  }
0x1be: {  	v16 =	vand.u32 $0x7E, v16;
	v19 =	vld.idx.msk [tilespmem:v14+s14+$0x0], $0xffff;
	v10 =	vmul.f32 v17, v10;
	v8 =	vadd.f32 v9, v8  }
0x1bf: {  	s26 =	sadd.s32 $0x3, s25;
	v14 =	vld.idx.msk [tilespmem:v14+s15+$0x0], $0xffff;
	v9 =	vor.u32 v0, v16  }
0x1c0: {  	v16 =	vadd.s32 s26, v1;
	v17 =	vld.idx.msk [tilespmem:v13+s14+$0x0], $0xffff;
	v8 =	vadd.f32 v10, v8;
	v10 =	vmul.f32 v11, v12  }
0x1c1: {  	v11 =	vand.u32 $0x7F, v16;
	v12 =	vld.idx.msk [tilespmem:v13+s15+$0x0], $0xffff  }
0x1c2: {  	v13 =	vld.idx.msk [tilespmem:v18+s14+$0x0], $0xffff;
	v11 =	vor.u32 v0, v11;
	v8 =	vadd.f32 v10, v8;
	v10 =	vmul.f32 v15, v20  }
0x1c3: {  	v15 =	vld.idx.msk [tilespmem:v18+s15+$0x0], $0xffff  }
0x1c4: {  	v16 =	vld.idx.msk [tilespmem:v9+s14+$0x0], $0xffff;
	v8 =	vadd.f32 v10, v8;
	v10 =	vmul.f32 v14, v19  }
0x1c5: {  	v9 =	vld.idx.msk [tilespmem:v9+s15+$0x0], $0xffff  }
0x1c6: {  	v12 =	vmul.f32 v12, v17;
	v8 =	vadd.f32 v10, v8  }
0x1c7: {  	v10 =	vld.idx.msk [tilespmem:v11+s14+$0x0], $0xffff  }
0x1c8: {  	v11 =	vld.idx.msk [tilespmem:v11+s15+$0x0], $0xffff;
	v8 =	vadd.f32 v12, v8;
	v12 =	vmul.f32 v15, v13;
	_ =	sdelay $0x1  }
0x1c9: {  	s28 =	simm.s32 $0x0;
	v9 =	vmul.f32 v9, v16;
	v8 =	vadd.f32 v12, v8  }
0x1ca: {  	v12 =	vadd.s32 s28, v1  }
0x1cb: {  	s29 =	simm.s32 $0x1;
	v8 =	vadd.f32 v9, v8;
	v9 =	vand.u32 $0x7C, v12  }
0x1cc: {  	v10 =	vmul.f32 v11, v10;
	v11 =	vadd.s32 s29, v1;
	v9 =	vor.u32 v2, v9  }
0x1cd: {  	s31 =	simm.s32 $0x3;
	v11 =	vand.u32 $0x7D, v11  }
0x1ce: {  	s30 =	simm.s32 $0x2;
	v12 =	vadd.s32 s31, v1;
	v11 =	vor.u32 v2, v11;
	v8 =	vadd.f32 v10, v8  }
0x1cf: {  	v12 =	vand.u32 $0x7F, v12;
	v10 =	vadd.s32 s30, v1  }
0x1d0: {  	v16 =	vor.u32 v2, v12;
	v10 =	vand.u32 $0x7E, v10;
	[tilespmem:$0x10400] =	vst v8  }
0x1d1: {  	s26 =	simm.s32 $0x4;
	v10 =	vor.u32 v2, v10;
	v13 =	vld.idx.msk [tilespmem:v9+s14+$0x0], $0xffff  }
0x1d2: {  	v14 =	vadd.s32 s26, v1;
	v15 =	vld.idx.msk [tilespmem:v9+s15+$0x0], $0xffff  }
0x1d3: {  	s28 =	simm.s32 $0x5;
	v9 =	vand.u32 $0x7C, v14;
	v19 =	vld.idx.msk [tilespmem:v11+s14+$0x0], $0xffff  }
0x1d4: {  	v12 =	vadd.s32 s28, v1;
	v21 =	vld.idx.msk [tilespmem:v11+s15+$0x0], $0xffff;
	v18 =	vor.u32 v2, v9  }
0x1d5: {  	s29 =	simm.s32 $0x6;
	v11 =	vand.u32 $0x7D, v12;
	v17 =	vld.idx.msk [tilespmem:v16+s15+$0x0], $0xffff  }
0x1d6: {  	v12 =	vor.u32 v2, v11;
	v11 =	vadd.s32 s29, v1;
	v9 =	vld.idx.msk [tilespmem:v10+s14+$0x0], $0xffff  }
0x1d7: {  	s30 =	simm.s32 $0x7;
	v11 =	vand.u32 $0x7E, v11;
	v14 =	vld.idx.msk [tilespmem:v10+s15+$0x0], $0xffff  }
0x1d8: {  	s25 =	simm.s32 $0x8;
	v20 =	vadd.s32 s30, v1;
	v10 =	vld.idx.msk [tilespmem:v16+s14+$0x0], $0xffff;
	v16 =	vor.u32 v2, v11;
	v13 =	vmul.f32 v15, v13  }
0x1d9: {  	v22 =	vimm.f32 $0.0e+00;
	v23 =	vadd.s32 s25, v1;
	v15 =	vand.u32 $0x7F, v20;
	v11 =	vld.idx.msk [tilespmem:v18+s14+$0x0], $0xffff  }
0x1da: {  	s31 =	simm.s32 $0x9;
	v21 =	vmul.f32 v21, v19;
	v18 =	vld.idx.msk [tilespmem:v18+s15+$0x0], $0xffff;
	v15 =	vor.u32 v2, v15;
	v20 =	vadd.f32 v13, v22  }
0x1db: {  	s26 =	simm.s32 $0xC;
	v19 =	vadd.s32 s31, v1;
	v22 =	vand.u32 $0x7C, v23;
	v13 =	vld.idx.msk [tilespmem:v12+s14+$0x0], $0xffff  }
.LBB2_21:
0x1dc: {  	p0 =	sne.s32 s26, $0x7C;
	v22 =	vor.u32 v2, v22;
	s28 =	sadd.s32 $0x2, s25;
	v23 =	vld.idx.msk [tilespmem:v12+s15+$0x0], $0xffff;
	v20 =	vadd.f32 v21, v20;
	v21 =	vmul.f32 v14, v9  }
0x1dd: {  	v12 =	vand.u32 $0x7D, v19;
	v19 =	vadd.s32 s28, v1;
	v9 =	vld.idx.msk [tilespmem:v16+s14+$0x0], $0xffff  }
0x1de: {  	v12 =	vor.u32 v2, v12;
	s28 =	sadd.s32 $0x3, s25;
	s25 =	smov.u32 s26;
	v14 =	vld.idx.msk [tilespmem:v16+s15+$0x0], $0xffff;
	v20 =	vadd.f32 v21, v20;
	v21 =	vmul.f32 v17, v10  }
.Ltmp9:
0x1df: {  	v16 =	vand.u32 $0x7E, v19;
	v19 =	vadd.s32 s28, v1;
	v10 =	vld.idx.msk [tilespmem:v15+s14+$0x0], $0xffff;
	(pc) =	sbr.rel @p0 .LBB2_21-.Ltmp9, $4  }
0x1e0: {  	v16 =	vor.u32 v2, v16;
	v24 =	vmul.f32 v18, v11;
	v17 =	vld.idx.msk [tilespmem:v15+s15+$0x0], $0xffff;
	v20 =	vadd.f32 v21, v20  }
0x1e1: {  	v25 =	vadd.s32 s26, v1;
	v15 =	vand.u32 $0x7F, v19;
	v11 =	vld.idx.msk [tilespmem:v22+s14+$0x0], $0xffff  }
0x1e2: {  	s28 =	sadd.s32 $0x1, s26;
	v15 =	vor.u32 v2, v15;
	v21 =	vmul.f32 v23, v13;
	v18 =	vld.idx.msk [tilespmem:v22+s15+$0x0], $0xffff;
	v20 =	vadd.f32 v24, v20  }
0x1e3: {  	s26 =	sadd.s32 $0x4, s26;
	v19 =	vadd.s32 s28, v1;
	v22 =	vand.u32 $0x7C, v25;
	v13 =	vld.idx.msk [tilespmem:v12+s14+$0x0], $0xffff  }
0x1e4: {  	_ =	sdelay $0x2  }
0x1e5: {  	v20 =	vadd.f32 v21, v20;
	v9 =	vmul.f32 v14, v9  }
0x1e6: {  	v14 =	vor.u32 v2, v22;
	v12 =	vld.idx.msk [tilespmem:v12+s15+$0x0], $0xffff  }
0x1e7: {  	s26 =	sadd.s32 $0x2, s25;
	v19 =	vand.u32 $0x7D, v19;
	v21 =	vld.idx.msk [tilespmem:v16+s14+$0x0], $0xffff;
	v10 =	vmul.f32 v17, v10;
	v9 =	vadd.f32 v9, v20  }
0x1e8: {  	v16 =	vld.idx.msk [tilespmem:v16+s15+$0x0], $0xffff;
	v17 =	vadd.s32 s26, v1;
	v19 =	vor.u32 v2, v19  }
0x1e9: {  	v17 =	vand.u32 $0x7E, v17;
	v20 =	vld.idx.msk [tilespmem:v15+s14+$0x0], $0xffff;
	v11 =	vmul.f32 v18, v11;
	v9 =	vadd.f32 v10, v9  }
0x1ea: {  	s26 =	sadd.s32 $0x3, s25;
	v15 =	vld.idx.msk [tilespmem:v15+s15+$0x0], $0xffff;
	v10 =	vor.u32 v2, v17  }
0x1eb: {  	v17 =	vadd.s32 s26, v1;
	v18 =	vld.idx.msk [tilespmem:v14+s14+$0x0], $0xffff;
	v9 =	vadd.f32 v11, v9;
	v11 =	vmul.f32 v12, v13  }
0x1ec: {  	v12 =	vand.u32 $0x7F, v17;
	v13 =	vld.idx.msk [tilespmem:v14+s15+$0x0], $0xffff  }
0x1ed: {  	v14 =	vld.idx.msk [tilespmem:v19+s14+$0x0], $0xffff;
	v12 =	vor.u32 v2, v12;
	v9 =	vadd.f32 v11, v9;
	v11 =	vmul.f32 v16, v21  }
0x1ee: {  	v16 =	vld.idx.msk [tilespmem:v19+s15+$0x0], $0xffff  }
0x1ef: {  	v17 =	vld.idx.msk [tilespmem:v10+s14+$0x0], $0xffff;
	v9 =	vadd.f32 v11, v9;
	v11 =	vmul.f32 v15, v20  }
0x1f0: {  	v10 =	vld.idx.msk [tilespmem:v10+s15+$0x0], $0xffff  }
0x1f1: {  	v13 =	vmul.f32 v13, v18;
	v9 =	vadd.f32 v11, v9  }
0x1f2: {  	v11 =	vld.idx.msk [tilespmem:v12+s14+$0x0], $0xffff  }
0x1f3: {  	v12 =	vld.idx.msk [tilespmem:v12+s15+$0x0], $0xffff;
	v9 =	vadd.f32 v13, v9;
	v13 =	vmul.f32 v16, v14;
	_ =	sdelay $0x1  }
0x1f4: {  	s28 =	simm.s32 $0x0;
	v10 =	vmul.f32 v10, v17;
	v9 =	vadd.f32 v13, v9  }
0x1f5: {  	v13 =	vadd.s32 s28, v1  }
0x1f6: {  	s29 =	simm.s32 $0x1;
	v9 =	vadd.f32 v10, v9;
	v10 =	vand.u32 $0x7C, v13  }
0x1f7: {  	v11 =	vmul.f32 v12, v11;
	v12 =	vadd.s32 s29, v1;
	v10 =	vor.u32 v3, v10  }
0x1f8: {  	s31 =	simm.s32 $0x3;
	v12 =	vand.u32 $0x7D, v12  }
0x1f9: {  	s30 =	simm.s32 $0x2;
	v13 =	vadd.s32 s31, v1;
	v12 =	vor.u32 v3, v12;
	v9 =	vadd.f32 v11, v9  }
0x1fa: {  	v13 =	vand.u32 $0x7F, v13;
	v11 =	vadd.s32 s30, v1  }
0x1fb: {  	v17 =	vor.u32 v3, v13;
	v11 =	vand.u32 $0x7E, v11;
	[tilespmem:$0x10410] =	vst v9  }
0x1fc: {  	s26 =	simm.s32 $0x4;
	v11 =	vor.u32 v3, v11;
	v14 =	vld.idx.msk [tilespmem:v10+s14+$0x0], $0xffff  }
0x1fd: {  	v15 =	vadd.s32 s26, v1;
	v16 =	vld.idx.msk [tilespmem:v10+s15+$0x0], $0xffff  }
0x1fe: {  	s28 =	simm.s32 $0x5;
	v10 =	vand.u32 $0x7C, v15;
	v20 =	vld.idx.msk [tilespmem:v12+s14+$0x0], $0xffff  }
0x1ff: {  	v13 =	vadd.s32 s28, v1;
	v22 =	vld.idx.msk [tilespmem:v12+s15+$0x0], $0xffff;
	v19 =	vor.u32 v3, v10  }
0x200: {  	s29 =	simm.s32 $0x6;
	v12 =	vand.u32 $0x7D, v13;
	v18 =	vld.idx.msk [tilespmem:v17+s15+$0x0], $0xffff  }
0x201: {  	v13 =	vor.u32 v3, v12;
	v12 =	vadd.s32 s29, v1;
	v10 =	vld.idx.msk [tilespmem:v11+s14+$0x0], $0xffff  }
0x202: {  	s30 =	simm.s32 $0x7;
	v12 =	vand.u32 $0x7E, v12;
	v15 =	vld.idx.msk [tilespmem:v11+s15+$0x0], $0xffff  }
0x203: {  	s25 =	simm.s32 $0x8;
	v21 =	vadd.s32 s30, v1;
	v11 =	vld.idx.msk [tilespmem:v17+s14+$0x0], $0xffff;
	v17 =	vor.u32 v3, v12;
	v14 =	vmul.f32 v16, v14  }
0x204: {  	v23 =	vimm.f32 $0.0e+00;
	v24 =	vadd.s32 s25, v1;
	v16 =	vand.u32 $0x7F, v21;
	v12 =	vld.idx.msk [tilespmem:v19+s14+$0x0], $0xffff  }
0x205: {  	s31 =	simm.s32 $0x9;
	v22 =	vmul.f32 v22, v20;
	v19 =	vld.idx.msk [tilespmem:v19+s15+$0x0], $0xffff;
	v16 =	vor.u32 v3, v16;
	v21 =	vadd.f32 v14, v23  }
0x206: {  	s26 =	simm.s32 $0xC;
	v20 =	vadd.s32 s31, v1;
	v23 =	vand.u32 $0x7C, v24;
	v14 =	vld.idx.msk [tilespmem:v13+s14+$0x0], $0xffff  }
.LBB2_23:
0x207: {  	p0 =	sne.s32 s26, $0x7C;
	v23 =	vor.u32 v3, v23;
	s28 =	sadd.s32 $0x2, s25;
	v24 =	vld.idx.msk [tilespmem:v13+s15+$0x0], $0xffff;
	v21 =	vadd.f32 v22, v21;
	v22 =	vmul.f32 v15, v10  }
0x208: {  	v13 =	vand.u32 $0x7D, v20;
	v20 =	vadd.s32 s28, v1;
	v10 =	vld.idx.msk [tilespmem:v17+s14+$0x0], $0xffff  }
0x209: {  	v13 =	vor.u32 v3, v13;
	s28 =	sadd.s32 $0x3, s25;
	s25 =	smov.u32 s26;
	v15 =	vld.idx.msk [tilespmem:v17+s15+$0x0], $0xffff;
	v21 =	vadd.f32 v22, v21;
	v22 =	vmul.f32 v18, v11  }
.Ltmp10:
0x20a: {  	v17 =	vand.u32 $0x7E, v20;
	v20 =	vadd.s32 s28, v1;
	v11 =	vld.idx.msk [tilespmem:v16+s14+$0x0], $0xffff;
	(pc) =	sbr.rel @p0 .LBB2_23-.Ltmp10, $4  }
0x20b: {  	v17 =	vor.u32 v3, v17;
	v25 =	vmul.f32 v19, v12;
	v18 =	vld.idx.msk [tilespmem:v16+s15+$0x0], $0xffff;
	v21 =	vadd.f32 v22, v21  }
0x20c: {  	v26 =	vadd.s32 s26, v1;
	v16 =	vand.u32 $0x7F, v20;
	v12 =	vld.idx.msk [tilespmem:v23+s14+$0x0], $0xffff  }
0x20d: {  	s28 =	sadd.s32 $0x1, s26;
	v16 =	vor.u32 v3, v16;
	v22 =	vmul.f32 v24, v14;
	v19 =	vld.idx.msk [tilespmem:v23+s15+$0x0], $0xffff;
	v21 =	vadd.f32 v25, v21  }
0x20e: {  	s26 =	sadd.s32 $0x4, s26;
	v20 =	vadd.s32 s28, v1;
	v23 =	vand.u32 $0x7C, v26;
	v14 =	vld.idx.msk [tilespmem:v13+s14+$0x0], $0xffff  }
0x20f: {  	_ =	sdelay $0x2  }
0x210: {  	v21 =	vadd.f32 v22, v21;
	v10 =	vmul.f32 v15, v10  }
0x211: {  	v15 =	vor.u32 v3, v23;
	v13 =	vld.idx.msk [tilespmem:v13+s15+$0x0], $0xffff  }
0x212: {  	s26 =	sadd.s32 $0x2, s25;
	v20 =	vand.u32 $0x7D, v20;
	v22 =	vld.idx.msk [tilespmem:v17+s14+$0x0], $0xffff;
	v11 =	vmul.f32 v18, v11;
	v10 =	vadd.f32 v10, v21  }
0x213: {  	v17 =	vld.idx.msk [tilespmem:v17+s15+$0x0], $0xffff;
	v18 =	vadd.s32 s26, v1;
	v20 =	vor.u32 v3, v20  }
0x214: {  	v18 =	vand.u32 $0x7E, v18;
	v21 =	vld.idx.msk [tilespmem:v16+s14+$0x0], $0xffff;
	v12 =	vmul.f32 v19, v12;
	v10 =	vadd.f32 v11, v10  }
0x215: {  	s26 =	sadd.s32 $0x3, s25;
	v16 =	vld.idx.msk [tilespmem:v16+s15+$0x0], $0xffff;
	v11 =	vor.u32 v3, v18  }
0x216: {  	v18 =	vadd.s32 s26, v1;
	v19 =	vld.idx.msk [tilespmem:v15+s14+$0x0], $0xffff;
	v10 =	vadd.f32 v12, v10;
	v12 =	vmul.f32 v13, v14  }
0x217: {  	v13 =	vand.u32 $0x7F, v18;
	v14 =	vld.idx.msk [tilespmem:v15+s15+$0x0], $0xffff  }
0x218: {  	v15 =	vld.idx.msk [tilespmem:v20+s14+$0x0], $0xffff;
	v13 =	vor.u32 v3, v13;
	v10 =	vadd.f32 v12, v10;
	v12 =	vmul.f32 v17, v22  }
0x219: {  	v17 =	vld.idx.msk [tilespmem:v20+s15+$0x0], $0xffff  }
0x21a: {  	v18 =	vld.idx.msk [tilespmem:v11+s14+$0x0], $0xffff;
	v10 =	vadd.f32 v12, v10;
	v12 =	vmul.f32 v16, v21  }
0x21b: {  	v11 =	vld.idx.msk [tilespmem:v11+s15+$0x0], $0xffff  }
0x21c: {  	v14 =	vmul.f32 v14, v19;
	v10 =	vadd.f32 v12, v10  }
0x21d: {  	v12 =	vld.idx.msk [tilespmem:v13+s14+$0x0], $0xffff  }
0x21e: {  	v13 =	vld.idx.msk [tilespmem:v13+s15+$0x0], $0xffff;
	v10 =	vadd.f32 v14, v10;
	v14 =	vmul.f32 v17, v15;
	_ =	sdelay $0x1  }
0x21f: {  	s28 =	simm.s32 $0x0;
	v11 =	vmul.f32 v11, v18;
	v10 =	vadd.f32 v14, v10  }
0x220: {  	v14 =	vadd.s32 s28, v1  }
0x221: {  	s29 =	simm.s32 $0x1;
	v10 =	vadd.f32 v11, v10;
	v11 =	vand.u32 $0x7C, v14  }
0x222: {  	v12 =	vmul.f32 v13, v12;
	v13 =	vadd.s32 s29, v1;
	v11 =	vor.u32 v4, v11  }
0x223: {  	s31 =	simm.s32 $0x3;
	v13 =	vand.u32 $0x7D, v13  }
0x224: {  	s30 =	simm.s32 $0x2;
	v14 =	vadd.s32 s31, v1;
	v13 =	vor.u32 v4, v13;
	v10 =	vadd.f32 v12, v10  }
0x225: {  	v14 =	vand.u32 $0x7F, v14;
	v12 =	vadd.s32 s30, v1  }
0x226: {  	v18 =	vor.u32 v4, v14;
	v12 =	vand.u32 $0x7E, v12;
	[tilespmem:$0x10420] =	vst v10  }
0x227: {  	s26 =	simm.s32 $0x4;
	v12 =	vor.u32 v4, v12;
	v15 =	vld.idx.msk [tilespmem:v11+s14+$0x0], $0xffff  }
0x228: {  	v16 =	vadd.s32 s26, v1;
	v17 =	vld.idx.msk [tilespmem:v11+s15+$0x0], $0xffff  }
0x229: {  	s28 =	simm.s32 $0x5;
	v11 =	vand.u32 $0x7C, v16;
	v21 =	vld.idx.msk [tilespmem:v13+s14+$0x0], $0xffff  }
0x22a: {  	v14 =	vadd.s32 s28, v1;
	v23 =	vld.idx.msk [tilespmem:v13+s15+$0x0], $0xffff;
	v20 =	vor.u32 v4, v11  }
0x22b: {  	s29 =	simm.s32 $0x6;
	v13 =	vand.u32 $0x7D, v14;
	v19 =	vld.idx.msk [tilespmem:v18+s15+$0x0], $0xffff  }
0x22c: {  	v14 =	vor.u32 v4, v13;
	v13 =	vadd.s32 s29, v1;
	v11 =	vld.idx.msk [tilespmem:v12+s14+$0x0], $0xffff  }
0x22d: {  	s30 =	simm.s32 $0x7;
	v13 =	vand.u32 $0x7E, v13;
	v16 =	vld.idx.msk [tilespmem:v12+s15+$0x0], $0xffff  }
0x22e: {  	s25 =	simm.s32 $0x8;
	v22 =	vadd.s32 s30, v1;
	v12 =	vld.idx.msk [tilespmem:v18+s14+$0x0], $0xffff;
	v18 =	vor.u32 v4, v13;
	v15 =	vmul.f32 v17, v15  }
0x22f: {  	v24 =	vimm.f32 $0.0e+00;
	v25 =	vadd.s32 s25, v1;
	v17 =	vand.u32 $0x7F, v22;
	v13 =	vld.idx.msk [tilespmem:v20+s14+$0x0], $0xffff  }
0x230: {  	s31 =	simm.s32 $0x9;
	v23 =	vmul.f32 v23, v21;
	v20 =	vld.idx.msk [tilespmem:v20+s15+$0x0], $0xffff;
	v17 =	vor.u32 v4, v17;
	v22 =	vadd.f32 v15, v24  }
0x231: {  	s26 =	simm.s32 $0xC;
	v21 =	vadd.s32 s31, v1;
	v24 =	vand.u32 $0x7C, v25;
	v15 =	vld.idx.msk [tilespmem:v14+s14+$0x0], $0xffff  }
.LBB2_25:
0x232: {  	p0 =	sne.s32 s26, $0x7C;
	v24 =	vor.u32 v4, v24;
	s28 =	sadd.s32 $0x2, s25;
	v25 =	vld.idx.msk [tilespmem:v14+s15+$0x0], $0xffff;
	v22 =	vadd.f32 v23, v22;
	v23 =	vmul.f32 v16, v11  }
0x233: {  	v14 =	vand.u32 $0x7D, v21;
	v21 =	vadd.s32 s28, v1;
	v11 =	vld.idx.msk [tilespmem:v18+s14+$0x0], $0xffff  }
0x234: {  	v14 =	vor.u32 v4, v14;
	s28 =	sadd.s32 $0x3, s25;
	s25 =	smov.u32 s26;
	v16 =	vld.idx.msk [tilespmem:v18+s15+$0x0], $0xffff;
	v22 =	vadd.f32 v23, v22;
	v23 =	vmul.f32 v19, v12  }
.Ltmp11:
0x235: {  	v18 =	vand.u32 $0x7E, v21;
	v21 =	vadd.s32 s28, v1;
	v12 =	vld.idx.msk [tilespmem:v17+s14+$0x0], $0xffff;
	(pc) =	sbr.rel @p0 .LBB2_25-.Ltmp11, $4  }
0x236: {  	v18 =	vor.u32 v4, v18;
	v26 =	vmul.f32 v20, v13;
	v19 =	vld.idx.msk [tilespmem:v17+s15+$0x0], $0xffff;
	v22 =	vadd.f32 v23, v22  }
0x237: {  	v27 =	vadd.s32 s26, v1;
	v17 =	vand.u32 $0x7F, v21;
	v13 =	vld.idx.msk [tilespmem:v24+s14+$0x0], $0xffff  }
0x238: {  	s28 =	sadd.s32 $0x1, s26;
	v17 =	vor.u32 v4, v17;
	v23 =	vmul.f32 v25, v15;
	v20 =	vld.idx.msk [tilespmem:v24+s15+$0x0], $0xffff;
	v22 =	vadd.f32 v26, v22  }
0x239: {  	s26 =	sadd.s32 $0x4, s26;
	v21 =	vadd.s32 s28, v1;
	v24 =	vand.u32 $0x7C, v27;
	v15 =	vld.idx.msk [tilespmem:v14+s14+$0x0], $0xffff  }
0x23a: {  	_ =	sdelay $0x2  }
0x23b: {  	v22 =	vadd.f32 v23, v22;
	v11 =	vmul.f32 v16, v11  }
0x23c: {  	v16 =	vor.u32 v4, v24;
	v14 =	vld.idx.msk [tilespmem:v14+s15+$0x0], $0xffff  }
0x23d: {  	s26 =	sadd.s32 $0x2, s25;
	v21 =	vand.u32 $0x7D, v21;
	v23 =	vld.idx.msk [tilespmem:v18+s14+$0x0], $0xffff;
	v12 =	vmul.f32 v19, v12;
	v11 =	vadd.f32 v11, v22  }
0x23e: {  	v18 =	vld.idx.msk [tilespmem:v18+s15+$0x0], $0xffff;
	v19 =	vadd.s32 s26, v1;
	v21 =	vor.u32 v4, v21  }
0x23f: {  	v19 =	vand.u32 $0x7E, v19;
	v22 =	vld.idx.msk [tilespmem:v17+s14+$0x0], $0xffff;
	v13 =	vmul.f32 v20, v13;
	v11 =	vadd.f32 v12, v11  }
0x240: {  	s26 =	sadd.s32 $0x3, s25;
	v17 =	vld.idx.msk [tilespmem:v17+s15+$0x0], $0xffff;
	v12 =	vor.u32 v4, v19  }
0x241: {  	v19 =	vadd.s32 s26, v1;
	v20 =	vld.idx.msk [tilespmem:v16+s14+$0x0], $0xffff;
	v11 =	vadd.f32 v13, v11;
	v13 =	vmul.f32 v14, v15  }
0x242: {  	v14 =	vand.u32 $0x7F, v19;
	v15 =	vld.idx.msk [tilespmem:v16+s15+$0x0], $0xffff  }
0x243: {  	v16 =	vld.idx.msk [tilespmem:v21+s14+$0x0], $0xffff;
	v14 =	vor.u32 v4, v14;
	v11 =	vadd.f32 v13, v11;
	v13 =	vmul.f32 v18, v23  }
0x244: {  	v18 =	vld.idx.msk [tilespmem:v21+s15+$0x0], $0xffff  }
0x245: {  	v19 =	vld.idx.msk [tilespmem:v12+s14+$0x0], $0xffff;
	v11 =	vadd.f32 v13, v11;
	v13 =	vmul.f32 v17, v22  }
0x246: {  	v12 =	vld.idx.msk [tilespmem:v12+s15+$0x0], $0xffff  }
0x247: {  	v15 =	vmul.f32 v15, v20;
	v11 =	vadd.f32 v13, v11  }
0x248: {  	v13 =	vld.idx.msk [tilespmem:v14+s14+$0x0], $0xffff  }
0x249: {  	v14 =	vld.idx.msk [tilespmem:v14+s15+$0x0], $0xffff;
	v11 =	vadd.f32 v15, v11;
	v15 =	vmul.f32 v18, v16;
	_ =	sdelay $0x1  }
0x24a: {  	s28 =	simm.s32 $0x0;
	v12 =	vmul.f32 v12, v19;
	v11 =	vadd.f32 v15, v11  }
0x24b: {  	v15 =	vadd.s32 s28, v1  }
0x24c: {  	s29 =	simm.s32 $0x1;
	v11 =	vadd.f32 v12, v11;
	v12 =	vand.u32 $0x7C, v15  }
0x24d: {  	v13 =	vmul.f32 v14, v13;
	v14 =	vadd.s32 s29, v1;
	v12 =	vor.u32 v5, v12  }
0x24e: {  	s31 =	simm.s32 $0x3;
	v14 =	vand.u32 $0x7D, v14  }
0x24f: {  	s30 =	simm.s32 $0x2;
	v15 =	vadd.s32 s31, v1;
	v14 =	vor.u32 v5, v14;
	v11 =	vadd.f32 v13, v11  }
0x250: {  	v15 =	vand.u32 $0x7F, v15;
	v13 =	vadd.s32 s30, v1  }
0x251: {  	v19 =	vor.u32 v5, v15;
	v13 =	vand.u32 $0x7E, v13;
	[tilespmem:$0x10430] =	vst v11  }
0x252: {  	s26 =	simm.s32 $0x4;
	v13 =	vor.u32 v5, v13;
	v16 =	vld.idx.msk [tilespmem:v12+s14+$0x0], $0xffff  }
0x253: {  	v17 =	vadd.s32 s26, v1;
	v18 =	vld.idx.msk [tilespmem:v12+s15+$0x0], $0xffff  }
0x254: {  	s28 =	simm.s32 $0x5;
	v12 =	vand.u32 $0x7C, v17;
	v22 =	vld.idx.msk [tilespmem:v14+s14+$0x0], $0xffff  }
0x255: {  	v15 =	vadd.s32 s28, v1;
	v24 =	vld.idx.msk [tilespmem:v14+s15+$0x0], $0xffff;
	v21 =	vor.u32 v5, v12  }
0x256: {  	s29 =	simm.s32 $0x6;
	v14 =	vand.u32 $0x7D, v15;
	v20 =	vld.idx.msk [tilespmem:v19+s15+$0x0], $0xffff  }
0x257: {  	v15 =	vor.u32 v5, v14;
	v14 =	vadd.s32 s29, v1;
	v12 =	vld.idx.msk [tilespmem:v13+s14+$0x0], $0xffff  }
0x258: {  	s30 =	simm.s32 $0x7;
	v14 =	vand.u32 $0x7E, v14;
	v17 =	vld.idx.msk [tilespmem:v13+s15+$0x0], $0xffff  }
0x259: {  	s25 =	simm.s32 $0x8;
	v23 =	vadd.s32 s30, v1;
	v13 =	vld.idx.msk [tilespmem:v19+s14+$0x0], $0xffff;
	v19 =	vor.u32 v5, v14;
	v16 =	vmul.f32 v18, v16  }
0x25a: {  	v25 =	vimm.f32 $0.0e+00;
	v26 =	vadd.s32 s25, v1;
	v18 =	vand.u32 $0x7F, v23;
	v14 =	vld.idx.msk [tilespmem:v21+s14+$0x0], $0xffff  }
0x25b: {  	s31 =	simm.s32 $0x9;
	v24 =	vmul.f32 v24, v22;
	v21 =	vld.idx.msk [tilespmem:v21+s15+$0x0], $0xffff;
	v18 =	vor.u32 v5, v18;
	v23 =	vadd.f32 v16, v25  }
0x25c: {  	s26 =	simm.s32 $0xC;
	v22 =	vadd.s32 s31, v1;
	v25 =	vand.u32 $0x7C, v26;
	v16 =	vld.idx.msk [tilespmem:v15+s14+$0x0], $0xffff  }
.LBB2_27:
0x25d: {  	p0 =	sne.s32 s26, $0x7C;
	v25 =	vor.u32 v5, v25;
	s28 =	sadd.s32 $0x2, s25;
	v26 =	vld.idx.msk [tilespmem:v15+s15+$0x0], $0xffff;
	v23 =	vadd.f32 v24, v23;
	v24 =	vmul.f32 v17, v12  }
0x25e: {  	v15 =	vand.u32 $0x7D, v22;
	v22 =	vadd.s32 s28, v1;
	v12 =	vld.idx.msk [tilespmem:v19+s14+$0x0], $0xffff  }
0x25f: {  	v15 =	vor.u32 v5, v15;
	s28 =	sadd.s32 $0x3, s25;
	s25 =	smov.u32 s26;
	v17 =	vld.idx.msk [tilespmem:v19+s15+$0x0], $0xffff;
	v23 =	vadd.f32 v24, v23;
	v24 =	vmul.f32 v20, v13  }
.Ltmp12:
0x260: {  	v19 =	vand.u32 $0x7E, v22;
	v22 =	vadd.s32 s28, v1;
	v13 =	vld.idx.msk [tilespmem:v18+s14+$0x0], $0xffff;
	(pc) =	sbr.rel @p0 .LBB2_27-.Ltmp12, $4  }
0x261: {  	v19 =	vor.u32 v5, v19;
	v27 =	vmul.f32 v21, v14;
	v20 =	vld.idx.msk [tilespmem:v18+s15+$0x0], $0xffff;
	v23 =	vadd.f32 v24, v23  }
0x262: {  	v28 =	vadd.s32 s26, v1;
	v18 =	vand.u32 $0x7F, v22;
	v14 =	vld.idx.msk [tilespmem:v25+s14+$0x0], $0xffff  }
0x263: {  	s28 =	sadd.s32 $0x1, s26;
	v18 =	vor.u32 v5, v18;
	v24 =	vmul.f32 v26, v16;
	v21 =	vld.idx.msk [tilespmem:v25+s15+$0x0], $0xffff;
	v23 =	vadd.f32 v27, v23  }
0x264: {  	s26 =	sadd.s32 $0x4, s26;
	v22 =	vadd.s32 s28, v1;
	v25 =	vand.u32 $0x7C, v28;
	v16 =	vld.idx.msk [tilespmem:v15+s14+$0x0], $0xffff  }
0x265: {  	_ =	sdelay $0x2  }
0x266: {  	v23 =	vadd.f32 v24, v23;
	v12 =	vmul.f32 v17, v12  }
0x267: {  	v17 =	vor.u32 v5, v25;
	v15 =	vld.idx.msk [tilespmem:v15+s15+$0x0], $0xffff  }
0x268: {  	s26 =	sadd.s32 $0x2, s25;
	v22 =	vand.u32 $0x7D, v22;
	v24 =	vld.idx.msk [tilespmem:v19+s14+$0x0], $0xffff;
	v13 =	vmul.f32 v20, v13;
	v12 =	vadd.f32 v12, v23  }
0x269: {  	v19 =	vld.idx.msk [tilespmem:v19+s15+$0x0], $0xffff;
	v20 =	vadd.s32 s26, v1;
	v22 =	vor.u32 v5, v22  }
0x26a: {  	v20 =	vand.u32 $0x7E, v20;
	v23 =	vld.idx.msk [tilespmem:v18+s14+$0x0], $0xffff;
	v14 =	vmul.f32 v21, v14;
	v12 =	vadd.f32 v13, v12  }
0x26b: {  	s26 =	sadd.s32 $0x3, s25;
	v18 =	vld.idx.msk [tilespmem:v18+s15+$0x0], $0xffff;
	v13 =	vor.u32 v5, v20  }
0x26c: {  	v20 =	vadd.s32 s26, v1;
	v21 =	vld.idx.msk [tilespmem:v17+s14+$0x0], $0xffff;
	v12 =	vadd.f32 v14, v12;
	v14 =	vmul.f32 v15, v16  }
0x26d: {  	v15 =	vand.u32 $0x7F, v20;
	v16 =	vld.idx.msk [tilespmem:v17+s15+$0x0], $0xffff  }
0x26e: {  	v17 =	vld.idx.msk [tilespmem:v22+s14+$0x0], $0xffff;
	v15 =	vor.u32 v5, v15;
	v12 =	vadd.f32 v14, v12;
	v14 =	vmul.f32 v19, v24  }
0x26f: {  	v19 =	vld.idx.msk [tilespmem:v22+s15+$0x0], $0xffff  }
0x270: {  	v20 =	vld.idx.msk [tilespmem:v13+s14+$0x0], $0xffff;
	v12 =	vadd.f32 v14, v12;
	v14 =	vmul.f32 v18, v23  }
0x271: {  	v13 =	vld.idx.msk [tilespmem:v13+s15+$0x0], $0xffff  }
0x272: {  	v16 =	vmul.f32 v16, v21;
	v12 =	vadd.f32 v14, v12  }
0x273: {  	v14 =	vld.idx.msk [tilespmem:v15+s14+$0x0], $0xffff  }
0x274: {  	v15 =	vld.idx.msk [tilespmem:v15+s15+$0x0], $0xffff;
	v12 =	vadd.f32 v16, v12;
	v16 =	vmul.f32 v19, v17;
	_ =	sdelay $0x1  }
0x275: {  	s28 =	simm.s32 $0x0;
	v13 =	vmul.f32 v13, v20;
	v12 =	vadd.f32 v16, v12  }
0x276: {  	v16 =	vadd.s32 s28, v1  }
0x277: {  	s29 =	simm.s32 $0x1;
	v12 =	vadd.f32 v13, v12;
	v13 =	vand.u32 $0x7C, v16  }
0x278: {  	v14 =	vmul.f32 v15, v14;
	v15 =	vadd.s32 s29, v1;
	v13 =	vor.u32 v6, v13  }
0x279: {  	s31 =	simm.s32 $0x3;
	v15 =	vand.u32 $0x7D, v15  }
0x27a: {  	s30 =	simm.s32 $0x2;
	v16 =	vadd.s32 s31, v1;
	v15 =	vor.u32 v6, v15;
	v12 =	vadd.f32 v14, v12  }
0x27b: {  	v16 =	vand.u32 $0x7F, v16;
	v14 =	vadd.s32 s30, v1  }
0x27c: {  	v20 =	vor.u32 v6, v16;
	v14 =	vand.u32 $0x7E, v14;
	[tilespmem:$0x10440] =	vst v12  }
0x27d: {  	s26 =	simm.s32 $0x4;
	v14 =	vor.u32 v6, v14;
	v17 =	vld.idx.msk [tilespmem:v13+s14+$0x0], $0xffff  }
0x27e: {  	v18 =	vadd.s32 s26, v1;
	v19 =	vld.idx.msk [tilespmem:v13+s15+$0x0], $0xffff  }
0x27f: {  	s28 =	simm.s32 $0x5;
	v13 =	vand.u32 $0x7C, v18;
	v23 =	vld.idx.msk [tilespmem:v15+s14+$0x0], $0xffff  }
0x280: {  	v16 =	vadd.s32 s28, v1;
	v25 =	vld.idx.msk [tilespmem:v15+s15+$0x0], $0xffff;
	v22 =	vor.u32 v6, v13  }
0x281: {  	s29 =	simm.s32 $0x6;
	v15 =	vand.u32 $0x7D, v16;
	v21 =	vld.idx.msk [tilespmem:v20+s15+$0x0], $0xffff  }
0x282: {  	v16 =	vor.u32 v6, v15;
	v15 =	vadd.s32 s29, v1;
	v13 =	vld.idx.msk [tilespmem:v14+s14+$0x0], $0xffff  }
0x283: {  	s30 =	simm.s32 $0x7;
	v15 =	vand.u32 $0x7E, v15;
	v18 =	vld.idx.msk [tilespmem:v14+s15+$0x0], $0xffff  }
0x284: {  	s25 =	simm.s32 $0x8;
	v24 =	vadd.s32 s30, v1;
	v14 =	vld.idx.msk [tilespmem:v20+s14+$0x0], $0xffff;
	v20 =	vor.u32 v6, v15;
	v17 =	vmul.f32 v19, v17  }
0x285: {  	v26 =	vimm.f32 $0.0e+00;
	v27 =	vadd.s32 s25, v1;
	v19 =	vand.u32 $0x7F, v24;
	v15 =	vld.idx.msk [tilespmem:v22+s14+$0x0], $0xffff  }
0x286: {  	s31 =	simm.s32 $0x9;
	v25 =	vmul.f32 v25, v23;
	v22 =	vld.idx.msk [tilespmem:v22+s15+$0x0], $0xffff;
	v19 =	vor.u32 v6, v19;
	v24 =	vadd.f32 v17, v26  }
0x287: {  	s26 =	simm.s32 $0xC;
	v23 =	vadd.s32 s31, v1;
	v26 =	vand.u32 $0x7C, v27;
	v17 =	vld.idx.msk [tilespmem:v16+s14+$0x0], $0xffff  }
.LBB2_29:
0x288: {  	p0 =	sne.s32 s26, $0x7C;
	v26 =	vor.u32 v6, v26;
	s28 =	sadd.s32 $0x2, s25;
	v27 =	vld.idx.msk [tilespmem:v16+s15+$0x0], $0xffff;
	v24 =	vadd.f32 v25, v24;
	v25 =	vmul.f32 v18, v13  }
0x289: {  	v16 =	vand.u32 $0x7D, v23;
	v23 =	vadd.s32 s28, v1;
	v13 =	vld.idx.msk [tilespmem:v20+s14+$0x0], $0xffff  }
0x28a: {  	v16 =	vor.u32 v6, v16;
	s28 =	sadd.s32 $0x3, s25;
	s25 =	smov.u32 s26;
	v18 =	vld.idx.msk [tilespmem:v20+s15+$0x0], $0xffff;
	v24 =	vadd.f32 v25, v24;
	v25 =	vmul.f32 v21, v14  }
.Ltmp13:
0x28b: {  	v20 =	vand.u32 $0x7E, v23;
	v23 =	vadd.s32 s28, v1;
	v14 =	vld.idx.msk [tilespmem:v19+s14+$0x0], $0xffff;
	(pc) =	sbr.rel @p0 .LBB2_29-.Ltmp13, $4  }
0x28c: {  	v20 =	vor.u32 v6, v20;
	v28 =	vmul.f32 v22, v15;
	v21 =	vld.idx.msk [tilespmem:v19+s15+$0x0], $0xffff;
	v24 =	vadd.f32 v25, v24  }
0x28d: {  	v29 =	vadd.s32 s26, v1;
	v19 =	vand.u32 $0x7F, v23;
	v15 =	vld.idx.msk [tilespmem:v26+s14+$0x0], $0xffff  }
0x28e: {  	s28 =	sadd.s32 $0x1, s26;
	v19 =	vor.u32 v6, v19;
	v25 =	vmul.f32 v27, v17;
	v22 =	vld.idx.msk [tilespmem:v26+s15+$0x0], $0xffff;
	v24 =	vadd.f32 v28, v24  }
0x28f: {  	s26 =	sadd.s32 $0x4, s26;
	v23 =	vadd.s32 s28, v1;
	v26 =	vand.u32 $0x7C, v29;
	v17 =	vld.idx.msk [tilespmem:v16+s14+$0x0], $0xffff  }
0x290: {  	_ =	sdelay $0x2  }
0x291: {  	v24 =	vadd.f32 v25, v24;
	v13 =	vmul.f32 v18, v13  }
0x292: {  	v18 =	vor.u32 v6, v26;
	v16 =	vld.idx.msk [tilespmem:v16+s15+$0x0], $0xffff  }
0x293: {  	s26 =	sadd.s32 $0x2, s25;
	v23 =	vand.u32 $0x7D, v23;
	v25 =	vld.idx.msk [tilespmem:v20+s14+$0x0], $0xffff;
	v14 =	vmul.f32 v21, v14;
	v13 =	vadd.f32 v13, v24  }
0x294: {  	v20 =	vld.idx.msk [tilespmem:v20+s15+$0x0], $0xffff;
	v21 =	vadd.s32 s26, v1;
	v23 =	vor.u32 v6, v23  }
0x295: {  	v21 =	vand.u32 $0x7E, v21;
	v24 =	vld.idx.msk [tilespmem:v19+s14+$0x0], $0xffff;
	v15 =	vmul.f32 v22, v15;
	v13 =	vadd.f32 v14, v13  }
0x296: {  	s26 =	sadd.s32 $0x3, s25;
	v19 =	vld.idx.msk [tilespmem:v19+s15+$0x0], $0xffff;
	v14 =	vor.u32 v6, v21  }
0x297: {  	v21 =	vadd.s32 s26, v1;
	v22 =	vld.idx.msk [tilespmem:v18+s14+$0x0], $0xffff;
	v13 =	vadd.f32 v15, v13;
	v15 =	vmul.f32 v16, v17  }
0x298: {  	v16 =	vand.u32 $0x7F, v21;
	v17 =	vld.idx.msk [tilespmem:v18+s15+$0x0], $0xffff  }
0x299: {  	v18 =	vld.idx.msk [tilespmem:v23+s14+$0x0], $0xffff;
	v16 =	vor.u32 v6, v16;
	v13 =	vadd.f32 v15, v13;
	v15 =	vmul.f32 v20, v25  }
0x29a: {  	v20 =	vld.idx.msk [tilespmem:v23+s15+$0x0], $0xffff  }
0x29b: {  	v21 =	vld.idx.msk [tilespmem:v14+s14+$0x0], $0xffff;
	v13 =	vadd.f32 v15, v13;
	v15 =	vmul.f32 v19, v24  }
0x29c: {  	v14 =	vld.idx.msk [tilespmem:v14+s15+$0x0], $0xffff  }
0x29d: {  	v17 =	vmul.f32 v17, v22;
	v13 =	vadd.f32 v15, v13  }
0x29e: {  	v15 =	vld.idx.msk [tilespmem:v16+s14+$0x0], $0xffff  }
0x29f: {  	v16 =	vld.idx.msk [tilespmem:v16+s15+$0x0], $0xffff;
	v13 =	vadd.f32 v17, v13;
	v17 =	vmul.f32 v20, v18;
	_ =	sdelay $0x1  }
0x2a0: {  	s28 =	simm.s32 $0x0;
	v14 =	vmul.f32 v14, v21;
	v13 =	vadd.f32 v17, v13  }
0x2a1: {  	v17 =	vadd.s32 s28, v1  }
0x2a2: {  	s29 =	simm.s32 $0x1;
	v13 =	vadd.f32 v14, v13;
	v14 =	vand.u32 $0x7C, v17  }
0x2a3: {  	v15 =	vmul.f32 v16, v15;
	v16 =	vadd.s32 s29, v1;
	v14 =	vor.u32 v7, v14  }
0x2a4: {  	s30 =	simm.s32 $0x2;
	v16 =	vand.u32 $0x7D, v16  }
0x2a5: {  	v16 =	vor.u32 v7, v16;
	v13 =	vadd.f32 v15, v13;
	v15 =	vadd.s32 s30, v1  }
0x2a6: {  	s31 =	simm.s32 $0x3;
	v15 =	vand.u32 $0x7E, v15  }
0x2a7: {  	v17 =	vadd.s32 s31, v1;
	[tilespmem:$0x10450] =	vst v13;
	v15 =	vor.u32 v7, v15  }
0x2a8: {  	s26 =	simm.s32 $0x4;
	v17 =	vand.u32 $0x7F, v17;
	v18 =	vld.idx.msk [tilespmem:v14+s14+$0x0], $0xffff  }
0x2a9: {  	v19 =	vadd.s32 s26, v1;
	v22 =	vor.u32 v7, v17;
	v21 =	vld.idx.msk [tilespmem:v14+s15+$0x0], $0xffff  }
0x2aa: {  	s28 =	simm.s32 $0x5;
	v14 =	vand.u32 $0x7C, v19;
	v24 =	vld.idx.msk [tilespmem:v16+s14+$0x0], $0xffff  }
0x2ab: {  	v17 =	vadd.s32 s28, v1;
	v26 =	vld.idx.msk [tilespmem:v16+s15+$0x0], $0xffff;
	v19 =	vor.u32 v7, v14  }
0x2ac: {  	s29 =	simm.s32 $0x6;
	v16 =	vand.u32 $0x7D, v17;
	v14 =	vld.idx.msk [tilespmem:v15+s14+$0x0], $0xffff  }
0x2ad: {  	v17 =	vor.u32 v7, v16;
	v16 =	vadd.s32 s29, v1;
	v20 =	vld.idx.msk [tilespmem:v15+s15+$0x0], $0xffff  }
0x2ae: {  	s30 =	simm.s32 $0x7;
	v16 =	vand.u32 $0x7E, v16;
	v15 =	vld.idx.msk [tilespmem:v22+s14+$0x0], $0xffff  }
0x2af: {  	s25 =	simm.s32 $0x8;
	v23 =	vadd.s32 s30, v1;
	v22 =	vld.idx.msk [tilespmem:v22+s15+$0x0], $0xffff;
	v18 =	vmul.f32 v21, v18;
	v21 =	vor.u32 v7, v16  }
0x2b0: {  	v28 =	vadd.s32 s25, v1;
	v25 =	vimm.f32 $0.0e+00;
	v27 =	vand.u32 $0x7F, v23;
	v16 =	vld.idx.msk [tilespmem:v19+s14+$0x0], $0xffff  }
0x2b1: {  	s31 =	simm.s32 $0x9;
	v26 =	vmul.f32 v26, v24;
	v23 =	vld.idx.msk [tilespmem:v19+s15+$0x0], $0xffff;
	v19 =	vor.u32 v7, v27;
	v25 =	vadd.f32 v18, v25  }
0x2b2: {  	s26 =	simm.s32 $0xC;
	v24 =	vadd.s32 s31, v1;
	v27 =	vand.u32 $0x7C, v28;
	v18 =	vld.idx.msk [tilespmem:v17+s14+$0x0], $0xffff  }
.LBB2_31:
0x2b3: {  	p0 =	sne.s32 s26, $0x7C;
	v27 =	vor.u32 v7, v27;
	s28 =	sadd.s32 $0x2, s25;
	v28 =	vld.idx.msk [tilespmem:v17+s15+$0x0], $0xffff;
	v25 =	vadd.f32 v26, v25;
	v26 =	vmul.f32 v20, v14  }
0x2b4: {  	v17 =	vand.u32 $0x7D, v24;
	v24 =	vadd.s32 s28, v1;
	v14 =	vld.idx.msk [tilespmem:v21+s14+$0x0], $0xffff  }
0x2b5: {  	v17 =	vor.u32 v7, v17;
	s28 =	sadd.s32 $0x3, s25;
	s25 =	smov.u32 s26;
	v20 =	vld.idx.msk [tilespmem:v21+s15+$0x0], $0xffff;
	v25 =	vadd.f32 v26, v25;
	v26 =	vmul.f32 v22, v15  }
.Ltmp14:
0x2b6: {  	v21 =	vand.u32 $0x7E, v24;
	v24 =	vadd.s32 s28, v1;
	v15 =	vld.idx.msk [tilespmem:v19+s14+$0x0], $0xffff;
	(pc) =	sbr.rel @p0 .LBB2_31-.Ltmp14, $4  }
0x2b7: {  	v21 =	vor.u32 v7, v21;
	v29 =	vmul.f32 v23, v16;
	v22 =	vld.idx.msk [tilespmem:v19+s15+$0x0], $0xffff;
	v25 =	vadd.f32 v26, v25  }
0x2b8: {  	v30 =	vadd.s32 s26, v1;
	v19 =	vand.u32 $0x7F, v24;
	v16 =	vld.idx.msk [tilespmem:v27+s14+$0x0], $0xffff  }
0x2b9: {  	s28 =	sadd.s32 $0x1, s26;
	v19 =	vor.u32 v7, v19;
	v26 =	vmul.f32 v28, v18;
	v23 =	vld.idx.msk [tilespmem:v27+s15+$0x0], $0xffff;
	v25 =	vadd.f32 v29, v25  }
0x2ba: {  	s26 =	sadd.s32 $0x4, s26;
	v24 =	vadd.s32 s28, v1;
	v27 =	vand.u32 $0x7C, v30;
	v18 =	vld.idx.msk [tilespmem:v17+s14+$0x0], $0xffff  }
0x2bb: {  	_ =	sdelay $0x2  }
0x2bc: {  	v25 =	vadd.f32 v26, v25;
	v14 =	vmul.f32 v20, v14  }
0x2bd: {  	v20 =	vor.u32 v7, v27;
	v17 =	vld.idx.msk [tilespmem:v17+s15+$0x0], $0xffff  }
0x2be: {  	s26 =	sadd.s32 $0x2, s25;
	v24 =	vand.u32 $0x7D, v24;
	v62 =	vld.idx.msk [tilespmem:v21+s14+$0x0], $0xffff;
	v15 =	vmul.f32 v22, v15;
	v14 =	vadd.f32 v14, v25  }
0x2bf: {  	v21 =	vld.idx.msk [tilespmem:v21+s15+$0x0], $0xffff;
	v22 =	vadd.s32 s26, v1;
	v24 =	vor.u32 v7, v24  }
0x2c0: {  	v63 =	vld.idx.msk [tilespmem:v19+s14+$0x0], $0xffff;
	s26 =	sadd.s32 $0x3, s25;
	v22 =	vand.u32 $0x7E, v22;
	v16 =	vmul.f32 v23, v16;
	v14 =	vadd.f32 v15, v14  }
0x2c1: {  	v19 =	vld.idx.msk [tilespmem:v19+s15+$0x0], $0xffff;
	v22 =	vor.u32 v7, v22;
	v15 =	vadd.s32 s26, v1  }
0x2c2: {  	v23 =	vld.idx.msk [tilespmem:v20+s14+$0x0], $0xffff;
	v15 =	vand.u32 $0x7F, v15;
	v14 =	vadd.f32 v16, v14;
	v16 =	vmul.f32 v17, v18  }
0x2c3: {  	v17 =	vld.idx.msk [tilespmem:v20+s15+$0x0], $0xffff;
	v15 =	vor.u32 v7, v15  }
0x2c4: {  	v18 =	vld.idx.msk [tilespmem:v24+s14+$0x0], $0xffff;
	v14 =	vadd.f32 v16, v14;
	v16 =	vmul.f32 v21, v62  }
0x2c5: {  	v20 =	vld.idx.msk [tilespmem:v24+s15+$0x0], $0xffff  }
0x2c6: {  	v21 =	vld.idx.msk [tilespmem:v22+s14+$0x0], $0xffff;
	v14 =	vadd.f32 v16, v14;
	v16 =	vmul.f32 v19, v63  }
0x2c7: {  	v8 =	vmul.f32 $1.442695020e+00, v8;
	v19 =	vld.idx.msk [tilespmem:v22+s15+$0x0], $0xffff  }
0x2c8: {  	v22 =	vld.idx.msk [tilespmem:v15+s14+$0x0], $0xffff;
	v17 =	vmul.f32 v17, v23;
	v14 =	vadd.f32 v16, v14  }
0x2c9: {  	(erf) = vpow2.f32 v8;
	v8 =	vmul.f32 $1.442695020e+00, v9;
	v15 =	vld.idx.msk [tilespmem:v15+s15+$0x0], $0xffff  }
0x2ca: {  	v9 =	vadd.f32 v17, v14;
	v14 =	vmul.f32 v20, v18  }
0x2cb: {  	(erf) = vpow2.f32 v8;
	v8 =	vmul.f32 $1.442695020e+00, v10  }
0x2cc: {  	v10 =	vmul.f32 v19, v21;
	v9 =	vadd.f32 v14, v9  }
0x2cd: {  	(erf) = vpow2.f32 v8;
	v8 =	vmul.f32 $1.442695020e+00, v11  }
0x2ce: {  	v9 =	vadd.f32 v10, v9;
	v10 =	vmul.f32 v15, v22  }
0x2cf: {  	(erf) = vpow2.f32 v8;
	v8 =	vmul.f32 $1.442695020e+00, v12  }
0x2d0: {  	v9 =	vadd.f32 v10, v9  }
0x2d1: {  	(erf) = vpow2.f32 v8;
	v8 =	vmul.f32 $1.442695020e+00, v13  }
0x2d2: {  	v9 =	vnsel vm0, $0xCE6E6B28, v9  }
0x2d3: {  	v10 =	vpop (erf);
	(erf) = vpow2.f32 v8;
	v8 =	vmul.f32 $1.442695020e+00, v9  }
0x2d4: {  	v11 =	vadd.f32 $0.0e+00, v10  }
0x2d5: {  	v9 =	vpop (erf)  }
0x2d6: {  	(erf) = vpow2.f32 v8;
	v11 =	vadd.f32 v9, v11  }
0x2d7: {  	v8 =	vpop (erf)  }
0x2d8: {  	v11 =	vadd.f32 v8, v11  }
0x2d9: {  	v12 =	vpop (erf)  }
0x2da: {  	v11 =	vadd.f32 v12, v11  }
0x2db: {  	v13 =	vpop (erf)  }
0x2dc: {  	v11 =	vadd.f32 v13, v11  }
0x2dd: {  	v14 =	vpop (erf)  }
0x2de: {  	v11 =	vadd.f32 v14, v11  }
0x2df: {  	v15 =	vpop (erf)  }
0x2e0: {  	v11 =	vadd.f32 v15, v11;
	_ =	sdelay $0x1  }
0x2e1: {  	(xrf2) =	vadd.scan.msk.f32 $0xffff, v11;
	_ =	sdelay $0x9  }
0x2e2: {  	v11, _, _ =	vpop (xrf2)  }
0x2e3: {  	v11 =	vadd.f32 $0.0e+00, v11;
	_ =	sdelay $0x1  }
0x2e4: {  	v11 =	vbroadcast v11, $0xF;
	_ =	sdelay $0x1  }
0x2e5: {  	(erf) = vrcp.f32 v11;
	_ =	sdelay $0x8  }
0x2e6: {  	v11 =	vpop (erf)  }
0x2e7: {  	v10 =	vmul.f32 v11, v10  }
0x2e8: {  	v9 =	vmul.f32 v11, v9  }
0x2e9: {  	v8 =	vmul.f32 v11, v8;
	[tilespmem:$0x10400] =	vst v10  }
0x2ea: {  	s28 =	simm.s32 $0x0;
	[tilespmem:$0x10410] =	vst v9;
	v9 =	vmul.f32 v11, v12  }
0x2eb: {  	[tilespmem:$0x10420] =	vst v8;
	v8 =	vmul.f32 v11, v13;
	v10 =	vmov s28  }
0x2ec: {  	[tilespmem:$0x10430] =	vst v9;
	v9 =	vmul.f32 v11, v14  }
0x2ed: {  	[tilespmem:$0x10440] =	vst v8;
	v8 =	vmul.f32 v11, v15  }
0x2ee: {  	[tilespmem:$0x10450] =	vst v9  }
0x2ef: {  	[tilespmem:$0x10460] =	vst v8  }
0x2f0: {  	s29 =	simm.s32 $0x6840;
	v17 =	vld.idx.msk [tilespmem:v10+s18+$0x0], $0xffff  }
0x2f1: {  	v8 =	vld [tilespmem:s29+$0x30]  }
0x2f2: {  	v9 =	vld [tilespmem:s29+$0xFFFFFFC0]  }
0x2f3: {  	v10 =	vld [tilespmem:s29+$0xFFFFFFD0]  }
0x2f4: {  	s30 =	simm.s32 $0x1;
	v13 =	vld [tilespmem:s29+$0xFFFFFFE0]  }
0x2f5: {  	v11 =	vmov s30;
	v14 =	vld [tilespmem:s29+$0xFFFFFFF0]  }
0x2f6: {  	v16 =	vld [tilespmem:s29+$0x0]  }
0x2f7: {  	v20 =	vld [tilespmem:s29+$0x10]  }
0x2f8: {  	s31 =	simm.s32 $0x2;
	v23 =	vld [tilespmem:s29+$0x20]  }
0x2f9: {  	v21 =	vmov s31;
	v15 =	vmul.f32 v9, v17  }
0x2fa: {  	s25 =	simm.s32 $0x68C0;
	v12 =	vimm.f32 $0.0e+00;
	v8 =	vmul.f32 v8, v17;
	v18 =	vmul.f32 v10, v17;
	v9 =	vld.idx.msk [tilespmem:v11+s18+$0x0], $0xffff  }
0x2fb: {  	v13 =	vmul.f32 v13, v17;
	v14 =	vmul.f32 v14, v17;
	v10 =	vadd.f32 v15, v12;
	v15 =	vld [tilespmem:s25+$0x30]  }
0x2fc: {  	v16 =	vmul.f32 v16, v17;
	v22 =	vmul.f32 v20, v17;
	v11 =	vadd.f32 v18, v12;
	v18 =	vld [tilespmem:s25+$0xFFFFFFC0]  }
0x2fd: {  	v19 =	vld [tilespmem:s25+$0xFFFFFFD0];
	v23 =	vmul.f32 v23, v17;
	v8 =	vadd.f32 v8, v12;
	v13 =	vadd.f32 v13, v12  }
0x2fe: {  	s26 =	simm.s32 $0x3;
	v20 =	vld [tilespmem:s25+$0xFFFFFFE0];
	v17 =	vimm.f32 $0.0e+00;
	v14 =	vadd.f32 v14, v12;
	v16 =	vadd.f32 v16, v12  }
.LBB2_33:
0x2ff: {  	p0 =	sne.s32 s26, $0x63;
	v24 =	vld [tilespmem:s25+$0xFFFFFFF0];
	v12 =	vadd.f32 v22, v12  }
0x300: {  	v22 =	vld [tilespmem:s25+$0x0];
	v15 =	vmul.f32 v15, v9;
	v17 =	vadd.f32 v23, v17;
	v23 =	vmov v9  }
0x301: {  	v18 =	vmul.f32 v18, v23;
	v25 =	vld [tilespmem:s25+$0x10]  }
0x302: {  	v19 =	vmul.f32 v19, v23;
	v26 =	vld [tilespmem:s25+$0x20];
	v8 =	vadd.f32 v15, v8  }
.Ltmp15:
0x303: {  	s25 =	sadd.s32 $0x80, s25;
	v9 =	vld.idx.msk [tilespmem:v21+s18+$0x0], $0xffff;
	v10 =	vadd.f32 v18, v10;
	v20 =	vmul.f32 v20, v23;
	(pc) =	sbr.rel @p0 .LBB2_33-.Ltmp15, $4  }
0x304: {  	v15 =	vld [tilespmem:s25+$0x30];
	v11 =	vadd.f32 v19, v11;
	v21 =	vmul.f32 v24, v23  }
0x305: {  	v18 =	vld [tilespmem:s25+$0xFFFFFFC0];
	v13 =	vadd.f32 v20, v13;
	v24 =	vmul.f32 v22, v23  }
0x306: {  	v19 =	vld [tilespmem:s25+$0xFFFFFFD0];
	v14 =	vadd.f32 v21, v14;
	v22 =	vmul.f32 v25, v23  }
0x307: {  	v21 =	vmov s26;
	s26 =	sadd.s32 $0x1, s26;
	v20 =	vld [tilespmem:s25+$0xFFFFFFE0];
	v16 =	vadd.f32 v24, v16;
	v23 =	vmul.f32 v26, v23  }
0x308: {  	v24 =	vld [tilespmem:s25+$0xFFFFFFF0]  }
0x309: {  	v25 =	vld [tilespmem:s25+$0x0]  }
0x30a: {  	v26 =	vld [tilespmem:s25+$0x10]  }
0x30b: {  	v27 =	vld [tilespmem:s25+$0x20]  }
0x30c: {  	v21 =	vld.idx.msk [tilespmem:v21+s18+$0x0], $0xffff;
	s31 =	sadd.s32 $0x80, s25  }
0x30d: {  	v28 =	vld [tilespmem:s31+$0xFFFFFFC0]  }
0x30e: {  	v29 =	vld [tilespmem:s31+$0xFFFFFFD0]  }
0x30f: {  	v12 =	vadd.f32 v22, v12;
	v45 =	vld [tilespmem:s31+$0xFFFFFFE0];
	v15 =	vmul.f32 v15, v9  }
0x310: {  	v17 =	vadd.f32 v23, v17;
	v54 =	vld [tilespmem:s31+$0x30];
	v18 =	vmul.f32 v18, v9;
	v19 =	vmul.f32 v19, v9  }
0x311: {  	v46 =	vld [tilespmem:s31+$0xFFFFFFF0];
	v8 =	vadd.f32 v15, v8;
	v20 =	vmul.f32 v20, v9;
	v47 =	vmul.f32 v24, v9  }
0x312: {  	v49 =	vld [tilespmem:s31+$0x0];
	v10 =	vadd.f32 v18, v10;
	v48 =	vmul.f32 v25, v9;
	v50 =	vmul.f32 v28, v21  }
0x313: {  	v53 =	vld [tilespmem:s31+$0x20];
	v11 =	vadd.f32 v19, v11;
	v55 =	vmul.f32 v26, v9;
	v52 =	vmul.f32 v29, v21  }
0x314: {  	s24 =	sshll.u32 s24, $0x7;
	v51 =	vld [tilespmem:s31+$0x10];
	v13 =	vadd.f32 v20, v13;
	v22 =	vmul.f32 v45, v21;
	v10 =	vadd.f32 v50, v10  }
0x315: {  	s24 =	sand.u32 $0x3FFFFF80, s24;
	v56 =	vmul.f32 v27, v9;
	v63 =	vmul.f32 v54, v21;
	v11 =	vadd.f32 v52, v11  }
0x316: {  	v23 =	vmul.f32 v46, v21;
	v14 =	vadd.f32 v47, v14;
	v13 =	vadd.f32 v22, v13;
	[tilespmem:s24+$0x10480] =	vst v10  }
0x317: {  	s23 =	sadd.s32 $0x1, s23;
	v57 =	vmul.f32 v49, v21;
	v16 =	vadd.f32 v48, v16;
	v8 =	vadd.f32 v63, v8;
	[tilespmem:s24+$0x10490] =	vst v11  }
0x318: {  	p0 =	sne.s32 s23, $0x40;
	v62 =	vmul.f32 v53, v21;
	v9 =	vadd.f32 v56, v17;
	v59 =	vadd.f32 v23, v14;
	[tilespmem:s24+$0x104A0] =	vst v13  }
.Ltmp16:
0x319: {  	v60 =	vmul.f32 v51, v21;
	v58 =	vadd.f32 v55, v12;
	v61 =	vadd.f32 v57, v16;
	[tilespmem:s24+$0x104F0] =	vst v8;
	(pc) =	sbr.rel @p0 .LBB2_2-.Ltmp16, $4  }
0x31a: {  	v9 =	vadd.f32 v62, v9;
	[tilespmem:s24+$0x104B0] =	vst v59  }
0x31b: {  	v10 =	vadd.f32 v60, v58;
	[tilespmem:s24+$0x104C0] =	vst v61  }
0x31c: {  	[tilespmem:s24+$0x104E0] =	vst v9  }
0x31d: {  	[tilespmem:s24+$0x104D0] =	vst v10  }
0x31e: {  	_ =	swait.ge [sflag:s16], $0x3200  }
0x31f: {  	[sflag:s16] =	ssyncset.done $0x0  }
0x320: {  	[sflag:s16] =	ssyncadd.s32 $0xFFFFCE00  }
0x321: {  	s22 =	sadd.s32 $0x1, s22;
	_ =	swait.ge [sflag:s17], $0x3200  }
0x322: {  	p0 =	sne.s32 s22, s9;
	[sflag:s17] =	ssyncset.done $0x0  }
.Ltmp17:
0x323: {  	[sflag:s17] =	ssyncadd.s32 $0xFFFFCE00;
	(pc) =	sbr.rel @p0 .LBB2_1-.Ltmp17, $4  }
0x324: {  	[hbm4b:s8+s3] =	stream.linear.scatter [tilespmem:s21], [sflag:$0x5], $0x4000, $0x38;
	[tilespmem:$0x14480] =	vst v63  }
0x325: {  	_ =	swait.ge [sflag:s10], $0x4000  }
0x326: {  	[sflag:s10] =	ssyncset.done $0x0  }
0x327: {  	[sflag:s10] =	ssyncadd.s32 $0xFFFFC000  }
0x328: {  	_ =	sfence.sel $0x180000  }
0x329: {  	[bflag:$0x0] =	sbarrier.arrive $0xFFFF  }
0x32a: {  	p0 =	sne.s32 s1, $0x0;
	_ =	strace $0x90000047  }
0x32b: {  	s0 =	sadd.s32 @!p0 $0x100000, s0;
	[bflag:$0x2] =	sbarrier.arrive $0xFFFF  }
0x32c: {  	[sflag:s0] =	ssyncadd.tile.s32 @!p0 $0x1;
	_ =	shalt  }
.Lfunc_end2:
_tile_overlayer_lowered:
.L_overlay_start_2:
0x32d: {  	(tag) =	ssettag $0x2  }
0x32e: {  	s0 =	rddreg [dreg:$0x0];
	s2 =	stileid.u32  }
0x32f: {  	s1 =	rddreg [dreg:$0x1];
	p0 =	sne.s32 s2, $0x0  }
0x330: {  	s3 =	rddreg [dreg:$0x2];
	[bflag:$0x3] =	sbarrier.arrive $0xFFFF;
	s2 =	simm.s32 @!p0 $0x1C05  }
0x331: {  	[timem:s3], [sflag:s2] =	dma.local @!p0 [hbm:s0], s1  }
0x332: {  	s0 =	simm.s32 @!p0 $0x5  }
0x333: {  	_ =	swait.ge @!p0 [sflag:s0], s1  }
0x334: {  	s1 =	ssub.s32 @!p0 $0x0, s1;
	[sflag:s0] =	ssyncset.done @!p0 $0x0  }
0x335: {  	[sflag:s0] =	ssyncadd.s32 @!p0 s1  }
0x336: {  	[bflag:$0x3] =	sbarrier.arrive $0xFFFF  }
0x337: {  	_ =	shalt  }

</sc_bundles>
